<compile_context>
chip_gen: v7x
topology: tpu7x:2x2x1
jax: 0.10.2.dev20260603
libtpu: 0.0.44.dev20260713+nightly
codegen_flags: <defaults>
</compile_context>

<pallas_src>
import functools

import jax
import jax.numpy as jnp
from jax.experimental import pallas as pl
from jax.experimental.pallas import tpu as pltpu
from jax.experimental.pallas import tpu_sc as plsc


def _router_body(hs_ref, gw_ref, logits_ref, l9_ref):
    l9 = jnp.dot(hs_ref[...], gw_ref[...], preferred_element_type=jnp.float32)
    E = gw_ref.shape[1] - 1
    logits_ref[...] = l9[:, :E]
    l9_ref[...] = l9


def _make_sc_gate(T, EP):
    E = EP - 1
    NW = 16
    ntok = T // NW
    mesh = plsc.VectorSubcoreMesh(core_axis_name="c", subcore_axis_name="s")

    @functools.partial(
        pl.kernel, mesh=mesh,
        compiler_params=pltpu.CompilerParams(needs_layout_passes=False),
        out_type=jax.ShapeDtypeStruct((T * EP,), jnp.float32),
        scratch_types=[pltpu.VMEM((ntok * EP,), jnp.float32),
                       pltpu.VMEM((ntok * EP,), jnp.float32)])
    def sc_gate(l9f_hbm, dwf_out, lv, dv):
        cid = jax.lax.axis_index("c")
        sid = jax.lax.axis_index("s")
        wid = sid * 2 + cid

        @pl.when(wid < NW)
        def _():
            _gate_work(l9f_hbm, dwf_out, lv, dv, wid)

    def _gate_work(l9f_hbm, dwf_out, lv, dv, wid):
        base = wid * ntok * EP
        pltpu.sync_copy(l9f_hbm.at[pl.ds(base, ntok * EP)], lv)
        lanes = jax.lax.broadcasted_iota(jnp.int32, (16,), 0)
        for c in range(ntok // 16):
            gx = [EP * (c * 16 + lanes) + e for e in range(EP)]
            v = [plsc.load_gather(lv, [gx[e]]) for e in range(EP)]
            mx = v[0]
            for e in range(1, E):
                mx = jnp.maximum(mx, v[e])
            ex = [jnp.exp(v[e] - mx) for e in range(E)]
            s = ex[0]
            for e in range(1, E):
                s = s + ex[e]
            rw = [ex[e] / s for e in range(E)]
            m1 = rw[0]
            for e in range(1, E):
                m1 = jnp.maximum(m1, rw[e])
            found = jnp.zeros((16,), jnp.bool_)
            sel0 = []
            for e in range(E):
                hit = jnp.logical_and(rw[e] == m1, jnp.logical_not(found))
                sel0.append(hit)
                found = jnp.logical_or(found, hit)
            r2 = [jnp.where(sel0[e], -1.0, rw[e]) for e in range(E)]
            m2 = r2[0]
            for e in range(1, E):
                m2 = jnp.maximum(m2, r2[e])
            found2 = jnp.zeros((16,), jnp.bool_)
            sel1 = []
            for e in range(E):
                hit = jnp.logical_and(r2[e] == m2, jnp.logical_not(found2))
                sel1.append(hit)
                found2 = jnp.logical_or(found2, hit)
            den = m1 + m2
            w0 = m1 / den
            w1 = m2 / den
            zero = jnp.zeros((16,), jnp.float32)
            for e in range(E):
                plsc.store_scatter(
                    dv, [gx[e]],
                    jnp.where(sel0[e], w0, jnp.where(sel1[e], w1, zero)))
            plsc.store_scatter(dv, [gx[E]], 1.0 / (1.0 + jnp.exp(-v[E])))
        pltpu.sync_copy(dv, dwf_out.at[pl.ds(base, ntok * EP)])

    return sc_gate


def _ffn_body(hs_ref, w0_ref, w1_ref, wo_ref, b0_ref, b1_ref, bo_ref, dw_ref,
              out_ref):
    e = pl.program_id(1)
    x = hs_ref[...].astype(jnp.bfloat16)
    h0 = jnp.dot(x, w0_ref[0], preferred_element_type=jnp.float32) + b0_ref[0]
    h1 = jnp.dot(x, w1_ref[0], preferred_element_type=jnp.float32) + b1_ref[0]
    inter = (h0 * jax.nn.sigmoid(h0) * h1).astype(jnp.bfloat16)
    out = jnp.dot(inter, wo_ref[0], preferred_element_type=jnp.float32) + bo_ref[0]
    lane = jax.lax.broadcasted_iota(jnp.int32, dw_ref.shape, 1)
    wcol = jnp.sum(jnp.where(lane == e, dw_ref[...], 0.0), axis=1, keepdims=True)
    contrib = out * wcol

    @pl.when(e == 0)
    def _():
        out_ref[...] = contrib

    @pl.when(e > 0)
    def _():
        out_ref[...] += contrib


def kernel(hidden_states, gate_w, W0, b0, W1, b1, Wo, bo, sW0, sb0, sW1, sb1,
           sWo, sbo, sg_w):
    b_, s_, h_ = hidden_states.shape
    T = b_ * s_
    E = gate_w.shape[1]
    I = W0.shape[2]
    EP = E + 1
    hs2 = hidden_states.reshape(T, h_)
    gwcat = jnp.concatenate([gate_w, sg_w], axis=1)

    logits, l9 = pl.pallas_call(
        _router_body,
        out_shape=[
            jax.ShapeDtypeStruct((T, E), jnp.float32),
            jax.ShapeDtypeStruct((T, EP), jnp.float32),
        ],
    )(hs2, gwcat)

    dw = _make_sc_gate(T, EP)(l9.reshape(T * EP)).reshape(T, EP)

    bf = jnp.bfloat16
    W0c = jnp.concatenate([W0, sW0[None]], axis=0).astype(bf)
    W1c = jnp.concatenate([W1, sW1[None]], axis=0).astype(bf)
    Woc = jnp.concatenate([Wo, sWo[None]], axis=0).astype(bf)
    b0c = jnp.concatenate([b0, sb0[None]], axis=0).reshape(EP, 1, I)
    b1c = jnp.concatenate([b1, sb1[None]], axis=0).reshape(EP, 1, I)
    boc = jnp.concatenate([bo, sbo[None]], axis=0).reshape(EP, 1, h_)

    Bm = 512
    grid = (T // Bm, EP)
    final = pl.pallas_call(
        _ffn_body,
        grid=grid,
        in_specs=[
            pl.BlockSpec((Bm, h_), lambda i, e: (i, 0)),
            pl.BlockSpec((1, h_, I), lambda i, e: (e, 0, 0)),
            pl.BlockSpec((1, h_, I), lambda i, e: (e, 0, 0)),
            pl.BlockSpec((1, I, h_), lambda i, e: (e, 0, 0)),
            pl.BlockSpec((1, 1, I), lambda i, e: (e, 0, 0)),
            pl.BlockSpec((1, 1, I), lambda i, e: (e, 0, 0)),
            pl.BlockSpec((1, 1, h_), lambda i, e: (e, 0, 0)),
            pl.BlockSpec((Bm, EP), lambda i, e: (i, 0)),
        ],
        out_specs=pl.BlockSpec((Bm, h_), lambda i, e: (i, 0)),
        out_shape=jax.ShapeDtypeStruct((T, h_), jnp.float32),
    )(hs2, W0c, W1c, Woc, b0c, b1c, boc, dw)

    return final.reshape(b_, s_, h_), logits

# --- scband reference (transcript-rebuilt; emitter-appended) ---
"""Pipeline reference for scband-moe-28561532519116 (READ-ONLY COPY).

The authoritative reference and input builder live on the scoring server;
editing this copy changes nothing except your own understanding.
"""

import jax, jax.numpy as jnp
import numpy as np

B, S, H = 1, 2048, 2048
E, K, I, SI = 8, 2, 512, 512

def setup_inputs(seed: int = 0) -> dict:
    key = jax.random.key(seed)
    ks = jax.random.split(key, 16)
    s = 0.02
    return {
        "hidden_states": jax.random.normal(ks[0], (B, S, H), jnp.float32),
        "gate_w": jax.random.normal(ks[1], (H, E), jnp.float32) * s,
        "W0": jax.random.normal(ks[2], (E, H, I), jnp.float32) * s,
        "b0": jax.random.normal(ks[3], (E, I), jnp.float32) * s,
        "W1": jax.random.normal(ks[4], (E, H, I), jnp.float32) * s,
        "b1": jax.random.normal(ks[5], (E, I), jnp.float32) * s,
        "Wo": jax.random.normal(ks[6], (E, I, H), jnp.float32) * s,
        "bo": jax.random.normal(ks[7], (E, H), jnp.float32) * s,
        "sW0": jax.random.normal(ks[8], (H, SI), jnp.float32) * s,
        "sb0": jax.random.normal(ks[9], (SI,), jnp.float32) * s,
        "sW1": jax.random.normal(ks[10], (H, SI), jnp.float32) * s,
        "sb1": jax.random.normal(ks[11], (SI,), jnp.float32) * s,
        "sWo": jax.random.normal(ks[12], (SI, H), jnp.float32) * s,
        "sbo": jax.random.normal(ks[13], (H,), jnp.float32) * s,
        "sg_w": jax.random.normal(ks[14], (H, 1), jnp.float32) * s,
    }

def reference(hidden_states, gate_w, W0, b0, W1, b1, Wo, bo, sW0, sb0, sW1, sb1, sWo, sbo, sg_w):
    b_, s_, h_ = hidden_states.shape
    hs = hidden_states.reshape(-1, h_)
    T = hs.shape[0]
    router_logits = hs @ gate_w
    rw = jax.nn.softmax(router_logits.astype(jnp.float32), axis=1)
    topw, sel = jax.lax.top_k(rw, K)
    topw = topw / jnp.sum(topw, axis=-1, keepdims=True)
    topw = topw.astype(hs.dtype)
    # dense [T, E] routing weight matrix (zero for unrouted experts) —
    # mathematically identical to the torch scatter/index_add formulation
    dense_w = jnp.zeros((T, E), hs.dtype).at[jnp.arange(T)[:, None], sel].add(topw)
    h0 = jnp.einsum('th,ehi->tei', hs, W0) + b0[None, :, :]
    h1 = jnp.einsum('th,ehi->tei', hs, W1) + b1[None, :, :]
    inter = jax.nn.silu(h0) * h1
    eo = jnp.einsum('tei,eih->teh', inter, Wo) + bo[None, :, :]
    final = jnp.sum(eo * dense_w[:, :, None], axis=1)
    # shared expert
    s0 = hs @ sW0 + sb0
    s1 = hs @ sW1 + sb1
    so = (jax.nn.silu(s0) * s1) @ sWo + sbo
    so = jax.nn.sigmoid(hs @ sg_w) * so
    final = final + so
    return final.reshape(b_, s_, h_), router_logits

if __name__ == "__main__":
    import jax
    _d = setup_inputs()
    print(jax.jit(kernel)(*tuple(_d.values())))

</pallas_src>

<mosaic_0001>
#map = affine_map<(d0, d1) -> (0)>
module attributes {stable_mosaic.version = 14 : i64} {
  func.func @sc_gate(%arg0: i32, %arg1: i32, %arg2: memref<18432xf32, #tpu.memory_space<hbm>>, %arg3: memref<18432xf32, #tpu.memory_space<hbm>>, %arg4: memref<1152xf32, #tpu.memory_space<vmem>>, %arg5: memref<1152xf32, #tpu.memory_space<vmem>>) attributes {dimension_semantics = [#tpu.dimension_semantics<core_parallel>, #tpu.dimension_semantics<subcore_parallel>], iteration_bounds = array<i64: 2, 16>, scalar_prefetch = 0 : i64, scratch_operands = 2 : i64, tpu.core_type = #tpu.core_type<sc_vector_subcore>, window_params = [{transform_indices = #map}, {transform_indices = #map}]} {
    %mul3A = arith.constant 2 : i32
    %mul3A_0 = arith.muli %arg1, %mul3A : i32
    %add3A = arith.addi %mul3A_0, %arg0 : i32
    %lt3A = arith.constant 16 : i32
    %lt3A_1 = arith.cmpi slt, %add3A, %lt3A : i32
    %convert_element_type3A = arith.extui %lt3A_1 : i1 to i32
    %cond3A = arith.constant 0 : i32
    %cond3A_2 = arith.cmpi ne, %convert_element_type3A, %cond3A : i32
    scf.if %cond3A_2 {
      %mul3A_3 = arith.constant 128 : i32
      %mul3A_4 = arith.muli %add3A, %mul3A_3 : i32
      %mul3A_5 = arith.constant 9 : i32
      %mul3A_6 = arith.muli %mul3A_4, %mul3A_5 : i32
      "tpu.region"() ({
        %run_scoped3A = tpu.sem_alloc : memref<!tpu.dma_semaphore, #tpu.memory_space<semaphore_mem>>
        %dma_start3A = tpu.memref_slice %arg2[%mul3A_6] : memref<18432xf32, #tpu.memory_space<hbm>> -> memref<1152xf32, #tpu.memory_space<hbm>>
        %dma_start3A_2242 = tpu.memref_slice %arg2[%mul3A_6] : memref<18432xf32, #tpu.memory_space<hbm>> -> memref<1152xf32, #tpu.memory_space<hbm>>
        tpu.enqueue_dma source(%dma_start3A_2242 : memref<1152xf32, #tpu.memory_space<hbm>>) target(%arg4 : memref<1152xf32, #tpu.memory_space<vmem>>) target_semaphore(%run_scoped3A : memref<!tpu.dma_semaphore, #tpu.memory_space<semaphore_mem>>)
        %dma_wait3A = tpu.memref_slice %arg2[%mul3A_6] : memref<18432xf32, #tpu.memory_space<hbm>> -> memref<1152xf32, #tpu.memory_space<hbm>>
        %dma_wait3A_2243 = tpu.memref_slice %arg2[%mul3A_6] : memref<18432xf32, #tpu.memory_space<hbm>> -> memref<1152xf32, #tpu.memory_space<hbm>>
        tpu.wait_dma2 semaphore(%run_scoped3A : memref<!tpu.dma_semaphore, #tpu.memory_space<semaphore_mem>>) src(%dma_wait3A_2243 : memref<1152xf32, #tpu.memory_space<hbm>>) dst(%arg4 : memref<1152xf32, #tpu.memory_space<vmem>>)
        tpu.yield
      }) : () -> ()
      %iota3A = tpu.iota {dimensions = array<i32: 0>} : vector<16xi32>
      %add3A_7 = arith.constant 0 : i32
      %add3A_8 = vector.broadcast %add3A_7 : i32 to vector<16xi32>
      %add3A_9 = arith.addi %add3A_8, %iota3A : vector<16xi32>
      %mul3A_10 = arith.constant 9 : i32
      %mul3A_11 = vector.broadcast %mul3A_10 : i32 to vector<16xi32>
      %mul3A_12 = arith.muli %mul3A_11, %add3A_9 : vector<16xi32>
      %add3A_13 = arith.constant 0 : i32
      %add3A_14 = vector.broadcast %add3A_13 : i32 to vector<16xi32>
      %add3A_15 = arith.addi %mul3A_12, %add3A_14 : vector<16xi32>
      %add3A_16 = arith.constant 0 : i32
      %add3A_17 = vector.broadcast %add3A_16 : i32 to vector<16xi32>
      %add3A_18 = arith.addi %add3A_17, %iota3A : vector<16xi32>
      %mul3A_19 = arith.constant 9 : i32
      %mul3A_20 = vector.broadcast %mul3A_19 : i32 to vector<16xi32>
      %mul3A_21 = arith.muli %mul3A_20, %add3A_18 : vector<16xi32>
      %add3A_22 = arith.constant 1 : i32
      %add3A_23 = vector.broadcast %add3A_22 : i32 to vector<16xi32>
      %add3A_24 = arith.addi %mul3A_21, %add3A_23 : vector<16xi32>
      %add3A_25 = arith.constant 0 : i32
      %add3A_26 = vector.broadcast %add3A_25 : i32 to vector<16xi32>
      %add3A_27 = arith.addi %add3A_26, %iota3A : vector<16xi32>
      %mul3A_28 = arith.constant 9 : i32
      %mul3A_29 = vector.broadcast %mul3A_28 : i32 to vector<16xi32>
      %mul3A_30 = arith.muli %mul3A_29, %add3A_27 : vector<16xi32>
      %add3A_31 = arith.constant 2 : i32
      %add3A_32 = vector.broadcast %add3A_31 : i32 to vector<16xi32>
      %add3A_33 = arith.addi %mul3A_30, %add3A_32 : vector<16xi32>
      %add3A_34 = arith.constant 0 : i32
      %add3A_35 = vector.broadcast %add3A_34 : i32 to vector<16xi32>
      %add3A_36 = arith.addi %add3A_35, %iota3A : vector<16xi32>
      %mul3A_37 = arith.constant 9 : i32
      %mul3A_38 = vector.broadcast %mul3A_37 : i32 to vector<16xi32>
      %mul3A_39 = arith.muli %mul3A_38, %add3A_36 : vector<16xi32>
      %add3A_40 = arith.constant 3 : i32
      %add3A_41 = vector.broadcast %add3A_40 : i32 to vector<16xi32>
      %add3A_42 = arith.addi %mul3A_39, %add3A_41 : vector<16xi32>
      %add3A_43 = arith.constant 0 : i32
      %add3A_44 = vector.broadcast %add3A_43 : i32 to vector<16xi32>
      %add3A_45 = arith.addi %add3A_44, %iota3A : vector<16xi32>
      %mul3A_46 = arith.constant 9 : i32
      %mul3A_47 = vector.broadcast %mul3A_46 : i32 to vector<16xi32>
      %mul3A_48 = arith.muli %mul3A_47, %add3A_45 : vector<16xi32>
      %add3A_49 = arith.constant 4 : i32
      %add3A_50 = vector.broadcast %add3A_49 : i32 to vector<16xi32>
      %add3A_51 = arith.addi %mul3A_48, %add3A_50 : vector<16xi32>
      %add3A_52 = arith.constant 0 : i32
      %add3A_53 = vector.broadcast %add3A_52 : i32 to vector<16xi32>
      %add3A_54 = arith.addi %add3A_53, %iota3A : vector<16xi32>
      %mul3A_55 = arith.constant 9 : i32
      %mul3A_56 = vector.broadcast %mul3A_55 : i32 to vector<16xi32>
      %mul3A_57 = arith.muli %mul3A_56, %add3A_54 : vector<16xi32>
      %add3A_58 = arith.constant 5 : i32
      %add3A_59 = vector.broadcast %add3A_58 : i32 to vector<16xi32>
      %add3A_60 = arith.addi %mul3A_57, %add3A_59 : vector<16xi32>
      %add3A_61 = arith.constant 0 : i32
      %add3A_62 = vector.broadcast %add3A_61 : i32 to vector<16xi32>
      %add3A_63 = arith.addi %add3A_62, %iota3A : vector<16xi32>
      %mul3A_64 = arith.constant 9 : i32
      %mul3A_65 = vector.broadcast %mul3A_64 : i32 to vector<16xi32>
      %mul3A_66 = arith.muli %mul3A_65, %add3A_63 : vector<16xi32>
      %add3A_67 = arith.constant 6 : i32
      %add3A_68 = vector.broadcast %add3A_67 : i32 to vector<16xi32>
      %add3A_69 = arith.addi %mul3A_66, %add3A_68 : vector<16xi32>
      %add3A_70 = arith.constant 0 : i32
      %add3A_71 = vector.broadcast %add3A_70 : i32 to vector<16xi32>
      %add3A_72 = arith.addi %add3A_71, %iota3A : vector<16xi32>
      %mul3A_73 = arith.constant 9 : i32
      %mul3A_74 = vector.broadcast %mul3A_73 : i32 to vector<16xi32>
      %mul3A_75 = arith.muli %mul3A_74, %add3A_72 : vector<16xi32>
      %add3A_76 = arith.constant 7 : i32
      %add3A_77 = vector.broadcast %add3A_76 : i32 to vector<16xi32>
      %add3A_78 = arith.addi %mul3A_75, %add3A_77 : vector<16xi32>
      %add3A_79 = arith.constant 0 : i32
      %add3A_80 = vector.broadcast %add3A_79 : i32 to vector<16xi32>
      %add3A_81 = arith.addi %add3A_80, %iota3A : vector<16xi32>
      %mul3A_82 = arith.constant 9 : i32
      %mul3A_83 = vector.broadcast %mul3A_82 : i32 to vector<16xi32>
      %mul3A_84 = arith.muli %mul3A_83, %add3A_81 : vector<16xi32>
      %add3A_85 = arith.constant 8 : i32
      %add3A_86 = vector.broadcast %add3A_85 : i32 to vector<16xi32>
      %add3A_87 = arith.addi %mul3A_84, %add3A_86 : vector<16xi32>
      %gather3A = tpu.vector_load_idx %arg4[%add3A_15] : memref<1152xf32, #tpu.memory_space<vmem>>[vector<16xi32>], vector<16xf32>,
      %gather3A_88 = tpu.vector_load_idx %arg4[%add3A_24] : memref<1152xf32, #tpu.memory_space<vmem>>[vector<16xi32>], vector<16xf32>,
      %gather3A_89 = tpu.vector_load_idx %arg4[%add3A_33] : memref<1152xf32, #tpu.memory_space<vmem>>[vector<16xi32>], vector<16xf32>,
      %gather3A_90 = tpu.vector_load_idx %arg4[%add3A_42] : memref<1152xf32, #tpu.memory_space<vmem>>[vector<16xi32>], vector<16xf32>,
      %gather3A_91 = tpu.vector_load_idx %arg4[%add3A_51] : memref<1152xf32, #tpu.memory_space<vmem>>[vector<16xi32>], vector<16xf32>,
      %gather3A_92 = tpu.vector_load_idx %arg4[%add3A_60] : memref<1152xf32, #tpu.memory_space<vmem>>[vector<16xi32>], vector<16xf32>,
      %gather3A_93 = tpu.vector_load_idx %arg4[%add3A_69] : memref<1152xf32, #tpu.memory_space<vmem>>[vector<16xi32>], vector<16xf32>,
      %gather3A_94 = tpu.vector_load_idx %arg4[%add3A_78] : memref<1152xf32, #tpu.memory_space<vmem>>[vector<16xi32>], vector<16xf32>,
      %gather3A_95 = tpu.vector_load_idx %arg4[%add3A_87] : memref<1152xf32, #tpu.memory_space<vmem>>[vector<16xi32>], vector<16xf32>,
      %max3A = arith.maximumf %gather3A, %gather3A_88 : vector<16xf32>
      %max3A_96 = arith.maximumf %max3A, %gather3A_89 : vector<16xf32>
      %max3A_97 = arith.maximumf %max3A_96, %gather3A_90 : vector<16xf32>
      %max3A_98 = arith.maximumf %max3A_97, %gather3A_91 : vector<16xf32>
      %max3A_99 = arith.maximumf %max3A_98, %gather3A_92 : vector<16xf32>
      %max3A_100 = arith.maximumf %max3A_99, %gather3A_93 : vector<16xf32>
      %max3A_101 = arith.maximumf %max3A_100, %gather3A_94 : vector<16xf32>
      %sub3A = arith.subf %gather3A, %max3A_101 : vector<16xf32>
      %exp3A = math.exp %sub3A : vector<16xf32>
      %sub3A_102 = arith.subf %gather3A_88, %max3A_101 : vector<16xf32>
      %exp3A_103 = math.exp %sub3A_102 : vector<16xf32>
      %sub3A_104 = arith.subf %gather3A_89, %max3A_101 : vector<16xf32>
      %exp3A_105 = math.exp %sub3A_104 : vector<16xf32>
      %sub3A_106 = arith.subf %gather3A_90, %max3A_101 : vector<16xf32>
      %exp3A_107 = math.exp %sub3A_106 : vector<16xf32>
      %sub3A_108 = arith.subf %gather3A_91, %max3A_101 : vector<16xf32>
      %exp3A_109 = math.exp %sub3A_108 : vector<16xf32>
      %sub3A_110 = arith.subf %gather3A_92, %max3A_101 : vector<16xf32>
      %exp3A_111 = math.exp %sub3A_110 : vector<16xf32>
      %sub3A_112 = arith.subf %gather3A_93, %max3A_101 : vector<16xf32>
      %exp3A_113 = math.exp %sub3A_112 : vector<16xf32>
      %sub3A_114 = arith.subf %gather3A_94, %max3A_101 : vector<16xf32>
      %exp3A_115 = math.exp %sub3A_114 : vector<16xf32>
      %add3A_116 = arith.addf %exp3A, %exp3A_103 : vector<16xf32>
      %add3A_117 = arith.addf %add3A_116, %exp3A_105 : vector<16xf32>
      %add3A_118 = arith.addf %add3A_117, %exp3A_107 : vector<16xf32>
      %add3A_119 = arith.addf %add3A_118, %exp3A_109 : vector<16xf32>
      %add3A_120 = arith.addf %add3A_119, %exp3A_111 : vector<16xf32>
      %add3A_121 = arith.addf %add3A_120, %exp3A_113 : vector<16xf32>
      %add3A_122 = arith.addf %add3A_121, %exp3A_115 : vector<16xf32>
      %div3A = arith.divf %exp3A, %add3A_122 : vector<16xf32>
      %div3A_123 = arith.divf %exp3A_103, %add3A_122 : vector<16xf32>
      %div3A_124 = arith.divf %exp3A_105, %add3A_122 : vector<16xf32>
      %div3A_125 = arith.divf %exp3A_107, %add3A_122 : vector<16xf32>
      %div3A_126 = arith.divf %exp3A_109, %add3A_122 : vector<16xf32>
      %div3A_127 = arith.divf %exp3A_111, %add3A_122 : vector<16xf32>
      %div3A_128 = arith.divf %exp3A_113, %add3A_122 : vector<16xf32>
      %div3A_129 = arith.divf %exp3A_115, %add3A_122 : vector<16xf32>
      %max3A_130 = arith.maximumf %div3A, %div3A_123 : vector<16xf32>
      %max3A_131 = arith.maximumf %max3A_130, %div3A_124 : vector<16xf32>
      %max3A_132 = arith.maximumf %max3A_131, %div3A_125 : vector<16xf32>
      %max3A_133 = arith.maximumf %max3A_132, %div3A_126 : vector<16xf32>
      %max3A_134 = arith.maximumf %max3A_133, %div3A_127 : vector<16xf32>
      %max3A_135 = arith.maximumf %max3A_134, %div3A_128 : vector<16xf32>
      %max3A_136 = arith.maximumf %max3A_135, %div3A_129 : vector<16xf32>
      %broadcast_in_dim3A = arith.constant false
      %broadcast_in_dim3A_137 = vector.broadcast %broadcast_in_dim3A : i1 to vector<16xi1>
      %eq3A = arith.cmpf oeq, %div3A, %max3A_136 : vector<16xf32>
      %not3A = arith.constant dense<true> : vector<16xi1>
      %not3A_138 = arith.xori %broadcast_in_dim3A_137, %not3A : vector<16xi1>
      %and3A = arith.andi %eq3A, %not3A_138 : vector<16xi1>
      %or3A = arith.ori %broadcast_in_dim3A_137, %and3A : vector<16xi1>
      %eq3A_139 = arith.cmpf oeq, %div3A_123, %max3A_136 : vector<16xf32>
      %not3A_140 = arith.constant dense<true> : vector<16xi1>
      %not3A_141 = arith.xori %or3A, %not3A_140 : vector<16xi1>
      %and3A_142 = arith.andi %eq3A_139, %not3A_141 : vector<16xi1>
      %or3A_143 = arith.ori %or3A, %and3A_142 : vector<16xi1>
      %eq3A_144 = arith.cmpf oeq, %div3A_124, %max3A_136 : vector<16xf32>
      %not3A_145 = arith.constant dense<true> : vector<16xi1>
      %not3A_146 = arith.xori %or3A_143, %not3A_145 : vector<16xi1>
      %and3A_147 = arith.andi %eq3A_144, %not3A_146 : vector<16xi1>
      %or3A_148 = arith.ori %or3A_143, %and3A_147 : vector<16xi1>
      %eq3A_149 = arith.cmpf oeq, %div3A_125, %max3A_136 : vector<16xf32>
      %not3A_150 = arith.constant dense<true> : vector<16xi1>
      %not3A_151 = arith.xori %or3A_148, %not3A_150 : vector<16xi1>
      %and3A_152 = arith.andi %eq3A_149, %not3A_151 : vector<16xi1>
      %or3A_153 = arith.ori %or3A_148, %and3A_152 : vector<16xi1>
      %eq3A_154 = arith.cmpf oeq, %div3A_126, %max3A_136 : vector<16xf32>
      %not3A_155 = arith.constant dense<true> : vector<16xi1>
      %not3A_156 = arith.xori %or3A_153, %not3A_155 : vector<16xi1>
      %and3A_157 = arith.andi %eq3A_154, %not3A_156 : vector<16xi1>
      %or3A_158 = arith.ori %or3A_153, %and3A_157 : vector<16xi1>
      %eq3A_159 = arith.cmpf oeq, %div3A_127, %max3A_136 : vector<16xf32>
      %not3A_160 = arith.constant dense<true> : vector<16xi1>
      %not3A_161 = arith.xori %or3A_158, %not3A_160 : vector<16xi1>
      %and3A_162 = arith.andi %eq3A_159, %not3A_161 : vector<16xi1>
      %or3A_163 = arith.ori %or3A_158, %and3A_162 : vector<16xi1>
      %eq3A_164 = arith.cmpf oeq, %div3A_128, %max3A_136 : vector<16xf32>
      %not3A_165 = arith.constant dense<true> : vector<16xi1>
      %not3A_166 = arith.xori %or3A_163, %not3A_165 : vector<16xi1>
      %and3A_167 = arith.andi %eq3A_164, %not3A_166 : vector<16xi1>
      %or3A_168 = arith.ori %or3A_163, %and3A_167 : vector<16xi1>
      %eq3A_169 = arith.cmpf oeq, %div3A_129, %max3A_136 : vector<16xf32>
      %not3A_170 = arith.constant dense<true> : vector<16xi1>
      %not3A_171 = arith.xori %or3A_168, %not3A_170 : vector<16xi1>
      %and3A_172 = arith.andi %eq3A_169, %not3A_171 : vector<16xi1>
      %or3A_173 = arith.ori %or3A_168, %and3A_172 : vector<16xi1>
      %jit3A = arith.constant -1.000000e+00 : f32
      %broadcast_in_dim3A_174 = vector.broadcast %jit3A : f32 to vector<16xf32>
      %select_n3A = arith.select %and3A, %broadcast_in_dim3A_174, %div3A : vector<16xi1>, vector<16xf32>
      %jit3A_175 = arith.constant -1.000000e+00 : f32
      %broadcast_in_dim3A_176 = vector.broadcast %jit3A_175 : f32 to vector<16xf32>
      %select_n3A_177 = arith.select %and3A_142, %broadcast_in_dim3A_176, %div3A_123 : vector<16xi1>, vector<16xf32>
      %jit3A_178 = arith.constant -1.000000e+00 : f32
      %broadcast_in_dim3A_179 = vector.broadcast %jit3A_178 : f32 to vector<16xf32>
      %select_n3A_180 = arith.select %and3A_147, %broadcast_in_dim3A_179, %div3A_124 : vector<16xi1>, vector<16xf32>
      %jit3A_181 = arith.constant -1.000000e+00 : f32
      %broadcast_in_dim3A_182 = vector.broadcast %jit3A_181 : f32 to vector<16xf32>
      %select_n3A_183 = arith.select %and3A_152, %broadcast_in_dim3A_182, %div3A_125 : vector<16xi1>, vector<16xf32>
      %jit3A_184 = arith.constant -1.000000e+00 : f32
      %broadcast_in_dim3A_185 = vector.broadcast %jit3A_184 : f32 to vector<16xf32>
      %select_n3A_186 = arith.select %and3A_157, %broadcast_in_dim3A_185, %div3A_126 : vector<16xi1>, vector<16xf32>
      %jit3A_187 = arith.constant -1.000000e+00 : f32
      %broadcast_in_dim3A_188 = vector.broadcast %jit3A_187 : f32 to vector<16xf32>
      %select_n3A_189 = arith.select %and3A_162, %broadcast_in_dim3A_188, %div3A_127 : vector<16xi1>, vector<16xf32>
      %jit3A_190 = arith.constant -1.000000e+00 : f32
      %broadcast_in_dim3A_191 = vector.broadcast %jit3A_190 : f32 to vector<16xf32>
      %select_n3A_192 = arith.select %and3A_167, %broadcast_in_dim3A_191, %div3A_128 : vector<16xi1>, vector<16xf32>
      %jit3A_193 = arith.constant -1.000000e+00 : f32
      %broadcast_in_dim3A_194 = vector.broadcast %jit3A_193 : f32 to vector<16xf32>
      %select_n3A_195 = arith.select %and3A_172, %broadcast_in_dim3A_194, %div3A_129 : vector<16xi1>, vector<16xf32>
      %max3A_196 = arith.maximumf %select_n3A, %select_n3A_177 : vector<16xf32>
      %max3A_197 = arith.maximumf %max3A_196, %select_n3A_180 : vector<16xf32>
      %max3A_198 = arith.maximumf %max3A_197, %select_n3A_183 : vector<16xf32>
      %max3A_199 = arith.maximumf %max3A_198, %select_n3A_186 : vector<16xf32>
      %max3A_200 = arith.maximumf %max3A_199, %select_n3A_189 : vector<16xf32>
      %max3A_201 = arith.maximumf %max3A_200, %select_n3A_192 : vector<16xf32>
      %max3A_202 = arith.maximumf %max3A_201, %select_n3A_195 : vector<16xf32>
      %broadcast_in_dim3A_203 = arith.constant false
      %broadcast_in_dim3A_204 = vector.broadcast %broadcast_in_dim3A_203 : i1 to vector<16xi1>
      %eq3A_205 = arith.cmpf oeq, %select_n3A, %max3A_202 : vector<16xf32>
      %not3A_206 = arith.constant dense<true> : vector<16xi1>
      %not3A_207 = arith.xori %broadcast_in_dim3A_204, %not3A_206 : vector<16xi1>
      %and3A_208 = arith.andi %eq3A_205, %not3A_207 : vector<16xi1>
      %or3A_209 = arith.ori %broadcast_in_dim3A_204, %and3A_208 : vector<16xi1>
      %eq3A_210 = arith.cmpf oeq, %select_n3A_177, %max3A_202 : vector<16xf32>
      %not3A_211 = arith.constant dense<true> : vector<16xi1>
      %not3A_212 = arith.xori %or3A_209, %not3A_211 : vector<16xi1>
      %and3A_213 = arith.andi %eq3A_210, %not3A_212 : vector<16xi1>
      %or3A_214 = arith.ori %or3A_209, %and3A_213 : vector<16xi1>
      %eq3A_215 = arith.cmpf oeq, %select_n3A_180, %max3A_202 : vector<16xf32>
      %not3A_216 = arith.constant dense<true> : vector<16xi1>
      %not3A_217 = arith.xori %or3A_214, %not3A_216 : vector<16xi1>
      %and3A_218 = arith.andi %eq3A_215, %not3A_217 : vector<16xi1>
      %or3A_219 = arith.ori %or3A_214, %and3A_218 : vector<16xi1>
      %eq3A_220 = arith.cmpf oeq, %select_n3A_183, %max3A_202 : vector<16xf32>
      %not3A_221 = arith.constant dense<true> : vector<16xi1>
      %not3A_222 = arith.xori %or3A_219, %not3A_221 : vector<16xi1>
      %and3A_223 = arith.andi %eq3A_220, %not3A_222 : vector<16xi1>
      %or3A_224 = arith.ori %or3A_219, %and3A_223 : vector<16xi1>
      %eq3A_225 = arith.cmpf oeq, %select_n3A_186, %max3A_202 : vector<16xf32>
      %not3A_226 = arith.constant dense<true> : vector<16xi1>
      %not3A_227 = arith.xori %or3A_224, %not3A_226 : vector<16xi1>
      %and3A_228 = arith.andi %eq3A_225, %not3A_227 : vector<16xi1>
      %or3A_229 = arith.ori %or3A_224, %and3A_228 : vector<16xi1>
      %eq3A_230 = arith.cmpf oeq, %select_n3A_189, %max3A_202 : vector<16xf32>
      %not3A_231 = arith.constant dense<true> : vector<16xi1>
      %not3A_232 = arith.xori %or3A_229, %not3A_231 : vector<16xi1>
      %and3A_233 = arith.andi %eq3A_230, %not3A_232 : vector<16xi1>
      %or3A_234 = arith.ori %or3A_229, %and3A_233 : vector<16xi1>
      %eq3A_235 = arith.cmpf oeq, %select_n3A_192, %max3A_202 : vector<16xf32>
      %not3A_236 = arith.constant dense<true> : vector<16xi1>
      %not3A_237 = arith.xori %or3A_234, %not3A_236 : vector<16xi1>
      %and3A_238 = arith.andi %eq3A_235, %not3A_237 : vector<16xi1>
      %or3A_239 = arith.ori %or3A_234, %and3A_238 : vector<16xi1>
      %eq3A_240 = arith.cmpf oeq, %select_n3A_195, %max3A_202 : vector<16xf32>
      %not3A_241 = arith.constant dense<true> : vector<16xi1>
      %not3A_242 = arith.xori %or3A_239, %not3A_241 : vector<16xi1>
      %and3A_243 = arith.andi %eq3A_240, %not3A_242 : vector<16xi1>
      %or3A_244 = arith.ori %or3A_239, %and3A_243 : vector<16xi1>
      %add3A_245 = arith.addf %max3A_136, %max3A_202 : vector<16xf32>
      %div3A_246 = arith.divf %max3A_136, %add3A_245 : vector<16xf32>
      %div3A_247 = arith.divf %max3A_202, %add3A_245 : vector<16xf32>
      %broadcast_in_dim3A_248 = arith.constant 0.000000e+00 : f32
      %broadcast_in_dim3A_249 = vector.broadcast %broadcast_in_dim3A_248 : f32 to vector<16xf32>
      %select_n3A_250 = arith.select %and3A_208, %div3A_247, %broadcast_in_dim3A_249 : vector<16xi1>, vector<16xf32>
      %select_n3A_251 = arith.select %and3A, %div3A_246, %select_n3A_250 : vector<16xi1>, vector<16xf32>
      tpu.vector_store_idx %arg5[%add3A_15], %select_n3A_251 : memref<1152xf32, #tpu.memory_space<vmem>>[vector<16xi32>], vector<16xf32>,
      %select_n3A_252 = arith.select %and3A_213, %div3A_247, %broadcast_in_dim3A_249 : vector<16xi1>, vector<16xf32>
      %select_n3A_253 = arith.select %and3A_142, %div3A_246, %select_n3A_252 : vector<16xi1>, vector<16xf32>
      tpu.vector_store_idx %arg5[%add3A_24], %select_n3A_253 : memref<1152xf32, #tpu.memory_space<vmem>>[vector<16xi32>], vector<16xf32>,
      %select_n3A_254 = arith.select %and3A_218, %div3A_247, %broadcast_in_dim3A_249 : vector<16xi1>, vector<16xf32>
      %select_n3A_255 = arith.select %and3A_147, %div3A_246, %select_n3A_254 : vector<16xi1>, vector<16xf32>
      tpu.vector_store_idx %arg5[%add3A_33], %select_n3A_255 : memref<1152xf32, #tpu.memory_space<vmem>>[vector<16xi32>], vector<16xf32>,
      %select_n3A_256 = arith.select %and3A_223, %div3A_247, %broadcast_in_dim3A_249 : vector<16xi1>, vector<16xf32>
      %select_n3A_257 = arith.select %and3A_152, %div3A_246, %select_n3A_256 : vector<16xi1>, vector<16xf32>
      tpu.vector_store_idx %arg5[%add3A_42], %select_n3A_257 : memref<1152xf32, #tpu.memory_space<vmem>>[vector<16xi32>], vector<16xf32>,
      %select_n3A_258 = arith.select %and3A_228, %div3A_247, %broadcast_in_dim3A_249 : vector<16xi1>, vector<16xf32>
      %select_n3A_259 = arith.select %and3A_157, %div3A_246, %select_n3A_258 : vector<16xi1>, vector<16xf32>
      tpu.vector_store_idx %arg5[%add3A_51], %select_n3A_259 : memref<1152xf32, #tpu.memory_space<vmem>>[vector<16xi32>], vector<16xf32>,
      %select_n3A_260 = arith.select %and3A_233, %div3A_247, %broadcast_in_dim3A_249 : vector<16xi1>, vector<16xf32>
      %select_n3A_261 = arith.select %and3A_162, %div3A_246, %select_n3A_260 : vector<16xi1>, vector<16xf32>
      tpu.vector_store_idx %arg5[%add3A_60], %select_n3A_261 : memref<1152xf32, #tpu.memory_space<vmem>>[vector<16xi32>], vector<16xf32>,
      %select_n3A_262 = arith.select %and3A_238, %div3A_247, %broadcast_in_dim3A_249 : vector<16xi1>, vector<16xf32>
      %select_n3A_263 = arith.select %and3A_167, %div3A_246, %select_n3A_262 : vector<16xi1>, vector<16xf32>
      tpu.vector_store_idx %arg5[%add3A_69], %select_n3A_263 : memref<1152xf32, #tpu.memory_space<vmem>>[vector<16xi32>], vector<16xf32>,
      %select_n3A_264 = arith.select %and3A_243, %div3A_247, %broadcast_in_dim3A_249 : vector<16xi1>, vector<16xf32>
      %select_n3A_265 = arith.select %and3A_172, %div3A_246, %select_n3A_264 : vector<16xi1>, vector<16xf32>
      tpu.vector_store_idx %arg5[%add3A_78], %select_n3A_265 : memref<1152xf32, #tpu.memory_space<vmem>>[vector<16xi32>], vector<16xf32>,
      %neg3A = arith.constant 0.000000e+00 : f32
      %neg3A_266 = vector.broadcast %neg3A : f32 to vector<16xf32>
      %neg3A_267 = arith.subf %neg3A_266, %gather3A_95 : vector<16xf32>
      %exp3A_268 = math.exp %neg3A_267 : vector<16xf32>
      %add3A_269 = arith.constant 1.000000e+00 : f32
      %add3A_270 = vector.broadcast %add3A_269 : f32 to vector<16xf32>
      %add3A_271 = arith.addf %add3A_270, %exp3A_268 : vector<16xf32>
      %div3A_272 = arith.constant 1.000000e+00 : f32
      %div3A_273 = vector.broadcast %div3A_272 : f32 to vector<16xf32>
      %div3A_274 = arith.divf %div3A_273, %add3A_271 : vector<16xf32>
      tpu.vector_store_idx %arg5[%add3A_87], %div3A_274 : memref<1152xf32, #tpu.memory_space<vmem>>[vector<16xi32>], vector<16xf32>,
      %add3A_275 = arith.constant 16 : i32
      %add3A_276 = vector.broadcast %add3A_275 : i32 to vector<16xi32>
      %add3A_277 = arith.addi %add3A_276, %iota3A : vector<16xi32>
      %mul3A_278 = arith.constant 9 : i32
      %mul3A_279 = vector.broadcast %mul3A_278 : i32 to vector<16xi32>
      %mul3A_280 = arith.muli %mul3A_279, %add3A_277 : vector<16xi32>
      %add3A_281 = arith.constant 0 : i32
      %add3A_282 = vector.broadcast %add3A_281 : i32 to vector<16xi32>
      %add3A_283 = arith.addi %mul3A_280, %add3A_282 : vector<16xi32>
      %add3A_284 = arith.constant 16 : i32
      %add3A_285 = vector.broadcast %add3A_284 : i32 to vector<16xi32>
      %add3A_286 = arith.addi %add3A_285, %iota3A : vector<16xi32>
      %mul3A_287 = arith.constant 9 : i32
      %mul3A_288 = vector.broadcast %mul3A_287 : i32 to vector<16xi32>
      %mul3A_289 = arith.muli %mul3A_288, %add3A_286 : vector<16xi32>
      %add3A_290 = arith.constant 1 : i32
      %add3A_291 = vector.broadcast %add3A_290 : i32 to vector<16xi32>
      %add3A_292 = arith.addi %mul3A_289, %add3A_291 : vector<16xi32>
      %add3A_293 = arith.constant 16 : i32
      %add3A_294 = vector.broadcast %add3A_293 : i32 to vector<16xi32>
      %add3A_295 = arith.addi %add3A_294, %iota3A : vector<16xi32>
      %mul3A_296 = arith.constant 9 : i32
      %mul3A_297 = vector.broadcast %mul3A_296 : i32 to vector<16xi32>
      %mul3A_298 = arith.muli %mul3A_297, %add3A_295 : vector<16xi32>
      %add3A_299 = arith.constant 2 : i32
      %add3A_300 = vector.broadcast %add3A_299 : i32 to vector<16xi32>
      %add3A_301 = arith.addi %mul3A_298, %add3A_300 : vector<16xi32>
      %add3A_302 = arith.constant 16 : i32
      %add3A_303 = vector.broadcast %add3A_302 : i32 to vector<16xi32>
      %add3A_304 = arith.addi %add3A_303, %iota3A : vector<16xi32>
      %mul3A_305 = arith.constant 9 : i32
      %mul3A_306 = vector.broadcast %mul3A_305 : i32 to vector<16xi32>
      %mul3A_307 = arith.muli %mul3A_306, %add3A_304 : vector<16xi32>
      %add3A_308 = arith.constant 3 : i32
      %add3A_309 = vector.broadcast %add3A_308 : i32 to vector<16xi32>
      %add3A_310 = arith.addi %mul3A_307, %add3A_309 : vector<16xi32>
      %add3A_311 = arith.constant 16 : i32
      %add3A_312 = vector.broadcast %add3A_311 : i32 to vector<16xi32>
      %add3A_313 = arith.addi %add3A_312, %iota3A : vector<16xi32>
      %mul3A_314 = arith.constant 9 : i32
      %mul3A_315 = vector.broadcast %mul3A_314 : i32 to vector<16xi32>
      %mul3A_316 = arith.muli %mul3A_315, %add3A_313 : vector<16xi32>
      %add3A_317 = arith.constant 4 : i32
      %add3A_318 = vector.broadcast %add3A_317 : i32 to vector<16xi32>
      %add3A_319 = arith.addi %mul3A_316, %add3A_318 : vector<16xi32>
      %add3A_320 = arith.constant 16 : i32
      %add3A_321 = vector.broadcast %add3A_320 : i32 to vector<16xi32>
      %add3A_322 = arith.addi %add3A_321, %iota3A : vector<16xi32>
      %mul3A_323 = arith.constant 9 : i32
      %mul3A_324 = vector.broadcast %mul3A_323 : i32 to vector<16xi32>
      %mul3A_325 = arith.muli %mul3A_324, %add3A_322 : vector<16xi32>
      %add3A_326 = arith.constant 5 : i32
      %add3A_327 = vector.broadcast %add3A_326 : i32 to vector<16xi32>
      %add3A_328 = arith.addi %mul3A_325, %add3A_327 : vector<16xi32>
      %add3A_329 = arith.constant 16 : i32
      %add3A_330 = vector.broadcast %add3A_329 : i32 to vector<16xi32>
      %add3A_331 = arith.addi %add3A_330, %iota3A : vector<16xi32>
      %mul3A_332 = arith.constant 9 : i32
      %mul3A_333 = vector.broadcast %mul3A_332 : i32 to vector<16xi32>
      %mul3A_334 = arith.muli %mul3A_333, %add3A_331 : vector<16xi32>
      %add3A_335 = arith.constant 6 : i32
      %add3A_336 = vector.broadcast %add3A_335 : i32 to vector<16xi32>
      %add3A_337 = arith.addi %mul3A_334, %add3A_336 : vector<16xi32>
      %add3A_338 = arith.constant 16 : i32
      %add3A_339 = vector.broadcast %add3A_338 : i32 to vector<16xi32>
      %add3A_340 = arith.addi %add3A_339, %iota3A : vector<16xi32>
      %mul3A_341 = arith.constant 9 : i32
      %mul3A_342 = vector.broadcast %mul3A_341 : i32 to vector<16xi32>
      %mul3A_343 = arith.muli %mul3A_342, %add3A_340 : vector<16xi32>
      %add3A_344 = arith.constant 7 : i32
      %add3A_345 = vector.broadcast %add3A_344 : i32 to vector<16xi32>
      %add3A_346 = arith.addi %mul3A_343, %add3A_345 : vector<16xi32>
      %add3A_347 = arith.constant 16 : i32
      %add3A_348 = vector.broadcast %add3A_347 : i32 to vector<16xi32>
      %add3A_349 = arith.addi %add3A_348, %iota3A : vector<16xi32>
      %mul3A_350 = arith.constant 9 : i32
      %mul3A_351 = vector.broadcast %mul3A_350 : i32 to vector<16xi32>
      %mul3A_352 = arith.muli %mul3A_351, %add3A_349 : vector<16xi32>
      %add3A_353 = arith.constant 8 : i32
      %add3A_354 = vector.broadcast %add3A_353 : i32 to vector<16xi32>
      %add3A_355 = arith.addi %mul3A_352, %add3A_354 : vector<16xi32>
      %gather3A_356 = tpu.vector_load_idx %arg4[%add3A_283] : memref<1152xf32, #tpu.memory_space<vmem>>[vector<16xi32>], vector<16xf32>,
      %gather3A_357 = tpu.vector_load_idx %arg4[%add3A_292] : memref<1152xf32, #tpu.memory_space<vmem>>[vector<16xi32>], vector<16xf32>,
      %gather3A_358 = tpu.vector_load_idx %arg4[%add3A_301] : memref<1152xf32, #tpu.memory_space<vmem>>[vector<16xi32>], vector<16xf32>,
      %gather3A_359 = tpu.vector_load_idx %arg4[%add3A_310] : memref<1152xf32, #tpu.memory_space<vmem>>[vector<16xi32>], vector<16xf32>,
      %gather3A_360 = tpu.vector_load_idx %arg4[%add3A_319] : memref<1152xf32, #tpu.memory_space<vmem>>[vector<16xi32>], vector<16xf32>,
      %gather3A_361 = tpu.vector_load_idx %arg4[%add3A_328] : memref<1152xf32, #tpu.memory_space<vmem>>[vector<16xi32>], vector<16xf32>,
      %gather3A_362 = tpu.vector_load_idx %arg4[%add3A_337] : memref<1152xf32, #tpu.memory_space<vmem>>[vector<16xi32>], vector<16xf32>,
      %gather3A_363 = tpu.vector_load_idx %arg4[%add3A_346] : memref<1152xf32, #tpu.memory_space<vmem>>[vector<16xi32>], vector<16xf32>,
      %gather3A_364 = tpu.vector_load_idx %arg4[%add3A_355] : memref<1152xf32, #tpu.memory_space<vmem>>[vector<16xi32>], vector<16xf32>,
      %max3A_365 = arith.maximumf %gather3A_356, %gather3A_357 : vector<16xf32>
      %max3A_366 = arith.maximumf %max3A_365, %gather3A_358 : vector<16xf32>
      %max3A_367 = arith.maximumf %max3A_366, %gather3A_359 : vector<16xf32>
      %max3A_368 = arith.maximumf %max3A_367, %gather3A_360 : vector<16xf32>
      %max3A_369 = arith.maximumf %max3A_368, %gather3A_361 : vector<16xf32>
      %max3A_370 = arith.maximumf %max3A_369, %gather3A_362 : vector<16xf32>
      %max3A_371 = arith.maximumf %max3A_370, %gather3A_363 : vector<16xf32>
      %sub3A_372 = arith.subf %gather3A_356, %max3A_371 : vector<16xf32>
      %exp3A_373 = math.exp %sub3A_372 : vector<16xf32>
      %sub3A_374 = arith.subf %gather3A_357, %max3A_371 : vector<16xf32>
      %exp3A_375 = math.exp %sub3A_374 : vector<16xf32>
      %sub3A_376 = arith.subf %gather3A_358, %max3A_371 : vector<16xf32>
      %exp3A_377 = math.exp %sub3A_376 : vector<16xf32>
      %sub3A_378 = arith.subf %gather3A_359, %max3A_371 : vector<16xf32>
      %exp3A_379 = math.exp %sub3A_378 : vector<16xf32>
      %sub3A_380 = arith.subf %gather3A_360, %max3A_371 : vector<16xf32>
      %exp3A_381 = math.exp %sub3A_380 : vector<16xf32>
      %sub3A_382 = arith.subf %gather3A_361, %max3A_371 : vector<16xf32>
      %exp3A_383 = math.exp %sub3A_382 : vector<16xf32>
      %sub3A_384 = arith.subf %gather3A_362, %max3A_371 : vector<16xf32>
      %exp3A_385 = math.exp %sub3A_384 : vector<16xf32>
      %sub3A_386 = arith.subf %gather3A_363, %max3A_371 : vector<16xf32>
      %exp3A_387 = math.exp %sub3A_386 : vector<16xf32>
      %add3A_388 = arith.addf %exp3A_373, %exp3A_375 : vector<16xf32>
      %add3A_389 = arith.addf %add3A_388, %exp3A_377 : vector<16xf32>
      %add3A_390 = arith.addf %add3A_389, %exp3A_379 : vector<16xf32>
      %add3A_391 = arith.addf %add3A_390, %exp3A_381 : vector<16xf32>
      %add3A_392 = arith.addf %add3A_391, %exp3A_383 : vector<16xf32>
      %add3A_393 = arith.addf %add3A_392, %exp3A_385 : vector<16xf32>
      %add3A_394 = arith.addf %add3A_393, %exp3A_387 : vector<16xf32>
      %div3A_395 = arith.divf %exp3A_373, %add3A_394 : vector<16xf32>
      %div3A_396 = arith.divf %exp3A_375, %add3A_394 : vector<16xf32>
      %div3A_397 = arith.divf %exp3A_377, %add3A_394 : vector<16xf32>
      %div3A_398 = arith.divf %exp3A_379, %add3A_394 : vector<16xf32>
      %div3A_399 = arith.divf %exp3A_381, %add3A_394 : vector<16xf32>
      %div3A_400 = arith.divf %exp3A_383, %add3A_394 : vector<16xf32>
      %div3A_401 = arith.divf %exp3A_385, %add3A_394 : vector<16xf32>
      %div3A_402 = arith.divf %exp3A_387, %add3A_394 : vector<16xf32>
      %max3A_403 = arith.maximumf %div3A_395, %div3A_396 : vector<16xf32>
      %max3A_404 = arith.maximumf %max3A_403, %div3A_397 : vector<16xf32>
      %max3A_405 = arith.maximumf %max3A_404, %div3A_398 : vector<16xf32>
      %max3A_406 = arith.maximumf %max3A_405, %div3A_399 : vector<16xf32>
      %max3A_407 = arith.maximumf %max3A_406, %div3A_400 : vector<16xf32>
      %max3A_408 = arith.maximumf %max3A_407, %div3A_401 : vector<16xf32>
      %max3A_409 = arith.maximumf %max3A_408, %div3A_402 : vector<16xf32>
      %broadcast_in_dim3A_410 = arith.constant false
      %broadcast_in_dim3A_411 = vector.broadcast %broadcast_in_dim3A_410 : i1 to vector<16xi1>
      %eq3A_412 = arith.cmpf oeq, %div3A_395, %max3A_409 : vector<16xf32>
      %not3A_413 = arith.constant dense<true> : vector<16xi1>
      %not3A_414 = arith.xori %broadcast_in_dim3A_411, %not3A_413 : vector<16xi1>
      %and3A_415 = arith.andi %eq3A_412, %not3A_414 : vector<16xi1>
      %or3A_416 = arith.ori %broadcast_in_dim3A_411, %and3A_415 : vector<16xi1>
      %eq3A_417 = arith.cmpf oeq, %div3A_396, %max3A_409 : vector<16xf32>
      %not3A_418 = arith.constant dense<true> : vector<16xi1>
      %not3A_419 = arith.xori %or3A_416, %not3A_418 : vector<16xi1>
      %and3A_420 = arith.andi %eq3A_417, %not3A_419 : vector<16xi1>
      %or3A_421 = arith.ori %or3A_416, %and3A_420 : vector<16xi1>
      %eq3A_422 = arith.cmpf oeq, %div3A_397, %max3A_409 : vector<16xf32>
      %not3A_423 = arith.constant dense<true> : vector<16xi1>
      %not3A_424 = arith.xori %or3A_421, %not3A_423 : vector<16xi1>
      %and3A_425 = arith.andi %eq3A_422, %not3A_424 : vector<16xi1>
      %or3A_426 = arith.ori %or3A_421, %and3A_425 : vector<16xi1>
      %eq3A_427 = arith.cmpf oeq, %div3A_398, %max3A_409 : vector<16xf32>
      %not3A_428 = arith.constant dense<true> : vector<16xi1>
      %not3A_429 = arith.xori %or3A_426, %not3A_428 : vector<16xi1>
      %and3A_430 = arith.andi %eq3A_427, %not3A_429 : vector<16xi1>
      %or3A_431 = arith.ori %or3A_426, %and3A_430 : vector<16xi1>
      %eq3A_432 = arith.cmpf oeq, %div3A_399, %max3A_409 : vector<16xf32>
      %not3A_433 = arith.constant dense<true> : vector<16xi1>
      %not3A_434 = arith.xori %or3A_431, %not3A_433 : vector<16xi1>
      %and3A_435 = arith.andi %eq3A_432, %not3A_434 : vector<16xi1>
      %or3A_436 = arith.ori %or3A_431, %and3A_435 : vector<16xi1>
      %eq3A_437 = arith.cmpf oeq, %div3A_400, %max3A_409 : vector<16xf32>
      %not3A_438 = arith.constant dense<true> : vector<16xi1>
      %not3A_439 = arith.xori %or3A_436, %not3A_438 : vector<16xi1>
      %and3A_440 = arith.andi %eq3A_437, %not3A_439 : vector<16xi1>
      %or3A_441 = arith.ori %or3A_436, %and3A_440 : vector<16xi1>
      %eq3A_442 = arith.cmpf oeq, %div3A_401, %max3A_409 : vector<16xf32>
      %not3A_443 = arith.constant dense<true> : vector<16xi1>
      %not3A_444 = arith.xori %or3A_441, %not3A_443 : vector<16xi1>
      %and3A_445 = arith.andi %eq3A_442, %not3A_444 : vector<16xi1>
      %or3A_446 = arith.ori %or3A_441, %and3A_445 : vector<16xi1>
      %eq3A_447 = arith.cmpf oeq, %div3A_402, %max3A_409 : vector<16xf32>
      %not3A_448 = arith.constant dense<true> : vector<16xi1>
      %not3A_449 = arith.xori %or3A_446, %not3A_448 : vector<16xi1>
      %and3A_450 = arith.andi %eq3A_447, %not3A_449 : vector<16xi1>
      %or3A_451 = arith.ori %or3A_446, %and3A_450 : vector<16xi1>
      %jit3A_452 = arith.constant -1.000000e+00 : f32
      %broadcast_in_dim3A_453 = vector.broadcast %jit3A_452 : f32 to vector<16xf32>
      %select_n3A_454 = arith.select %and3A_415, %broadcast_in_dim3A_453, %div3A_395 : vector<16xi1>, vector<16xf32>
      %jit3A_455 = arith.constant -1.000000e+00 : f32
      %broadcast_in_dim3A_456 = vector.broadcast %jit3A_455 : f32 to vector<16xf32>
      %select_n3A_457 = arith.select %and3A_420, %broadcast_in_dim3A_456, %div3A_396 : vector<16xi1>, vector<16xf32>
      %jit3A_458 = arith.constant -1.000000e+00 : f32
      %broadcast_in_dim3A_459 = vector.broadcast %jit3A_458 : f32 to vector<16xf32>
      %select_n3A_460 = arith.select %and3A_425, %broadcast_in_dim3A_459, %div3A_397 : vector<16xi1>, vector<16xf32>
      %jit3A_461 = arith.constant -1.000000e+00 : f32
      %broadcast_in_dim3A_462 = vector.broadcast %jit3A_461 : f32 to vector<16xf32>
      %select_n3A_463 = arith.select %and3A_430, %broadcast_in_dim3A_462, %div3A_398 : vector<16xi1>, vector<16xf32>
      %jit3A_464 = arith.constant -1.000000e+00 : f32
      %broadcast_in_dim3A_465 = vector.broadcast %jit3A_464 : f32 to vector<16xf32>
      %select_n3A_466 = arith.select %and3A_435, %broadcast_in_dim3A_465, %div3A_399 : vector<16xi1>, vector<16xf32>
      %jit3A_467 = arith.constant -1.000000e+00 : f32
      %broadcast_in_dim3A_468 = vector.broadcast %jit3A_467 : f32 to vector<16xf32>
      %select_n3A_469 = arith.select %and3A_440, %broadcast_in_dim3A_468, %div3A_400 : vector<16xi1>, vector<16xf32>
      %jit3A_470 = arith.constant -1.000000e+00 : f32
      %broadcast_in_dim3A_471 = vector.broadcast %jit3A_470 : f32 to vector<16xf32>
      %select_n3A_472 = arith.select %and3A_445, %broadcast_in_dim3A_471, %div3A_401 : vector<16xi1>, vector<16xf32>
      %jit3A_473 = arith.constant -1.000000e+00 : f32
      %broadcast_in_dim3A_474 = vector.broadcast %jit3A_473 : f32 to vector<16xf32>
      %select_n3A_475 = arith.select %and3A_450, %broadcast_in_dim3A_474, %div3A_402 : vector<16xi1>, vector<16xf32>
      %max3A_476 = arith.maximumf %select_n3A_454, %select_n3A_457 : vector<16xf32>
      %max3A_477 = arith.maximumf %max3A_476, %select_n3A_460 : vector<16xf32>
      %max3A_478 = arith.maximumf %max3A_477, %select_n3A_463 : vector<16xf32>
      %max3A_479 = arith.maximumf %max3A_478, %select_n3A_466 : vector<16xf32>
      %max3A_480 = arith.maximumf %max3A_479, %select_n3A_469 : vector<16xf32>
      %max3A_481 = arith.maximumf %max3A_480, %select_n3A_472 : vector<16xf32>
      %max3A_482 = arith.maximumf %max3A_481, %select_n3A_475 : vector<16xf32>
      %broadcast_in_dim3A_483 = arith.constant false
      %broadcast_in_dim3A_484 = vector.broadcast %broadcast_in_dim3A_483 : i1 to vector<16xi1>
      %eq3A_485 = arith.cmpf oeq, %select_n3A_454, %max3A_482 : vector<16xf32>
      %not3A_486 = arith.constant dense<true> : vector<16xi1>
      %not3A_487 = arith.xori %broadcast_in_dim3A_484, %not3A_486 : vector<16xi1>
      %and3A_488 = arith.andi %eq3A_485, %not3A_487 : vector<16xi1>
      %or3A_489 = arith.ori %broadcast_in_dim3A_484, %and3A_488 : vector<16xi1>
      %eq3A_490 = arith.cmpf oeq, %select_n3A_457, %max3A_482 : vector<16xf32>
      %not3A_491 = arith.constant dense<true> : vector<16xi1>
      %not3A_492 = arith.xori %or3A_489, %not3A_491 : vector<16xi1>
      %and3A_493 = arith.andi %eq3A_490, %not3A_492 : vector<16xi1>
      %or3A_494 = arith.ori %or3A_489, %and3A_493 : vector<16xi1>
      %eq3A_495 = arith.cmpf oeq, %select_n3A_460, %max3A_482 : vector<16xf32>
      %not3A_496 = arith.constant dense<true> : vector<16xi1>
      %not3A_497 = arith.xori %or3A_494, %not3A_496 : vector<16xi1>
      %and3A_498 = arith.andi %eq3A_495, %not3A_497 : vector<16xi1>
      %or3A_499 = arith.ori %or3A_494, %and3A_498 : vector<16xi1>
      %eq3A_500 = arith.cmpf oeq, %select_n3A_463, %max3A_482 : vector<16xf32>
      %not3A_501 = arith.constant dense<true> : vector<16xi1>
      %not3A_502 = arith.xori %or3A_499, %not3A_501 : vector<16xi1>
      %and3A_503 = arith.andi %eq3A_500, %not3A_502 : vector<16xi1>
      %or3A_504 = arith.ori %or3A_499, %and3A_503 : vector<16xi1>
      %eq3A_505 = arith.cmpf oeq, %select_n3A_466, %max3A_482 : vector<16xf32>
      %not3A_506 = arith.constant dense<true> : vector<16xi1>
      %not3A_507 = arith.xori %or3A_504, %not3A_506 : vector<16xi1>
      %and3A_508 = arith.andi %eq3A_505, %not3A_507 : vector<16xi1>
      %or3A_509 = arith.ori %or3A_504, %and3A_508 : vector<16xi1>
      %eq3A_510 = arith.cmpf oeq, %select_n3A_469, %max3A_482 : vector<16xf32>
      %not3A_511 = arith.constant dense<true> : vector<16xi1>
      %not3A_512 = arith.xori %or3A_509, %not3A_511 : vector<16xi1>
      %and3A_513 = arith.andi %eq3A_510, %not3A_512 : vector<16xi1>
      %or3A_514 = arith.ori %or3A_509, %and3A_513 : vector<16xi1>
      %eq3A_515 = arith.cmpf oeq, %select_n3A_472, %max3A_482 : vector<16xf32>
      %not3A_516 = arith.constant dense<true> : vector<16xi1>
      %not3A_517 = arith.xori %or3A_514, %not3A_516 : vector<16xi1>
      %and3A_518 = arith.andi %eq3A_515, %not3A_517 : vector<16xi1>
      %or3A_519 = arith.ori %or3A_514, %and3A_518 : vector<16xi1>
      %eq3A_520 = arith.cmpf oeq, %select_n3A_475, %max3A_482 : vector<16xf32>
      %not3A_521 = arith.constant dense<true> : vector<16xi1>
      %not3A_522 = arith.xori %or3A_519, %not3A_521 : vector<16xi1>
      %and3A_523 = arith.andi %eq3A_520, %not3A_522 : vector<16xi1>
      %or3A_524 = arith.ori %or3A_519, %and3A_523 : vector<16xi1>
      %add3A_525 = arith.addf %max3A_409, %max3A_482 : vector<16xf32>
      %div3A_526 = arith.divf %max3A_409, %add3A_525 : vector<16xf32>
      %div3A_527 = arith.divf %max3A_482, %add3A_525 : vector<16xf32>
      %broadcast_in_dim3A_528 = arith.constant 0.000000e+00 : f32
      %broadcast_in_dim3A_529 = vector.broadcast %broadcast_in_dim3A_528 : f32 to vector<16xf32>
      %select_n3A_530 = arith.select %and3A_488, %div3A_527, %broadcast_in_dim3A_529 : vector<16xi1>, vector<16xf32>
      %select_n3A_531 = arith.select %and3A_415, %div3A_526, %select_n3A_530 : vector<16xi1>, vector<16xf32>
      tpu.vector_store_idx %arg5[%add3A_283], %select_n3A_531 : memref<1152xf32, #tpu.memory_space<vmem>>[vector<16xi32>], vector<16xf32>,
      %select_n3A_532 = arith.select %and3A_493, %div3A_527, %broadcast_in_dim3A_529 : vector<16xi1>, vector<16xf32>
      %select_n3A_533 = arith.select %and3A_420, %div3A_526, %select_n3A_532 : vector<16xi1>, vector<16xf32>
      tpu.vector_store_idx %arg5[%add3A_292], %select_n3A_533 : memref<1152xf32, #tpu.memory_space<vmem>>[vector<16xi32>], vector<16xf32>,
      %select_n3A_534 = arith.select %and3A_498, %div3A_527, %broadcast_in_dim3A_529 : vector<16xi1>, vector<16xf32>
      %select_n3A_535 = arith.select %and3A_425, %div3A_526, %select_n3A_534 : vector<16xi1>, vector<16xf32>
      tpu.vector_store_idx %arg5[%add3A_301], %select_n3A_535 : memref<1152xf32, #tpu.memory_space<vmem>>[vector<16xi32>], vector<16xf32>,
      %select_n3A_536 = arith.select %and3A_503, %div3A_527, %broadcast_in_dim3A_529 : vector<16xi1>, vector<16xf32>
      %select_n3A_537 = arith.select %and3A_430, %div3A_526, %select_n3A_536 : vector<16xi1>, vector<16xf32>
      tpu.vector_store_idx %arg5[%add3A_310], %select_n3A_537 : memref<1152xf32, #tpu.memory_space<vmem>>[vector<16xi32>], vector<16xf32>,
      %select_n3A_538 = arith.select %and3A_508, %div3A_527, %broadcast_in_dim3A_529 : vector<16xi1>, vector<16xf32>
      %select_n3A_539 = arith.select %and3A_435, %div3A_526, %select_n3A_538 : vector<16xi1>, vector<16xf32>
      tpu.vector_store_idx %arg5[%add3A_319], %select_n3A_539 : memref<1152xf32, #tpu.memory_space<vmem>>[vector<16xi32>], vector<16xf32>,
      %select_n3A_540 = arith.select %and3A_513, %div3A_527, %broadcast_in_dim3A_529 : vector<16xi1>, vector<16xf32>
      %select_n3A_541 = arith.select %and3A_440, %div3A_526, %select_n3A_540 : vector<16xi1>, vector<16xf32>
      tpu.vector_store_idx %arg5[%add3A_328], %select_n3A_541 : memref<1152xf32, #tpu.memory_space<vmem>>[vector<16xi32>], vector<16xf32>,
      %select_n3A_542 = arith.select %and3A_518, %div3A_527, %broadcast_in_dim3A_529 : vector<16xi1>, vector<16xf32>
      %select_n3A_543 = arith.select %and3A_445, %div3A_526, %select_n3A_542 : vector<16xi1>, vector<16xf32>
      tpu.vector_store_idx %arg5[%add3A_337], %select_n3A_543 : memref<1152xf32, #tpu.memory_space<vmem>>[vector<16xi32>], vector<16xf32>,
      %select_n3A_544 = arith.select %and3A_523, %div3A_527, %broadcast_in_dim3A_529 : vector<16xi1>, vector<16xf32>
      %select_n3A_545 = arith.select %and3A_450, %div3A_526, %select_n3A_544 : vector<16xi1>, vector<16xf32>
      tpu.vector_store_idx %arg5[%add3A_346], %select_n3A_545 : memref<1152xf32, #tpu.memory_space<vmem>>[vector<16xi32>], vector<16xf32>,
      %neg3A_546 = arith.constant 0.000000e+00 : f32
      %neg3A_547 = vector.broadcast %neg3A_546 : f32 to vector<16xf32>
      %neg3A_548 = arith.subf %neg3A_547, %gather3A_364 : vector<16xf32>
      %exp3A_549 = math.exp %neg3A_548 : vector<16xf32>
      %add3A_550 = arith.constant 1.000000e+00 : f32
      %add3A_551 = vector.broadcast %add3A_550 : f32 to vector<16xf32>
      %add3A_552 = arith.addf %add3A_551, %exp3A_549 : vector<16xf32>
      %div3A_553 = arith.constant 1.000000e+00 : f32
      %div3A_554 = vector.broadcast %div3A_553 : f32 to vector<16xf32>
      %div3A_555 = arith.divf %div3A_554, %add3A_552 : vector<16xf32>
      tpu.vector_store_idx %arg5[%add3A_355], %div3A_555 : memref<1152xf32, #tpu.memory_space<vmem>>[vector<16xi32>], vector<16xf32>,
      %add3A_556 = arith.constant 32 : i32
      %add3A_557 = vector.broadcast %add3A_556 : i32 to vector<16xi32>
      %add3A_558 = arith.addi %add3A_557, %iota3A : vector<16xi32>
      %mul3A_559 = arith.constant 9 : i32
      %mul3A_560 = vector.broadcast %mul3A_559 : i32 to vector<16xi32>
      %mul3A_561 = arith.muli %mul3A_560, %add3A_558 : vector<16xi32>
      %add3A_562 = arith.constant 0 : i32
      %add3A_563 = vector.broadcast %add3A_562 : i32 to vector<16xi32>
      %add3A_564 = arith.addi %mul3A_561, %add3A_563 : vector<16xi32>
      %add3A_565 = arith.constant 32 : i32
      %add3A_566 = vector.broadcast %add3A_565 : i32 to vector<16xi32>
      %add3A_567 = arith.addi %add3A_566, %iota3A : vector<16xi32>
      %mul3A_568 = arith.constant 9 : i32
      %mul3A_569 = vector.broadcast %mul3A_568 : i32 to vector<16xi32>
      %mul3A_570 = arith.muli %mul3A_569, %add3A_567 : vector<16xi32>
      %add3A_571 = arith.constant 1 : i32
      %add3A_572 = vector.broadcast %add3A_571 : i32 to vector<16xi32>
      %add3A_573 = arith.addi %mul3A_570, %add3A_572 : vector<16xi32>
      %add3A_574 = arith.constant 32 : i32
      %add3A_575 = vector.broadcast %add3A_574 : i32 to vector<16xi32>
      %add3A_576 = arith.addi %add3A_575, %iota3A : vector<16xi32>
      %mul3A_577 = arith.constant 9 : i32
      %mul3A_578 = vector.broadcast %mul3A_577 : i32 to vector<16xi32>
      %mul3A_579 = arith.muli %mul3A_578, %add3A_576 : vector<16xi32>
      %add3A_580 = arith.constant 2 : i32
      %add3A_581 = vector.broadcast %add3A_580 : i32 to vector<16xi32>
      %add3A_582 = arith.addi %mul3A_579, %add3A_581 : vector<16xi32>
      %add3A_583 = arith.constant 32 : i32
      %add3A_584 = vector.broadcast %add3A_583 : i32 to vector<16xi32>
      %add3A_585 = arith.addi %add3A_584, %iota3A : vector<16xi32>
      %mul3A_586 = arith.constant 9 : i32
      %mul3A_587 = vector.broadcast %mul3A_586 : i32 to vector<16xi32>
      %mul3A_588 = arith.muli %mul3A_587, %add3A_585 : vector<16xi32>
      %add3A_589 = arith.constant 3 : i32
      %add3A_590 = vector.broadcast %add3A_589 : i32 to vector<16xi32>
      %add3A_591 = arith.addi %mul3A_588, %add3A_590 : vector<16xi32>
      %add3A_592 = arith.constant 32 : i32
      %add3A_593 = vector.broadcast %add3A_592 : i32 to vector<16xi32>
      %add3A_594 = arith.addi %add3A_593, %iota3A : vector<16xi32>
      %mul3A_595 = arith.constant 9 : i32
      %mul3A_596 = vector.broadcast %mul3A_595 : i32 to vector<16xi32>
      %mul3A_597 = arith.muli %mul3A_596, %add3A_594 : vector<16xi32>
      %add3A_598 = arith.constant 4 : i32
      %add3A_599 = vector.broadcast %add3A_598 : i32 to vector<16xi32>
      %add3A_600 = arith.addi %mul3A_597, %add3A_599 : vector<16xi32>
      %add3A_601 = arith.constant 32 : i32
      %add3A_602 = vector.broadcast %add3A_601 : i32 to vector<16xi32>
      %add3A_603 = arith.addi %add3A_602, %iota3A : vector<16xi32>
      %mul3A_604 = arith.constant 9 : i32
      %mul3A_605 = vector.broadcast %mul3A_604 : i32 to vector<16xi32>
      %mul3A_606 = arith.muli %mul3A_605, %add3A_603 : vector<16xi32>
      %add3A_607 = arith.constant 5 : i32
      %add3A_608 = vector.broadcast %add3A_607 : i32 to vector<16xi32>
      %add3A_609 = arith.addi %mul3A_606, %add3A_608 : vector<16xi32>
      %add3A_610 = arith.constant 32 : i32
      %add3A_611 = vector.broadcast %add3A_610 : i32 to vector<16xi32>
      %add3A_612 = arith.addi %add3A_611, %iota3A : vector<16xi32>
      %mul3A_613 = arith.constant 9 : i32
      %mul3A_614 = vector.broadcast %mul3A_613 : i32 to vector<16xi32>
      %mul3A_615 = arith.muli %mul3A_614, %add3A_612 : vector<16xi32>
      %add3A_616 = arith.constant 6 : i32
      %add3A_617 = vector.broadcast %add3A_616 : i32 to vector<16xi32>
      %add3A_618 = arith.addi %mul3A_615, %add3A_617 : vector<16xi32>
      %add3A_619 = arith.constant 32 : i32
      %add3A_620 = vector.broadcast %add3A_619 : i32 to vector<16xi32>
      %add3A_621 = arith.addi %add3A_620, %iota3A : vector<16xi32>
      %mul3A_622 = arith.constant 9 : i32
      %mul3A_623 = vector.broadcast %mul3A_622 : i32 to vector<16xi32>
      %mul3A_624 = arith.muli %mul3A_623, %add3A_621 : vector<16xi32>
      %add3A_625 = arith.constant 7 : i32
      %add3A_626 = vector.broadcast %add3A_625 : i32 to vector<16xi32>
      %add3A_627 = arith.addi %mul3A_624, %add3A_626 : vector<16xi32>
      %add3A_628 = arith.constant 32 : i32
      %add3A_629 = vector.broadcast %add3A_628 : i32 to vector<16xi32>
      %add3A_630 = arith.addi %add3A_629, %iota3A : vector<16xi32>
      %mul3A_631 = arith.constant 9 : i32
      %mul3A_632 = vector.broadcast %mul3A_631 : i32 to vector<16xi32>
      %mul3A_633 = arith.muli %mul3A_632, %add3A_630 : vector<16xi32>
      %add3A_634 = arith.constant 8 : i32
      %add3A_635 = vector.broadcast %add3A_634 : i32 to vector<16xi32>
      %add3A_636 = arith.addi %mul3A_633, %add3A_635 : vector<16xi32>
      %gather3A_637 = tpu.vector_load_idx %arg4[%add3A_564] : memref<1152xf32, #tpu.memory_space<vmem>>[vector<16xi32>], vector<16xf32>,
      %gather3A_638 = tpu.vector_load_idx %arg4[%add3A_573] : memref<1152xf32, #tpu.memory_space<vmem>>[vector<16xi32>], vector<16xf32>,
      %gather3A_639 = tpu.vector_load_idx %arg4[%add3A_582] : memref<1152xf32, #tpu.memory_space<vmem>>[vector<16xi32>], vector<16xf32>,
      %gather3A_640 = tpu.vector_load_idx %arg4[%add3A_591] : memref<1152xf32, #tpu.memory_space<vmem>>[vector<16xi32>], vector<16xf32>,
      %gather3A_641 = tpu.vector_load_idx %arg4[%add3A_600] : memref<1152xf32, #tpu.memory_space<vmem>>[vector<16xi32>], vector<16xf32>,
      %gather3A_642 = tpu.vector_load_idx %arg4[%add3A_609] : memref<1152xf32, #tpu.memory_space<vmem>>[vector<16xi32>], vector<16xf32>,
      %gather3A_643 = tpu.vector_load_idx %arg4[%add3A_618] : memref<1152xf32, #tpu.memory_space<vmem>>[vector<16xi32>], vector<16xf32>,
      %gather3A_644 = tpu.vector_load_idx %arg4[%add3A_627] : memref<1152xf32, #tpu.memory_space<vmem>>[vector<16xi32>], vector<16xf32>,
      %gather3A_645 = tpu.vector_load_idx %arg4[%add3A_636] : memref<1152xf32, #tpu.memory_space<vmem>>[vector<16xi32>], vector<16xf32>,
      %max3A_646 = arith.maximumf %gather3A_637, %gather3A_638 : vector<16xf32>
      %max3A_647 = arith.maximumf %max3A_646, %gather3A_639 : vector<16xf32>
      %max3A_648 = arith.maximumf %max3A_647, %gather3A_640 : vector<16xf32>
      %max3A_649 = arith.maximumf %max3A_648, %gather3A_641 : vector<16xf32>
      %max3A_650 = arith.maximumf %max3A_649, %gather3A_642 : vector<16xf32>
      %max3A_651 = arith.maximumf %max3A_650, %gather3A_643 : vector<16xf32>
      %max3A_652 = arith.maximumf %max3A_651, %gather3A_644 : vector<16xf32>
      %sub3A_653 = arith.subf %gather3A_637, %max3A_652 : vector<16xf32>
      %exp3A_654 = math.exp %sub3A_653 : vector<16xf32>
      %sub3A_655 = arith.subf %gather3A_638, %max3A_652 : vector<16xf32>
      %exp3A_656 = math.exp %sub3A_655 : vector<16xf32>
      %sub3A_657 = arith.subf %gather3A_639, %max3A_652 : vector<16xf32>
      %exp3A_658 = math.exp %sub3A_657 : vector<16xf32>
      %sub3A_659 = arith.subf %gather3A_640, %max3A_652 : vector<16xf32>
      %exp3A_660 = math.exp %sub3A_659 : vector<16xf32>
      %sub3A_661 = arith.subf %gather3A_641, %max3A_652 : vector<16xf32>
      %exp3A_662 = math.exp %sub3A_661 : vector<16xf32>
      %sub3A_663 = arith.subf %gather3A_642, %max3A_652 : vector<16xf32>
      %exp3A_664 = math.exp %sub3A_663 : vector<16xf32>
      %sub3A_665 = arith.subf %gather3A_643, %max3A_652 : vector<16xf32>
      %exp3A_666 = math.exp %sub3A_665 : vector<16xf32>
      %sub3A_667 = arith.subf %gather3A_644, %max3A_652 : vector<16xf32>
      %exp3A_668 = math.exp %sub3A_667 : vector<16xf32>
      %add3A_669 = arith.addf %exp3A_654, %exp3A_656 : vector<16xf32>
      %add3A_670 = arith.addf %add3A_669, %exp3A_658 : vector<16xf32>
      %add3A_671 = arith.addf %add3A_670, %exp3A_660 : vector<16xf32>
      %add3A_672 = arith.addf %add3A_671, %exp3A_662 : vector<16xf32>
      %add3A_673 = arith.addf %add3A_672, %exp3A_664 : vector<16xf32>
      %add3A_674 = arith.addf %add3A_673, %exp3A_666 : vector<16xf32>
      %add3A_675 = arith.addf %add3A_674, %exp3A_668 : vector<16xf32>
      %div3A_676 = arith.divf %exp3A_654, %add3A_675 : vector<16xf32>
      %div3A_677 = arith.divf %exp3A_656, %add3A_675 : vector<16xf32>
      %div3A_678 = arith.divf %exp3A_658, %add3A_675 : vector<16xf32>
      %div3A_679 = arith.divf %exp3A_660, %add3A_675 : vector<16xf32>
      %div3A_680 = arith.divf %exp3A_662, %add3A_675 : vector<16xf32>
      %div3A_681 = arith.divf %exp3A_664, %add3A_675 : vector<16xf32>
      %div3A_682 = arith.divf %exp3A_666, %add3A_675 : vector<16xf32>
      %div3A_683 = arith.divf %exp3A_668, %add3A_675 : vector<16xf32>
      %max3A_684 = arith.maximumf %div3A_676, %div3A_677 : vector<16xf32>
      %max3A_685 = arith.maximumf %max3A_684, %div3A_678 : vector<16xf32>
      %max3A_686 = arith.maximumf %max3A_685, %div3A_679 : vector<16xf32>
      %max3A_687 = arith.maximumf %max3A_686, %div3A_680 : vector<16xf32>
      %max3A_688 = arith.maximumf %max3A_687, %div3A_681 : vector<16xf32>
      %max3A_689 = arith.maximumf %max3A_688, %div3A_682 : vector<16xf32>
      %max3A_690 = arith.maximumf %max3A_689, %div3A_683 : vector<16xf32>
      %broadcast_in_dim3A_691 = arith.constant false
      %broadcast_in_dim3A_692 = vector.broadcast %broadcast_in_dim3A_691 : i1 to vector<16xi1>
      %eq3A_693 = arith.cmpf oeq, %div3A_676, %max3A_690 : vector<16xf32>
      %not3A_694 = arith.constant dense<true> : vector<16xi1>
      %not3A_695 = arith.xori %broadcast_in_dim3A_692, %not3A_694 : vector<16xi1>
      %and3A_696 = arith.andi %eq3A_693, %not3A_695 : vector<16xi1>
      %or3A_697 = arith.ori %broadcast_in_dim3A_692, %and3A_696 : vector<16xi1>
      %eq3A_698 = arith.cmpf oeq, %div3A_677, %max3A_690 : vector<16xf32>
      %not3A_699 = arith.constant dense<true> : vector<16xi1>
      %not3A_700 = arith.xori %or3A_697, %not3A_699 : vector<16xi1>
      %and3A_701 = arith.andi %eq3A_698, %not3A_700 : vector<16xi1>
      %or3A_702 = arith.ori %or3A_697, %and3A_701 : vector<16xi1>
      %eq3A_703 = arith.cmpf oeq, %div3A_678, %max3A_690 : vector<16xf32>
      %not3A_704 = arith.constant dense<true> : vector<16xi1>
      %not3A_705 = arith.xori %or3A_702, %not3A_704 : vector<16xi1>
      %and3A_706 = arith.andi %eq3A_703, %not3A_705 : vector<16xi1>
      %or3A_707 = arith.ori %or3A_702, %and3A_706 : vector<16xi1>
      %eq3A_708 = arith.cmpf oeq, %div3A_679, %max3A_690 : vector<16xf32>
      %not3A_709 = arith.constant dense<true> : vector<16xi1>
      %not3A_710 = arith.xori %or3A_707, %not3A_709 : vector<16xi1>
      %and3A_711 = arith.andi %eq3A_708, %not3A_710 : vector<16xi1>
      %or3A_712 = arith.ori %or3A_707, %and3A_711 : vector<16xi1>
      %eq3A_713 = arith.cmpf oeq, %div3A_680, %max3A_690 : vector<16xf32>
      %not3A_714 = arith.constant dense<true> : vector<16xi1>
      %not3A_715 = arith.xori %or3A_712, %not3A_714 : vector<16xi1>
      %and3A_716 = arith.andi %eq3A_713, %not3A_715 : vector<16xi1>
      %or3A_717 = arith.ori %or3A_712, %and3A_716 : vector<16xi1>
      %eq3A_718 = arith.cmpf oeq, %div3A_681, %max3A_690 : vector<16xf32>
      %not3A_719 = arith.constant dense<true> : vector<16xi1>
      %not3A_720 = arith.xori %or3A_717, %not3A_719 : vector<16xi1>
      %and3A_721 = arith.andi %eq3A_718, %not3A_720 : vector<16xi1>
      %or3A_722 = arith.ori %or3A_717, %and3A_721 : vector<16xi1>
      %eq3A_723 = arith.cmpf oeq, %div3A_682, %max3A_690 : vector<16xf32>
      %not3A_724 = arith.constant dense<true> : vector<16xi1>
      %not3A_725 = arith.xori %or3A_722, %not3A_724 : vector<16xi1>
      %and3A_726 = arith.andi %eq3A_723, %not3A_725 : vector<16xi1>
      %or3A_727 = arith.ori %or3A_722, %and3A_726 : vector<16xi1>
      %eq3A_728 = arith.cmpf oeq, %div3A_683, %max3A_690 : vector<16xf32>
      %not3A_729 = arith.constant dense<true> : vector<16xi1>
      %not3A_730 = arith.xori %or3A_727, %not3A_729 : vector<16xi1>
      %and3A_731 = arith.andi %eq3A_728, %not3A_730 : vector<16xi1>
      %or3A_732 = arith.ori %or3A_727, %and3A_731 : vector<16xi1>
      %jit3A_733 = arith.constant -1.000000e+00 : f32
      %broadcast_in_dim3A_734 = vector.broadcast %jit3A_733 : f32 to vector<16xf32>
      %select_n3A_735 = arith.select %and3A_696, %broadcast_in_dim3A_734, %div3A_676 : vector<16xi1>, vector<16xf32>
      %jit3A_736 = arith.constant -1.000000e+00 : f32
      %broadcast_in_dim3A_737 = vector.broadcast %jit3A_736 : f32 to vector<16xf32>
      %select_n3A_738 = arith.select %and3A_701, %broadcast_in_dim3A_737, %div3A_677 : vector<16xi1>, vector<16xf32>
      %jit3A_739 = arith.constant -1.000000e+00 : f32
      %broadcast_in_dim3A_740 = vector.broadcast %jit3A_739 : f32 to vector<16xf32>
      %select_n3A_741 = arith.select %and3A_706, %broadcast_in_dim3A_740, %div3A_678 : vector<16xi1>, vector<16xf32>
      %jit3A_742 = arith.constant -1.000000e+00 : f32
      %broadcast_in_dim3A_743 = vector.broadcast %jit3A_742 : f32 to vector<16xf32>
      %select_n3A_744 = arith.select %and3A_711, %broadcast_in_dim3A_743, %div3A_679 : vector<16xi1>, vector<16xf32>
      %jit3A_745 = arith.constant -1.000000e+00 : f32
      %broadcast_in_dim3A_746 = vector.broadcast %jit3A_745 : f32 to vector<16xf32>
      %select_n3A_747 = arith.select %and3A_716, %broadcast_in_dim3A_746, %div3A_680 : vector<16xi1>, vector<16xf32>
      %jit3A_748 = arith.constant -1.000000e+00 : f32
      %broadcast_in_dim3A_749 = vector.broadcast %jit3A_748 : f32 to vector<16xf32>
      %select_n3A_750 = arith.select %and3A_721, %broadcast_in_dim3A_749, %div3A_681 : vector<16xi1>, vector<16xf32>
      %jit3A_751 = arith.constant -1.000000e+00 : f32
      %broadcast_in_dim3A_752 = vector.broadcast %jit3A_751 : f32 to vector<16xf32>
      %select_n3A_753 = arith.select %and3A_726, %broadcast_in_dim3A_752, %div3A_682 : vector<16xi1>, vector<16xf32>
      %jit3A_754 = arith.constant -1.000000e+00 : f32
      %broadcast_in_dim3A_755 = vector.broadcast %jit3A_754 : f32 to vector<16xf32>
      %select_n3A_756 = arith.select %and3A_731, %broadcast_in_dim3A_755, %div3A_683 : vector<16xi1>, vector<16xf32>
      %max3A_757 = arith.maximumf %select_n3A_735, %select_n3A_738 : vector<16xf32>
      %max3A_758 = arith.maximumf %max3A_757, %select_n3A_741 : vector<16xf32>
      %max3A_759 = arith.maximumf %max3A_758, %select_n3A_744 : vector<16xf32>
      %max3A_760 = arith.maximumf %max3A_759, %select_n3A_747 : vector<16xf32>
      %max3A_761 = arith.maximumf %max3A_760, %select_n3A_750 : vector<16xf32>
      %max3A_762 = arith.maximumf %max3A_761, %select_n3A_753 : vector<16xf32>
      %max3A_763 = arith.maximumf %max3A_762, %select_n3A_756 : vector<16xf32>
      %broadcast_in_dim3A_764 = arith.constant false
      %broadcast_in_dim3A_765 = vector.broadcast %broadcast_in_dim3A_764 : i1 to vector<16xi1>
      %eq3A_766 = arith.cmpf oeq, %select_n3A_735, %max3A_763 : vector<16xf32>
      %not3A_767 = arith.constant dense<true> : vector<16xi1>
      %not3A_768 = arith.xori %broadcast_in_dim3A_765, %not3A_767 : vector<16xi1>
      %and3A_769 = arith.andi %eq3A_766, %not3A_768 : vector<16xi1>
      %or3A_770 = arith.ori %broadcast_in_dim3A_765, %and3A_769 : vector<16xi1>
      %eq3A_771 = arith.cmpf oeq, %select_n3A_738, %max3A_763 : vector<16xf32>
      %not3A_772 = arith.constant dense<true> : vector<16xi1>
      %not3A_773 = arith.xori %or3A_770, %not3A_772 : vector<16xi1>
      %and3A_774 = arith.andi %eq3A_771, %not3A_773 : vector<16xi1>
      %or3A_775 = arith.ori %or3A_770, %and3A_774 : vector<16xi1>
      %eq3A_776 = arith.cmpf oeq, %select_n3A_741, %max3A_763 : vector<16xf32>
      %not3A_777 = arith.constant dense<true> : vector<16xi1>
      %not3A_778 = arith.xori %or3A_775, %not3A_777 : vector<16xi1>
      %and3A_779 = arith.andi %eq3A_776, %not3A_778 : vector<16xi1>
      %or3A_780 = arith.ori %or3A_775, %and3A_779 : vector<16xi1>
      %eq3A_781 = arith.cmpf oeq, %select_n3A_744, %max3A_763 : vector<16xf32>
      %not3A_782 = arith.constant dense<true> : vector<16xi1>
      %not3A_783 = arith.xori %or3A_780, %not3A_782 : vector<16xi1>
      %and3A_784 = arith.andi %eq3A_781, %not3A_783 : vector<16xi1>
      %or3A_785 = arith.ori %or3A_780, %and3A_784 : vector<16xi1>
      %eq3A_786 = arith.cmpf oeq, %select_n3A_747, %max3A_763 : vector<16xf32>
      %not3A_787 = arith.constant dense<true> : vector<16xi1>
      %not3A_788 = arith.xori %or3A_785, %not3A_787 : vector<16xi1>
      %and3A_789 = arith.andi %eq3A_786, %not3A_788 : vector<16xi1>
      %or3A_790 = arith.ori %or3A_785, %and3A_789 : vector<16xi1>
      %eq3A_791 = arith.cmpf oeq, %select_n3A_750, %max3A_763 : vector<16xf32>
      %not3A_792 = arith.constant dense<true> : vector<16xi1>
      %not3A_793 = arith.xori %or3A_790, %not3A_792 : vector<16xi1>
      %and3A_794 = arith.andi %eq3A_791, %not3A_793 : vector<16xi1>
      %or3A_795 = arith.ori %or3A_790, %and3A_794 : vector<16xi1>
      %eq3A_796 = arith.cmpf oeq, %select_n3A_753, %max3A_763 : vector<16xf32>
      %not3A_797 = arith.constant dense<true> : vector<16xi1>
      %not3A_798 = arith.xori %or3A_795, %not3A_797 : vector<16xi1>
      %and3A_799 = arith.andi %eq3A_796, %not3A_798 : vector<16xi1>
      %or3A_800 = arith.ori %or3A_795, %and3A_799 : vector<16xi1>
      %eq3A_801 = arith.cmpf oeq, %select_n3A_756, %max3A_763 : vector<16xf32>
      %not3A_802 = arith.constant dense<true> : vector<16xi1>
      %not3A_803 = arith.xori %or3A_800, %not3A_802 : vector<16xi1>
      %and3A_804 = arith.andi %eq3A_801, %not3A_803 : vector<16xi1>
      %or3A_805 = arith.ori %or3A_800, %and3A_804 : vector<16xi1>
      %add3A_806 = arith.addf %max3A_690, %max3A_763 : vector<16xf32>
      %div3A_807 = arith.divf %max3A_690, %add3A_806 : vector<16xf32>
      %div3A_808 = arith.divf %max3A_763, %add3A_806 : vector<16xf32>
      %broadcast_in_dim3A_809 = arith.constant 0.000000e+00 : f32
      %broadcast_in_dim3A_810 = vector.broadcast %broadcast_in_dim3A_809 : f32 to vector<16xf32>
      %select_n3A_811 = arith.select %and3A_769, %div3A_808, %broadcast_in_dim3A_810 : vector<16xi1>, vector<16xf32>
      %select_n3A_812 = arith.select %and3A_696, %div3A_807, %select_n3A_811 : vector<16xi1>, vector<16xf32>
      tpu.vector_store_idx %arg5[%add3A_564], %select_n3A_812 : memref<1152xf32, #tpu.memory_space<vmem>>[vector<16xi32>], vector<16xf32>,
      %select_n3A_813 = arith.select %and3A_774, %div3A_808, %broadcast_in_dim3A_810 : vector<16xi1>, vector<16xf32>
      %select_n3A_814 = arith.select %and3A_701, %div3A_807, %select_n3A_813 : vector<16xi1>, vector<16xf32>
      tpu.vector_store_idx %arg5[%add3A_573], %select_n3A_814 : memref<1152xf32, #tpu.memory_space<vmem>>[vector<16xi32>], vector<16xf32>,
      %select_n3A_815 = arith.select %and3A_779, %div3A_808, %broadcast_in_dim3A_810 : vector<16xi1>, vector<16xf32>
      %select_n3A_816 = arith.select %and3A_706, %div3A_807, %select_n3A_815 : vector<16xi1>, vector<16xf32>
      tpu.vector_store_idx %arg5[%add3A_582], %select_n3A_816 : memref<1152xf32, #tpu.memory_space<vmem>>[vector<16xi32>], vector<16xf32>,
      %select_n3A_817 = arith.select %and3A_784, %div3A_808, %broadcast_in_dim3A_810 : vector<16xi1>, vector<16xf32>
      %select_n3A_818 = arith.select %and3A_711, %div3A_807, %select_n3A_817 : vector<16xi1>, vector<16xf32>
      tpu.vector_store_idx %arg5[%add3A_591], %select_n3A_818 : memref<1152xf32, #tpu.memory_space<vmem>>[vector<16xi32>], vector<16xf32>,
      %select_n3A_819 = arith.select %and3A_789, %div3A_808, %broadcast_in_dim3A_810 : vector<16xi1>, vector<16xf32>
      %select_n3A_820 = arith.select %and3A_716, %div3A_807, %select_n3A_819 : vector<16xi1>, vector<16xf32>
      tpu.vector_store_idx %arg5[%add3A_600], %select_n3A_820 : memref<1152xf32, #tpu.memory_space<vmem>>[vector<16xi32>], vector<16xf32>,
      %select_n3A_821 = arith.select %and3A_794, %div3A_808, %broadcast_in_dim3A_810 : vector<16xi1>, vector<16xf32>
      %select_n3A_822 = arith.select %and3A_721, %div3A_807, %select_n3A_821 : vector<16xi1>, vector<16xf32>
      tpu.vector_store_idx %arg5[%add3A_609], %select_n3A_822 : memref<1152xf32, #tpu.memory_space<vmem>>[vector<16xi32>], vector<16xf32>,
      %select_n3A_823 = arith.select %and3A_799, %div3A_808, %broadcast_in_dim3A_810 : vector<16xi1>, vector<16xf32>
      %select_n3A_824 = arith.select %and3A_726, %div3A_807, %select_n3A_823 : vector<16xi1>, vector<16xf32>
      tpu.vector_store_idx %arg5[%add3A_618], %select_n3A_824 : memref<1152xf32, #tpu.memory_space<vmem>>[vector<16xi32>], vector<16xf32>,
      %select_n3A_825 = arith.select %and3A_804, %div3A_808, %broadcast_in_dim3A_810 : vector<16xi1>, vector<16xf32>
      %select_n3A_826 = arith.select %and3A_731, %div3A_807, %select_n3A_825 : vector<16xi1>, vector<16xf32>
      tpu.vector_store_idx %arg5[%add3A_627], %select_n3A_826 : memref<1152xf32, #tpu.memory_space<vmem>>[vector<16xi32>], vector<16xf32>,
      %neg3A_827 = arith.constant 0.000000e+00 : f32
      %neg3A_828 = vector.broadcast %neg3A_827 : f32 to vector<16xf32>
      %neg3A_829 = arith.subf %neg3A_828, %gather3A_645 : vector<16xf32>
      %exp3A_830 = math.exp %neg3A_829 : vector<16xf32>
      %add3A_831 = arith.constant 1.000000e+00 : f32
      %add3A_832 = vector.broadcast %add3A_831 : f32 to vector<16xf32>
      %add3A_833 = arith.addf %add3A_832, %exp3A_830 : vector<16xf32>
      %div3A_834 = arith.constant 1.000000e+00 : f32
      %div3A_835 = vector.broadcast %div3A_834 : f32 to vector<16xf32>
      %div3A_836 = arith.divf %div3A_835, %add3A_833 : vector<16xf32>
      tpu.vector_store_idx %arg5[%add3A_636], %div3A_836 : memref<1152xf32, #tpu.memory_space<vmem>>[vector<16xi32>], vector<16xf32>,
      %add3A_837 = arith.constant 48 : i32
      %add3A_838 = vector.broadcast %add3A_837 : i32 to vector<16xi32>
      %add3A_839 = arith.addi %add3A_838, %iota3A : vector<16xi32>
      %mul3A_840 = arith.constant 9 : i32
      %mul3A_841 = vector.broadcast %mul3A_840 : i32 to vector<16xi32>
      %mul3A_842 = arith.muli %mul3A_841, %add3A_839 : vector<16xi32>
      %add3A_843 = arith.constant 0 : i32
      %add3A_844 = vector.broadcast %add3A_843 : i32 to vector<16xi32>
      %add3A_845 = arith.addi %mul3A_842, %add3A_844 : vector<16xi32>
      %add3A_846 = arith.constant 48 : i32
      %add3A_847 = vector.broadcast %add3A_846 : i32 to vector<16xi32>
      %add3A_848 = arith.addi %add3A_847, %iota3A : vector<16xi32>
      %mul3A_849 = arith.constant 9 : i32
      %mul3A_850 = vector.broadcast %mul3A_849 : i32 to vector<16xi32>
      %mul3A_851 = arith.muli %mul3A_850, %add3A_848 : vector<16xi32>
      %add3A_852 = arith.constant 1 : i32
      %add3A_853 = vector.broadcast %add3A_852 : i32 to vector<16xi32>
      %add3A_854 = arith.addi %mul3A_851, %add3A_853 : vector<16xi32>
      %add3A_855 = arith.constant 48 : i32
      %add3A_856 = vector.broadcast %add3A_855 : i32 to vector<16xi32>
      %add3A_857 = arith.addi %add3A_856, %iota3A : vector<16xi32>
      %mul3A_858 = arith.constant 9 : i32
      %mul3A_859 = vector.broadcast %mul3A_858 : i32 to vector<16xi32>
      %mul3A_860 = arith.muli %mul3A_859, %add3A_857 : vector<16xi32>
      %add3A_861 = arith.constant 2 : i32
      %add3A_862 = vector.broadcast %add3A_861 : i32 to vector<16xi32>
      %add3A_863 = arith.addi %mul3A_860, %add3A_862 : vector<16xi32>
      %add3A_864 = arith.constant 48 : i32
      %add3A_865 = vector.broadcast %add3A_864 : i32 to vector<16xi32>
      %add3A_866 = arith.addi %add3A_865, %iota3A : vector<16xi32>
      %mul3A_867 = arith.constant 9 : i32
      %mul3A_868 = vector.broadcast %mul3A_867 : i32 to vector<16xi32>
      %mul3A_869 = arith.muli %mul3A_868, %add3A_866 : vector<16xi32>
      %add3A_870 = arith.constant 3 : i32
      %add3A_871 = vector.broadcast %add3A_870 : i32 to vector<16xi32>
      %add3A_872 = arith.addi %mul3A_869, %add3A_871 : vector<16xi32>
      %add3A_873 = arith.constant 48 : i32
      %add3A_874 = vector.broadcast %add3A_873 : i32 to vector<16xi32>
      %add3A_875 = arith.addi %add3A_874, %iota3A : vector<16xi32>
      %mul3A_876 = arith.constant 9 : i32
      %mul3A_877 = vector.broadcast %mul3A_876 : i32 to vector<16xi32>
      %mul3A_878 = arith.muli %mul3A_877, %add3A_875 : vector<16xi32>
      %add3A_879 = arith.constant 4 : i32
      %add3A_880 = vector.broadcast %add3A_879 : i32 to vector<16xi32>
      %add3A_881 = arith.addi %mul3A_878, %add3A_880 : vector<16xi32>
      %add3A_882 = arith.constant 48 : i32
      %add3A_883 = vector.broadcast %add3A_882 : i32 to vector<16xi32>
      %add3A_884 = arith.addi %add3A_883, %iota3A : vector<16xi32>
      %mul3A_885 = arith.constant 9 : i32
      %mul3A_886 = vector.broadcast %mul3A_885 : i32 to vector<16xi32>
      %mul3A_887 = arith.muli %mul3A_886, %add3A_884 : vector<16xi32>
      %add3A_888 = arith.constant 5 : i32
      %add3A_889 = vector.broadcast %add3A_888 : i32 to vector<16xi32>
      %add3A_890 = arith.addi %mul3A_887, %add3A_889 : vector<16xi32>
      %add3A_891 = arith.constant 48 : i32
      %add3A_892 = vector.broadcast %add3A_891 : i32 to vector<16xi32>
      %add3A_893 = arith.addi %add3A_892, %iota3A : vector<16xi32>
      %mul3A_894 = arith.constant 9 : i32
      %mul3A_895 = vector.broadcast %mul3A_894 : i32 to vector<16xi32>
      %mul3A_896 = arith.muli %mul3A_895, %add3A_893 : vector<16xi32>
      %add3A_897 = arith.constant 6 : i32
      %add3A_898 = vector.broadcast %add3A_897 : i32 to vector<16xi32>
      %add3A_899 = arith.addi %mul3A_896, %add3A_898 : vector<16xi32>
      %add3A_900 = arith.constant 48 : i32
      %add3A_901 = vector.broadcast %add3A_900 : i32 to vector<16xi32>
      %add3A_902 = arith.addi %add3A_901, %iota3A : vector<16xi32>
      %mul3A_903 = arith.constant 9 : i32
      %mul3A_904 = vector.broadcast %mul3A_903 : i32 to vector<16xi32>
      %mul3A_905 = arith.muli %mul3A_904, %add3A_902 : vector<16xi32>
      %add3A_906 = arith.constant 7 : i32
      %add3A_907 = vector.broadcast %add3A_906 : i32 to vector<16xi32>
      %add3A_908 = arith.addi %mul3A_905, %add3A_907 : vector<16xi32>
      %add3A_909 = arith.constant 48 : i32
      %add3A_910 = vector.broadcast %add3A_909 : i32 to vector<16xi32>
      %add3A_911 = arith.addi %add3A_910, %iota3A : vector<16xi32>
      %mul3A_912 = arith.constant 9 : i32
      %mul3A_913 = vector.broadcast %mul3A_912 : i32 to vector<16xi32>
      %mul3A_914 = arith.muli %mul3A_913, %add3A_911 : vector<16xi32>
      %add3A_915 = arith.constant 8 : i32
      %add3A_916 = vector.broadcast %add3A_915 : i32 to vector<16xi32>
      %add3A_917 = arith.addi %mul3A_914, %add3A_916 : vector<16xi32>
      %gather3A_918 = tpu.vector_load_idx %arg4[%add3A_845] : memref<1152xf32, #tpu.memory_space<vmem>>[vector<16xi32>], vector<16xf32>,
      %gather3A_919 = tpu.vector_load_idx %arg4[%add3A_854] : memref<1152xf32, #tpu.memory_space<vmem>>[vector<16xi32>], vector<16xf32>,
      %gather3A_920 = tpu.vector_load_idx %arg4[%add3A_863] : memref<1152xf32, #tpu.memory_space<vmem>>[vector<16xi32>], vector<16xf32>,
      %gather3A_921 = tpu.vector_load_idx %arg4[%add3A_872] : memref<1152xf32, #tpu.memory_space<vmem>>[vector<16xi32>], vector<16xf32>,
      %gather3A_922 = tpu.vector_load_idx %arg4[%add3A_881] : memref<1152xf32, #tpu.memory_space<vmem>>[vector<16xi32>], vector<16xf32>,
      %gather3A_923 = tpu.vector_load_idx %arg4[%add3A_890] : memref<1152xf32, #tpu.memory_space<vmem>>[vector<16xi32>], vector<16xf32>,
      %gather3A_924 = tpu.vector_load_idx %arg4[%add3A_899] : memref<1152xf32, #tpu.memory_space<vmem>>[vector<16xi32>], vector<16xf32>,
      %gather3A_925 = tpu.vector_load_idx %arg4[%add3A_908] : memref<1152xf32, #tpu.memory_space<vmem>>[vector<16xi32>], vector<16xf32>,
      %gather3A_926 = tpu.vector_load_idx %arg4[%add3A_917] : memref<1152xf32, #tpu.memory_space<vmem>>[vector<16xi32>], vector<16xf32>,
      %max3A_927 = arith.maximumf %gather3A_918, %gather3A_919 : vector<16xf32>
      %max3A_928 = arith.maximumf %max3A_927, %gather3A_920 : vector<16xf32>
      %max3A_929 = arith.maximumf %max3A_928, %gather3A_921 : vector<16xf32>
      %max3A_930 = arith.maximumf %max3A_929, %gather3A_922 : vector<16xf32>
      %max3A_931 = arith.maximumf %max3A_930, %gather3A_923 : vector<16xf32>
      %max3A_932 = arith.maximumf %max3A_931, %gather3A_924 : vector<16xf32>
      %max3A_933 = arith.maximumf %max3A_932, %gather3A_925 : vector<16xf32>
      %sub3A_934 = arith.subf %gather3A_918, %max3A_933 : vector<16xf32>
      %exp3A_935 = math.exp %sub3A_934 : vector<16xf32>
      %sub3A_936 = arith.subf %gather3A_919, %max3A_933 : vector<16xf32>
      %exp3A_937 = math.exp %sub3A_936 : vector<16xf32>
      %sub3A_938 = arith.subf %gather3A_920, %max3A_933 : vector<16xf32>
      %exp3A_939 = math.exp %sub3A_938 : vector<16xf32>
      %sub3A_940 = arith.subf %gather3A_921, %max3A_933 : vector<16xf32>
      %exp3A_941 = math.exp %sub3A_940 : vector<16xf32>
      %sub3A_942 = arith.subf %gather3A_922, %max3A_933 : vector<16xf32>
      %exp3A_943 = math.exp %sub3A_942 : vector<16xf32>
      %sub3A_944 = arith.subf %gather3A_923, %max3A_933 : vector<16xf32>
      %exp3A_945 = math.exp %sub3A_944 : vector<16xf32>
      %sub3A_946 = arith.subf %gather3A_924, %max3A_933 : vector<16xf32>
      %exp3A_947 = math.exp %sub3A_946 : vector<16xf32>
      %sub3A_948 = arith.subf %gather3A_925, %max3A_933 : vector<16xf32>
      %exp3A_949 = math.exp %sub3A_948 : vector<16xf32>
      %add3A_950 = arith.addf %exp3A_935, %exp3A_937 : vector<16xf32>
      %add3A_951 = arith.addf %add3A_950, %exp3A_939 : vector<16xf32>
      %add3A_952 = arith.addf %add3A_951, %exp3A_941 : vector<16xf32>
      %add3A_953 = arith.addf %add3A_952, %exp3A_943 : vector<16xf32>
      %add3A_954 = arith.addf %add3A_953, %exp3A_945 : vector<16xf32>
      %add3A_955 = arith.addf %add3A_954, %exp3A_947 : vector<16xf32>
      %add3A_956 = arith.addf %add3A_955, %exp3A_949 : vector<16xf32>
      %div3A_957 = arith.divf %exp3A_935, %add3A_956 : vector<16xf32>
      %div3A_958 = arith.divf %exp3A_937, %add3A_956 : vector<16xf32>
      %div3A_959 = arith.divf %exp3A_939, %add3A_956 : vector<16xf32>
      %div3A_960 = arith.divf %exp3A_941, %add3A_956 : vector<16xf32>
      %div3A_961 = arith.divf %exp3A_943, %add3A_956 : vector<16xf32>
      %div3A_962 = arith.divf %exp3A_945, %add3A_956 : vector<16xf32>
      %div3A_963 = arith.divf %exp3A_947, %add3A_956 : vector<16xf32>
      %div3A_964 = arith.divf %exp3A_949, %add3A_956 : vector<16xf32>
      %max3A_965 = arith.maximumf %div3A_957, %div3A_958 : vector<16xf32>
      %max3A_966 = arith.maximumf %max3A_965, %div3A_959 : vector<16xf32>
      %max3A_967 = arith.maximumf %max3A_966, %div3A_960 : vector<16xf32>
      %max3A_968 = arith.maximumf %max3A_967, %div3A_961 : vector<16xf32>
      %max3A_969 = arith.maximumf %max3A_968, %div3A_962 : vector<16xf32>
      %max3A_970 = arith.maximumf %max3A_969, %div3A_963 : vector<16xf32>
      %max3A_971 = arith.maximumf %max3A_970, %div3A_964 : vector<16xf32>
      %broadcast_in_dim3A_972 = arith.constant false
      %broadcast_in_dim3A_973 = vector.broadcast %broadcast_in_dim3A_972 : i1 to vector<16xi1>
      %eq3A_974 = arith.cmpf oeq, %div3A_957, %max3A_971 : vector<16xf32>
      %not3A_975 = arith.constant dense<true> : vector<16xi1>
      %not3A_976 = arith.xori %broadcast_in_dim3A_973, %not3A_975 : vector<16xi1>
      %and3A_977 = arith.andi %eq3A_974, %not3A_976 : vector<16xi1>
      %or3A_978 = arith.ori %broadcast_in_dim3A_973, %and3A_977 : vector<16xi1>
      %eq3A_979 = arith.cmpf oeq, %div3A_958, %max3A_971 : vector<16xf32>
      %not3A_980 = arith.constant dense<true> : vector<16xi1>
      %not3A_981 = arith.xori %or3A_978, %not3A_980 : vector<16xi1>
      %and3A_982 = arith.andi %eq3A_979, %not3A_981 : vector<16xi1>
      %or3A_983 = arith.ori %or3A_978, %and3A_982 : vector<16xi1>
      %eq3A_984 = arith.cmpf oeq, %div3A_959, %max3A_971 : vector<16xf32>
      %not3A_985 = arith.constant dense<true> : vector<16xi1>
      %not3A_986 = arith.xori %or3A_983, %not3A_985 : vector<16xi1>
      %and3A_987 = arith.andi %eq3A_984, %not3A_986 : vector<16xi1>
      %or3A_988 = arith.ori %or3A_983, %and3A_987 : vector<16xi1>
      %eq3A_989 = arith.cmpf oeq, %div3A_960, %max3A_971 : vector<16xf32>
      %not3A_990 = arith.constant dense<true> : vector<16xi1>
      %not3A_991 = arith.xori %or3A_988, %not3A_990 : vector<16xi1>
      %and3A_992 = arith.andi %eq3A_989, %not3A_991 : vector<16xi1>
      %or3A_993 = arith.ori %or3A_988, %and3A_992 : vector<16xi1>
      %eq3A_994 = arith.cmpf oeq, %div3A_961, %max3A_971 : vector<16xf32>
      %not3A_995 = arith.constant dense<true> : vector<16xi1>
      %not3A_996 = arith.xori %or3A_993, %not3A_995 : vector<16xi1>
      %and3A_997 = arith.andi %eq3A_994, %not3A_996 : vector<16xi1>
      %or3A_998 = arith.ori %or3A_993, %and3A_997 : vector<16xi1>
      %eq3A_999 = arith.cmpf oeq, %div3A_962, %max3A_971 : vector<16xf32>
      %not3A_1000 = arith.constant dense<true> : vector<16xi1>
      %not3A_1001 = arith.xori %or3A_998, %not3A_1000 : vector<16xi1>
      %and3A_1002 = arith.andi %eq3A_999, %not3A_1001 : vector<16xi1>
      %or3A_1003 = arith.ori %or3A_998, %and3A_1002 : vector<16xi1>
      %eq3A_1004 = arith.cmpf oeq, %div3A_963, %max3A_971 : vector<16xf32>
      %not3A_1005 = arith.constant dense<true> : vector<16xi1>
      %not3A_1006 = arith.xori %or3A_1003, %not3A_1005 : vector<16xi1>
      %and3A_1007 = arith.andi %eq3A_1004, %not3A_1006 : vector<16xi1>
      %or3A_1008 = arith.ori %or3A_1003, %and3A_1007 : vector<16xi1>
      %eq3A_1009 = arith.cmpf oeq, %div3A_964, %max3A_971 : vector<16xf32>
      %not3A_1010 = arith.constant dense<true> : vector<16xi1>
      %not3A_1011 = arith.xori %or3A_1008, %not3A_1010 : vector<16xi1>
      %and3A_1012 = arith.andi %eq3A_1009, %not3A_1011 : vector<16xi1>
      %or3A_1013 = arith.ori %or3A_1008, %and3A_1012 : vector<16xi1>
      %jit3A_1014 = arith.constant -1.000000e+00 : f32
      %broadcast_in_dim3A_1015 = vector.broadcast %jit3A_1014 : f32 to vector<16xf32>
      %select_n3A_1016 = arith.select %and3A_977, %broadcast_in_dim3A_1015, %div3A_957 : vector<16xi1>, vector<16xf32>
      %jit3A_1017 = arith.constant -1.000000e+00 : f32
      %broadcast_in_dim3A_1018 = vector.broadcast %jit3A_1017 : f32 to vector<16xf32>
      %select_n3A_1019 = arith.select %and3A_982, %broadcast_in_dim3A_1018, %div3A_958 : vector<16xi1>, vector<16xf32>
      %jit3A_1020 = arith.constant -1.000000e+00 : f32
      %broadcast_in_dim3A_1021 = vector.broadcast %jit3A_1020 : f32 to vector<16xf32>
      %select_n3A_1022 = arith.select %and3A_987, %broadcast_in_dim3A_1021, %div3A_959 : vector<16xi1>, vector<16xf32>
      %jit3A_1023 = arith.constant -1.000000e+00 : f32
      %broadcast_in_dim3A_1024 = vector.broadcast %jit3A_1023 : f32 to vector<16xf32>
      %select_n3A_1025 = arith.select %and3A_992, %broadcast_in_dim3A_1024, %div3A_960 : vector<16xi1>, vector<16xf32>
      %jit3A_1026 = arith.constant -1.000000e+00 : f32
      %broadcast_in_dim3A_1027 = vector.broadcast %jit3A_1026 : f32 to vector<16xf32>
      %select_n3A_1028 = arith.select %and3A_997, %broadcast_in_dim3A_1027, %div3A_961 : vector<16xi1>, vector<16xf32>
      %jit3A_1029 = arith.constant -1.000000e+00 : f32
      %broadcast_in_dim3A_1030 = vector.broadcast %jit3A_1029 : f32 to vector<16xf32>
      %select_n3A_1031 = arith.select %and3A_1002, %broadcast_in_dim3A_1030, %div3A_962 : vector<16xi1>, vector<16xf32>
      %jit3A_1032 = arith.constant -1.000000e+00 : f32
      %broadcast_in_dim3A_1033 = vector.broadcast %jit3A_1032 : f32 to vector<16xf32>
      %select_n3A_1034 = arith.select %and3A_1007, %broadcast_in_dim3A_1033, %div3A_963 : vector<16xi1>, vector<16xf32>
      %jit3A_1035 = arith.constant -1.000000e+00 : f32
      %broadcast_in_dim3A_1036 = vector.broadcast %jit3A_1035 : f32 to vector<16xf32>
      %select_n3A_1037 = arith.select %and3A_1012, %broadcast_in_dim3A_1036, %div3A_964 : vector<16xi1>, vector<16xf32>
      %max3A_1038 = arith.maximumf %select_n3A_1016, %select_n3A_1019 : vector<16xf32>
      %max3A_1039 = arith.maximumf %max3A_1038, %select_n3A_1022 : vector<16xf32>
      %max3A_1040 = arith.maximumf %max3A_1039, %select_n3A_1025 : vector<16xf32>
      %max3A_1041 = arith.maximumf %max3A_1040, %select_n3A_1028 : vector<16xf32>
      %max3A_1042 = arith.maximumf %max3A_1041, %select_n3A_1031 : vector<16xf32>
      %max3A_1043 = arith.maximumf %max3A_1042, %select_n3A_1034 : vector<16xf32>
      %max3A_1044 = arith.maximumf %max3A_1043, %select_n3A_1037 : vector<16xf32>
      %broadcast_in_dim3A_1045 = arith.constant false
      %broadcast_in_dim3A_1046 = vector.broadcast %broadcast_in_dim3A_1045 : i1 to vector<16xi1>
      %eq3A_1047 = arith.cmpf oeq, %select_n3A_1016, %max3A_1044 : vector<16xf32>
      %not3A_1048 = arith.constant dense<true> : vector<16xi1>
      %not3A_1049 = arith.xori %broadcast_in_dim3A_1046, %not3A_1048 : vector<16xi1>
      %and3A_1050 = arith.andi %eq3A_1047, %not3A_1049 : vector<16xi1>
      %or3A_1051 = arith.ori %broadcast_in_dim3A_1046, %and3A_1050 : vector<16xi1>
      %eq3A_1052 = arith.cmpf oeq, %select_n3A_1019, %max3A_1044 : vector<16xf32>
      %not3A_1053 = arith.constant dense<true> : vector<16xi1>
      %not3A_1054 = arith.xori %or3A_1051, %not3A_1053 : vector<16xi1>
      %and3A_1055 = arith.andi %eq3A_1052, %not3A_1054 : vector<16xi1>
      %or3A_1056 = arith.ori %or3A_1051, %and3A_1055 : vector<16xi1>
      %eq3A_1057 = arith.cmpf oeq, %select_n3A_1022, %max3A_1044 : vector<16xf32>
      %not3A_1058 = arith.constant dense<true> : vector<16xi1>
      %not3A_1059 = arith.xori %or3A_1056, %not3A_1058 : vector<16xi1>
      %and3A_1060 = arith.andi %eq3A_1057, %not3A_1059 : vector<16xi1>
      %or3A_1061 = arith.ori %or3A_1056, %and3A_1060 : vector<16xi1>
      %eq3A_1062 = arith.cmpf oeq, %select_n3A_1025, %max3A_1044 : vector<16xf32>
      %not3A_1063 = arith.constant dense<true> : vector<16xi1>
      %not3A_1064 = arith.xori %or3A_1061, %not3A_1063 : vector<16xi1>
      %and3A_1065 = arith.andi %eq3A_1062, %not3A_1064 : vector<16xi1>
      %or3A_1066 = arith.ori %or3A_1061, %and3A_1065 : vector<16xi1>
      %eq3A_1067 = arith.cmpf oeq, %select_n3A_1028, %max3A_1044 : vector<16xf32>
      %not3A_1068 = arith.constant dense<true> : vector<16xi1>
      %not3A_1069 = arith.xori %or3A_1066, %not3A_1068 : vector<16xi1>
      %and3A_1070 = arith.andi %eq3A_1067, %not3A_1069 : vector<16xi1>
      %or3A_1071 = arith.ori %or3A_1066, %and3A_1070 : vector<16xi1>
      %eq3A_1072 = arith.cmpf oeq, %select_n3A_1031, %max3A_1044 : vector<16xf32>
      %not3A_1073 = arith.constant dense<true> : vector<16xi1>
      %not3A_1074 = arith.xori %or3A_1071, %not3A_1073 : vector<16xi1>
      %and3A_1075 = arith.andi %eq3A_1072, %not3A_1074 : vector<16xi1>
      %or3A_1076 = arith.ori %or3A_1071, %and3A_1075 : vector<16xi1>
      %eq3A_1077 = arith.cmpf oeq, %select_n3A_1034, %max3A_1044 : vector<16xf32>
      %not3A_1078 = arith.constant dense<true> : vector<16xi1>
      %not3A_1079 = arith.xori %or3A_1076, %not3A_1078 : vector<16xi1>
      %and3A_1080 = arith.andi %eq3A_1077, %not3A_1079 : vector<16xi1>
      %or3A_1081 = arith.ori %or3A_1076, %and3A_1080 : vector<16xi1>
      %eq3A_1082 = arith.cmpf oeq, %select_n3A_1037, %max3A_1044 : vector<16xf32>
      %not3A_1083 = arith.constant dense<true> : vector<16xi1>
      %not3A_1084 = arith.xori %or3A_1081, %not3A_1083 : vector<16xi1>
      %and3A_1085 = arith.andi %eq3A_1082, %not3A_1084 : vector<16xi1>
      %or3A_1086 = arith.ori %or3A_1081, %and3A_1085 : vector<16xi1>
      %add3A_1087 = arith.addf %max3A_971, %max3A_1044 : vector<16xf32>
      %div3A_1088 = arith.divf %max3A_971, %add3A_1087 : vector<16xf32>
      %div3A_1089 = arith.divf %max3A_1044, %add3A_1087 : vector<16xf32>
      %broadcast_in_dim3A_1090 = arith.constant 0.000000e+00 : f32
      %broadcast_in_dim3A_1091 = vector.broadcast %broadcast_in_dim3A_1090 : f32 to vector<16xf32>
      %select_n3A_1092 = arith.select %and3A_1050, %div3A_1089, %broadcast_in_dim3A_1091 : vector<16xi1>, vector<16xf32>
      %select_n3A_1093 = arith.select %and3A_977, %div3A_1088, %select_n3A_1092 : vector<16xi1>, vector<16xf32>
      tpu.vector_store_idx %arg5[%add3A_845], %select_n3A_1093 : memref<1152xf32, #tpu.memory_space<vmem>>[vector<16xi32>], vector<16xf32>,
      %select_n3A_1094 = arith.select %and3A_1055, %div3A_1089, %broadcast_in_dim3A_1091 : vector<16xi1>, vector<16xf32>
      %select_n3A_1095 = arith.select %and3A_982, %div3A_1088, %select_n3A_1094 : vector<16xi1>, vector<16xf32>
      tpu.vector_store_idx %arg5[%add3A_854], %select_n3A_1095 : memref<1152xf32, #tpu.memory_space<vmem>>[vector<16xi32>], vector<16xf32>,
      %select_n3A_1096 = arith.select %and3A_1060, %div3A_1089, %broadcast_in_dim3A_1091 : vector<16xi1>, vector<16xf32>
      %select_n3A_1097 = arith.select %and3A_987, %div3A_1088, %select_n3A_1096 : vector<16xi1>, vector<16xf32>
      tpu.vector_store_idx %arg5[%add3A_863], %select_n3A_1097 : memref<1152xf32, #tpu.memory_space<vmem>>[vector<16xi32>], vector<16xf32>,
      %select_n3A_1098 = arith.select %and3A_1065, %div3A_1089, %broadcast_in_dim3A_1091 : vector<16xi1>, vector<16xf32>
      %select_n3A_1099 = arith.select %and3A_992, %div3A_1088, %select_n3A_1098 : vector<16xi1>, vector<16xf32>
      tpu.vector_store_idx %arg5[%add3A_872], %select_n3A_1099 : memref<1152xf32, #tpu.memory_space<vmem>>[vector<16xi32>], vector<16xf32>,
      %select_n3A_1100 = arith.select %and3A_1070, %div3A_1089, %broadcast_in_dim3A_1091 : vector<16xi1>, vector<16xf32>
      %select_n3A_1101 = arith.select %and3A_997, %div3A_1088, %select_n3A_1100 : vector<16xi1>, vector<16xf32>
      tpu.vector_store_idx %arg5[%add3A_881], %select_n3A_1101 : memref<1152xf32, #tpu.memory_space<vmem>>[vector<16xi32>], vector<16xf32>,
      %select_n3A_1102 = arith.select %and3A_1075, %div3A_1089, %broadcast_in_dim3A_1091 : vector<16xi1>, vector<16xf32>
      %select_n3A_1103 = arith.select %and3A_1002, %div3A_1088, %select_n3A_1102 : vector<16xi1>, vector<16xf32>
      tpu.vector_store_idx %arg5[%add3A_890], %select_n3A_1103 : memref<1152xf32, #tpu.memory_space<vmem>>[vector<16xi32>], vector<16xf32>,
      %select_n3A_1104 = arith.select %and3A_1080, %div3A_1089, %broadcast_in_dim3A_1091 : vector<16xi1>, vector<16xf32>
      %select_n3A_1105 = arith.select %and3A_1007, %div3A_1088, %select_n3A_1104 : vector<16xi1>, vector<16xf32>
      tpu.vector_store_idx %arg5[%add3A_899], %select_n3A_1105 : memref<1152xf32, #tpu.memory_space<vmem>>[vector<16xi32>], vector<16xf32>,
      %select_n3A_1106 = arith.select %and3A_1085, %div3A_1089, %broadcast_in_dim3A_1091 : vector<16xi1>, vector<16xf32>
      %select_n3A_1107 = arith.select %and3A_1012, %div3A_1088, %select_n3A_1106 : vector<16xi1>, vector<16xf32>
      tpu.vector_store_idx %arg5[%add3A_908], %select_n3A_1107 : memref<1152xf32, #tpu.memory_space<vmem>>[vector<16xi32>], vector<16xf32>,
      %neg3A_1108 = arith.constant 0.000000e+00 : f32
      %neg3A_1109 = vector.broadcast %neg3A_1108 : f32 to vector<16xf32>
      %neg3A_1110 = arith.subf %neg3A_1109, %gather3A_926 : vector<16xf32>
      %exp3A_1111 = math.exp %neg3A_1110 : vector<16xf32>
      %add3A_1112 = arith.constant 1.000000e+00 : f32
      %add3A_1113 = vector.broadcast %add3A_1112 : f32 to vector<16xf32>
      %add3A_1114 = arith.addf %add3A_1113, %exp3A_1111 : vector<16xf32>
      %div3A_1115 = arith.constant 1.000000e+00 : f32
      %div3A_1116 = vector.broadcast %div3A_1115 : f32 to vector<16xf32>
      %div3A_1117 = arith.divf %div3A_1116, %add3A_1114 : vector<16xf32>
      tpu.vector_store_idx %arg5[%add3A_917], %div3A_1117 : memref<1152xf32, #tpu.memory_space<vmem>>[vector<16xi32>], vector<16xf32>,
      %add3A_1118 = arith.constant 64 : i32
      %add3A_1119 = vector.broadcast %add3A_1118 : i32 to vector<16xi32>
      %add3A_1120 = arith.addi %add3A_1119, %iota3A : vector<16xi32>
      %mul3A_1121 = arith.constant 9 : i32
      %mul3A_1122 = vector.broadcast %mul3A_1121 : i32 to vector<16xi32>
      %mul3A_1123 = arith.muli %mul3A_1122, %add3A_1120 : vector<16xi32>
      %add3A_1124 = arith.constant 0 : i32
      %add3A_1125 = vector.broadcast %add3A_1124 : i32 to vector<16xi32>
      %add3A_1126 = arith.addi %mul3A_1123, %add3A_1125 : vector<16xi32>
      %add3A_1127 = arith.constant 64 : i32
      %add3A_1128 = vector.broadcast %add3A_1127 : i32 to vector<16xi32>
      %add3A_1129 = arith.addi %add3A_1128, %iota3A : vector<16xi32>
      %mul3A_1130 = arith.constant 9 : i32
      %mul3A_1131 = vector.broadcast %mul3A_1130 : i32 to vector<16xi32>
      %mul3A_1132 = arith.muli %mul3A_1131, %add3A_1129 : vector<16xi32>
      %add3A_1133 = arith.constant 1 : i32
      %add3A_1134 = vector.broadcast %add3A_1133 : i32 to vector<16xi32>
      %add3A_1135 = arith.addi %mul3A_1132, %add3A_1134 : vector<16xi32>
      %add3A_1136 = arith.constant 64 : i32
      %add3A_1137 = vector.broadcast %add3A_1136 : i32 to vector<16xi32>
      %add3A_1138 = arith.addi %add3A_1137, %iota3A : vector<16xi32>
      %mul3A_1139 = arith.constant 9 : i32
      %mul3A_1140 = vector.broadcast %mul3A_1139 : i32 to vector<16xi32>
      %mul3A_1141 = arith.muli %mul3A_1140, %add3A_1138 : vector<16xi32>
      %add3A_1142 = arith.constant 2 : i32
      %add3A_1143 = vector.broadcast %add3A_1142 : i32 to vector<16xi32>
      %add3A_1144 = arith.addi %mul3A_1141, %add3A_1143 : vector<16xi32>
      %add3A_1145 = arith.constant 64 : i32
      %add3A_1146 = vector.broadcast %add3A_1145 : i32 to vector<16xi32>
      %add3A_1147 = arith.addi %add3A_1146, %iota3A : vector<16xi32>
      %mul3A_1148 = arith.constant 9 : i32
      %mul3A_1149 = vector.broadcast %mul3A_1148 : i32 to vector<16xi32>
      %mul3A_1150 = arith.muli %mul3A_1149, %add3A_1147 : vector<16xi32>
      %add3A_1151 = arith.constant 3 : i32
      %add3A_1152 = vector.broadcast %add3A_1151 : i32 to vector<16xi32>
      %add3A_1153 = arith.addi %mul3A_1150, %add3A_1152 : vector<16xi32>
      %add3A_1154 = arith.constant 64 : i32
      %add3A_1155 = vector.broadcast %add3A_1154 : i32 to vector<16xi32>
      %add3A_1156 = arith.addi %add3A_1155, %iota3A : vector<16xi32>
      %mul3A_1157 = arith.constant 9 : i32
      %mul3A_1158 = vector.broadcast %mul3A_1157 : i32 to vector<16xi32>
      %mul3A_1159 = arith.muli %mul3A_1158, %add3A_1156 : vector<16xi32>
      %add3A_1160 = arith.constant 4 : i32
      %add3A_1161 = vector.broadcast %add3A_1160 : i32 to vector<16xi32>
      %add3A_1162 = arith.addi %mul3A_1159, %add3A_1161 : vector<16xi32>
      %add3A_1163 = arith.constant 64 : i32
      %add3A_1164 = vector.broadcast %add3A_1163 : i32 to vector<16xi32>
      %add3A_1165 = arith.addi %add3A_1164, %iota3A : vector<16xi32>
      %mul3A_1166 = arith.constant 9 : i32
      %mul3A_1167 = vector.broadcast %mul3A_1166 : i32 to vector<16xi32>
      %mul3A_1168 = arith.muli %mul3A_1167, %add3A_1165 : vector<16xi32>
      %add3A_1169 = arith.constant 5 : i32
      %add3A_1170 = vector.broadcast %add3A_1169 : i32 to vector<16xi32>
      %add3A_1171 = arith.addi %mul3A_1168, %add3A_1170 : vector<16xi32>
      %add3A_1172 = arith.constant 64 : i32
      %add3A_1173 = vector.broadcast %add3A_1172 : i32 to vector<16xi32>
      %add3A_1174 = arith.addi %add3A_1173, %iota3A : vector<16xi32>
      %mul3A_1175 = arith.constant 9 : i32
      %mul3A_1176 = vector.broadcast %mul3A_1175 : i32 to vector<16xi32>
      %mul3A_1177 = arith.muli %mul3A_1176, %add3A_1174 : vector<16xi32>
      %add3A_1178 = arith.constant 6 : i32
      %add3A_1179 = vector.broadcast %add3A_1178 : i32 to vector<16xi32>
      %add3A_1180 = arith.addi %mul3A_1177, %add3A_1179 : vector<16xi32>
      %add3A_1181 = arith.constant 64 : i32
      %add3A_1182 = vector.broadcast %add3A_1181 : i32 to vector<16xi32>
      %add3A_1183 = arith.addi %add3A_1182, %iota3A : vector<16xi32>
      %mul3A_1184 = arith.constant 9 : i32
      %mul3A_1185 = vector.broadcast %mul3A_1184 : i32 to vector<16xi32>
      %mul3A_1186 = arith.muli %mul3A_1185, %add3A_1183 : vector<16xi32>
      %add3A_1187 = arith.constant 7 : i32
      %add3A_1188 = vector.broadcast %add3A_1187 : i32 to vector<16xi32>
      %add3A_1189 = arith.addi %mul3A_1186, %add3A_1188 : vector<16xi32>
      %add3A_1190 = arith.constant 64 : i32
      %add3A_1191 = vector.broadcast %add3A_1190 : i32 to vector<16xi32>
      %add3A_1192 = arith.addi %add3A_1191, %iota3A : vector<16xi32>
      %mul3A_1193 = arith.constant 9 : i32
      %mul3A_1194 = vector.broadcast %mul3A_1193 : i32 to vector<16xi32>
      %mul3A_1195 = arith.muli %mul3A_1194, %add3A_1192 : vector<16xi32>
      %add3A_1196 = arith.constant 8 : i32
      %add3A_1197 = vector.broadcast %add3A_1196 : i32 to vector<16xi32>
      %add3A_1198 = arith.addi %mul3A_1195, %add3A_1197 : vector<16xi32>
      %gather3A_1199 = tpu.vector_load_idx %arg4[%add3A_1126] : memref<1152xf32, #tpu.memory_space<vmem>>[vector<16xi32>], vector<16xf32>,
      %gather3A_1200 = tpu.vector_load_idx %arg4[%add3A_1135] : memref<1152xf32, #tpu.memory_space<vmem>>[vector<16xi32>], vector<16xf32>,
      %gather3A_1201 = tpu.vector_load_idx %arg4[%add3A_1144] : memref<1152xf32, #tpu.memory_space<vmem>>[vector<16xi32>], vector<16xf32>,
      %gather3A_1202 = tpu.vector_load_idx %arg4[%add3A_1153] : memref<1152xf32, #tpu.memory_space<vmem>>[vector<16xi32>], vector<16xf32>,
      %gather3A_1203 = tpu.vector_load_idx %arg4[%add3A_1162] : memref<1152xf32, #tpu.memory_space<vmem>>[vector<16xi32>], vector<16xf32>,
      %gather3A_1204 = tpu.vector_load_idx %arg4[%add3A_1171] : memref<1152xf32, #tpu.memory_space<vmem>>[vector<16xi32>], vector<16xf32>,
      %gather3A_1205 = tpu.vector_load_idx %arg4[%add3A_1180] : memref<1152xf32, #tpu.memory_space<vmem>>[vector<16xi32>], vector<16xf32>,
      %gather3A_1206 = tpu.vector_load_idx %arg4[%add3A_1189] : memref<1152xf32, #tpu.memory_space<vmem>>[vector<16xi32>], vector<16xf32>,
      %gather3A_1207 = tpu.vector_load_idx %arg4[%add3A_1198] : memref<1152xf32, #tpu.memory_space<vmem>>[vector<16xi32>], vector<16xf32>,
      %max3A_1208 = arith.maximumf %gather3A_1199, %gather3A_1200 : vector<16xf32>
      %max3A_1209 = arith.maximumf %max3A_1208, %gather3A_1201 : vector<16xf32>
      %max3A_1210 = arith.maximumf %max3A_1209, %gather3A_1202 : vector<16xf32>
      %max3A_1211 = arith.maximumf %max3A_1210, %gather3A_1203 : vector<16xf32>
      %max3A_1212 = arith.maximumf %max3A_1211, %gather3A_1204 : vector<16xf32>
      %max3A_1213 = arith.maximumf %max3A_1212, %gather3A_1205 : vector<16xf32>
      %max3A_1214 = arith.maximumf %max3A_1213, %gather3A_1206 : vector<16xf32>
      %sub3A_1215 = arith.subf %gather3A_1199, %max3A_1214 : vector<16xf32>
      %exp3A_1216 = math.exp %sub3A_1215 : vector<16xf32>
      %sub3A_1217 = arith.subf %gather3A_1200, %max3A_1214 : vector<16xf32>
      %exp3A_1218 = math.exp %sub3A_1217 : vector<16xf32>
      %sub3A_1219 = arith.subf %gather3A_1201, %max3A_1214 : vector<16xf32>
      %exp3A_1220 = math.exp %sub3A_1219 : vector<16xf32>
      %sub3A_1221 = arith.subf %gather3A_1202, %max3A_1214 : vector<16xf32>
      %exp3A_1222 = math.exp %sub3A_1221 : vector<16xf32>
      %sub3A_1223 = arith.subf %gather3A_1203, %max3A_1214 : vector<16xf32>
      %exp3A_1224 = math.exp %sub3A_1223 : vector<16xf32>
      %sub3A_1225 = arith.subf %gather3A_1204, %max3A_1214 : vector<16xf32>
      %exp3A_1226 = math.exp %sub3A_1225 : vector<16xf32>
      %sub3A_1227 = arith.subf %gather3A_1205, %max3A_1214 : vector<16xf32>
      %exp3A_1228 = math.exp %sub3A_1227 : vector<16xf32>
      %sub3A_1229 = arith.subf %gather3A_1206, %max3A_1214 : vector<16xf32>
      %exp3A_1230 = math.exp %sub3A_1229 : vector<16xf32>
      %add3A_1231 = arith.addf %exp3A_1216, %exp3A_1218 : vector<16xf32>
      %add3A_1232 = arith.addf %add3A_1231, %exp3A_1220 : vector<16xf32>
      %add3A_1233 = arith.addf %add3A_1232, %exp3A_1222 : vector<16xf32>
      %add3A_1234 = arith.addf %add3A_1233, %exp3A_1224 : vector<16xf32>
      %add3A_1235 = arith.addf %add3A_1234, %exp3A_1226 : vector<16xf32>
      %add3A_1236 = arith.addf %add3A_1235, %exp3A_1228 : vector<16xf32>
      %add3A_1237 = arith.addf %add3A_1236, %exp3A_1230 : vector<16xf32>
      %div3A_1238 = arith.divf %exp3A_1216, %add3A_1237 : vector<16xf32>
      %div3A_1239 = arith.divf %exp3A_1218, %add3A_1237 : vector<16xf32>
      %div3A_1240 = arith.divf %exp3A_1220, %add3A_1237 : vector<16xf32>
      %div3A_1241 = arith.divf %exp3A_1222, %add3A_1237 : vector<16xf32>
      %div3A_1242 = arith.divf %exp3A_1224, %add3A_1237 : vector<16xf32>
      %div3A_1243 = arith.divf %exp3A_1226, %add3A_1237 : vector<16xf32>
      %div3A_1244 = arith.divf %exp3A_1228, %add3A_1237 : vector<16xf32>
      %div3A_1245 = arith.divf %exp3A_1230, %add3A_1237 : vector<16xf32>
      %max3A_1246 = arith.maximumf %div3A_1238, %div3A_1239 : vector<16xf32>
      %max3A_1247 = arith.maximumf %max3A_1246, %div3A_1240 : vector<16xf32>
      %max3A_1248 = arith.maximumf %max3A_1247, %div3A_1241 : vector<16xf32>
      %max3A_1249 = arith.maximumf %max3A_1248, %div3A_1242 : vector<16xf32>
      %max3A_1250 = arith.maximumf %max3A_1249, %div3A_1243 : vector<16xf32>
      %max3A_1251 = arith.maximumf %max3A_1250, %div3A_1244 : vector<16xf32>
      %max3A_1252 = arith.maximumf %max3A_1251, %div3A_1245 : vector<16xf32>
      %broadcast_in_dim3A_1253 = arith.constant false
      %broadcast_in_dim3A_1254 = vector.broadcast %broadcast_in_dim3A_1253 : i1 to vector<16xi1>
      %eq3A_1255 = arith.cmpf oeq, %div3A_1238, %max3A_1252 : vector<16xf32>
      %not3A_1256 = arith.constant dense<true> : vector<16xi1>
      %not3A_1257 = arith.xori %broadcast_in_dim3A_1254, %not3A_1256 : vector<16xi1>
      %and3A_1258 = arith.andi %eq3A_1255, %not3A_1257 : vector<16xi1>
      %or3A_1259 = arith.ori %broadcast_in_dim3A_1254, %and3A_1258 : vector<16xi1>
      %eq3A_1260 = arith.cmpf oeq, %div3A_1239, %max3A_1252 : vector<16xf32>
      %not3A_1261 = arith.constant dense<true> : vector<16xi1>
      %not3A_1262 = arith.xori %or3A_1259, %not3A_1261 : vector<16xi1>
      %and3A_1263 = arith.andi %eq3A_1260, %not3A_1262 : vector<16xi1>
      %or3A_1264 = arith.ori %or3A_1259, %and3A_1263 : vector<16xi1>
      %eq3A_1265 = arith.cmpf oeq, %div3A_1240, %max3A_1252 : vector<16xf32>
      %not3A_1266 = arith.constant dense<true> : vector<16xi1>
      %not3A_1267 = arith.xori %or3A_1264, %not3A_1266 : vector<16xi1>
      %and3A_1268 = arith.andi %eq3A_1265, %not3A_1267 : vector<16xi1>
      %or3A_1269 = arith.ori %or3A_1264, %and3A_1268 : vector<16xi1>
      %eq3A_1270 = arith.cmpf oeq, %div3A_1241, %max3A_1252 : vector<16xf32>
      %not3A_1271 = arith.constant dense<true> : vector<16xi1>
      %not3A_1272 = arith.xori %or3A_1269, %not3A_1271 : vector<16xi1>
      %and3A_1273 = arith.andi %eq3A_1270, %not3A_1272 : vector<16xi1>
      %or3A_1274 = arith.ori %or3A_1269, %and3A_1273 : vector<16xi1>
      %eq3A_1275 = arith.cmpf oeq, %div3A_1242, %max3A_1252 : vector<16xf32>
      %not3A_1276 = arith.constant dense<true> : vector<16xi1>
      %not3A_1277 = arith.xori %or3A_1274, %not3A_1276 : vector<16xi1>
      %and3A_1278 = arith.andi %eq3A_1275, %not3A_1277 : vector<16xi1>
      %or3A_1279 = arith.ori %or3A_1274, %and3A_1278 : vector<16xi1>
      %eq3A_1280 = arith.cmpf oeq, %div3A_1243, %max3A_1252 : vector<16xf32>
      %not3A_1281 = arith.constant dense<true> : vector<16xi1>
      %not3A_1282 = arith.xori %or3A_1279, %not3A_1281 : vector<16xi1>
      %and3A_1283 = arith.andi %eq3A_1280, %not3A_1282 : vector<16xi1>
      %or3A_1284 = arith.ori %or3A_1279, %and3A_1283 : vector<16xi1>
      %eq3A_1285 = arith.cmpf oeq, %div3A_1244, %max3A_1252 : vector<16xf32>
      %not3A_1286 = arith.constant dense<true> : vector<16xi1>
      %not3A_1287 = arith.xori %or3A_1284, %not3A_1286 : vector<16xi1>
      %and3A_1288 = arith.andi %eq3A_1285, %not3A_1287 : vector<16xi1>
      %or3A_1289 = arith.ori %or3A_1284, %and3A_1288 : vector<16xi1>
      %eq3A_1290 = arith.cmpf oeq, %div3A_1245, %max3A_1252 : vector<16xf32>
      %not3A_1291 = arith.constant dense<true> : vector<16xi1>
      %not3A_1292 = arith.xori %or3A_1289, %not3A_1291 : vector<16xi1>
      %and3A_1293 = arith.andi %eq3A_1290, %not3A_1292 : vector<16xi1>
      %or3A_1294 = arith.ori %or3A_1289, %and3A_1293 : vector<16xi1>
      %jit3A_1295 = arith.constant -1.000000e+00 : f32
      %broadcast_in_dim3A_1296 = vector.broadcast %jit3A_1295 : f32 to vector<16xf32>
      %select_n3A_1297 = arith.select %and3A_1258, %broadcast_in_dim3A_1296, %div3A_1238 : vector<16xi1>, vector<16xf32>
      %jit3A_1298 = arith.constant -1.000000e+00 : f32
      %broadcast_in_dim3A_1299 = vector.broadcast %jit3A_1298 : f32 to vector<16xf32>
      %select_n3A_1300 = arith.select %and3A_1263, %broadcast_in_dim3A_1299, %div3A_1239 : vector<16xi1>, vector<16xf32>
      %jit3A_1301 = arith.constant -1.000000e+00 : f32
      %broadcast_in_dim3A_1302 = vector.broadcast %jit3A_1301 : f32 to vector<16xf32>
      %select_n3A_1303 = arith.select %and3A_1268, %broadcast_in_dim3A_1302, %div3A_1240 : vector<16xi1>, vector<16xf32>
      %jit3A_1304 = arith.constant -1.000000e+00 : f32
      %broadcast_in_dim3A_1305 = vector.broadcast %jit3A_1304 : f32 to vector<16xf32>
      %select_n3A_1306 = arith.select %and3A_1273, %broadcast_in_dim3A_1305, %div3A_1241 : vector<16xi1>, vector<16xf32>
      %jit3A_1307 = arith.constant -1.000000e+00 : f32
      %broadcast_in_dim3A_1308 = vector.broadcast %jit3A_1307 : f32 to vector<16xf32>
      %select_n3A_1309 = arith.select %and3A_1278, %broadcast_in_dim3A_1308, %div3A_1242 : vector<16xi1>, vector<16xf32>
      %jit3A_1310 = arith.constant -1.000000e+00 : f32
      %broadcast_in_dim3A_1311 = vector.broadcast %jit3A_1310 : f32 to vector<16xf32>
      %select_n3A_1312 = arith.select %and3A_1283, %broadcast_in_dim3A_1311, %div3A_1243 : vector<16xi1>, vector<16xf32>
      %jit3A_1313 = arith.constant -1.000000e+00 : f32
      %broadcast_in_dim3A_1314 = vector.broadcast %jit3A_1313 : f32 to vector<16xf32>
      %select_n3A_1315 = arith.select %and3A_1288, %broadcast_in_dim3A_1314, %div3A_1244 : vector<16xi1>, vector<16xf32>
      %jit3A_1316 = arith.constant -1.000000e+00 : f32
      %broadcast_in_dim3A_1317 = vector.broadcast %jit3A_1316 : f32 to vector<16xf32>
      %select_n3A_1318 = arith.select %and3A_1293, %broadcast_in_dim3A_1317, %div3A_1245 : vector<16xi1>, vector<16xf32>
      %max3A_1319 = arith.maximumf %select_n3A_1297, %select_n3A_1300 : vector<16xf32>
      %max3A_1320 = arith.maximumf %max3A_1319, %select_n3A_1303 : vector<16xf32>
      %max3A_1321 = arith.maximumf %max3A_1320, %select_n3A_1306 : vector<16xf32>
      %max3A_1322 = arith.maximumf %max3A_1321, %select_n3A_1309 : vector<16xf32>
      %max3A_1323 = arith.maximumf %max3A_1322, %select_n3A_1312 : vector<16xf32>
      %max3A_1324 = arith.maximumf %max3A_1323, %select_n3A_1315 : vector<16xf32>
      %max3A_1325 = arith.maximumf %max3A_1324, %select_n3A_1318 : vector<16xf32>
      %broadcast_in_dim3A_1326 = arith.constant false
      %broadcast_in_dim3A_1327 = vector.broadcast %broadcast_in_dim3A_1326 : i1 to vector<16xi1>
      %eq3A_1328 = arith.cmpf oeq, %select_n3A_1297, %max3A_1325 : vector<16xf32>
      %not3A_1329 = arith.constant dense<true> : vector<16xi1>
      %not3A_1330 = arith.xori %broadcast_in_dim3A_1327, %not3A_1329 : vector<16xi1>
      %and3A_1331 = arith.andi %eq3A_1328, %not3A_1330 : vector<16xi1>
      %or3A_1332 = arith.ori %broadcast_in_dim3A_1327, %and3A_1331 : vector<16xi1>
      %eq3A_1333 = arith.cmpf oeq, %select_n3A_1300, %max3A_1325 : vector<16xf32>
      %not3A_1334 = arith.constant dense<true> : vector<16xi1>
      %not3A_1335 = arith.xori %or3A_1332, %not3A_1334 : vector<16xi1>
      %and3A_1336 = arith.andi %eq3A_1333, %not3A_1335 : vector<16xi1>
      %or3A_1337 = arith.ori %or3A_1332, %and3A_1336 : vector<16xi1>
      %eq3A_1338 = arith.cmpf oeq, %select_n3A_1303, %max3A_1325 : vector<16xf32>
      %not3A_1339 = arith.constant dense<true> : vector<16xi1>
      %not3A_1340 = arith.xori %or3A_1337, %not3A_1339 : vector<16xi1>
      %and3A_1341 = arith.andi %eq3A_1338, %not3A_1340 : vector<16xi1>
      %or3A_1342 = arith.ori %or3A_1337, %and3A_1341 : vector<16xi1>
      %eq3A_1343 = arith.cmpf oeq, %select_n3A_1306, %max3A_1325 : vector<16xf32>
      %not3A_1344 = arith.constant dense<true> : vector<16xi1>
      %not3A_1345 = arith.xori %or3A_1342, %not3A_1344 : vector<16xi1>
      %and3A_1346 = arith.andi %eq3A_1343, %not3A_1345 : vector<16xi1>
      %or3A_1347 = arith.ori %or3A_1342, %and3A_1346 : vector<16xi1>
      %eq3A_1348 = arith.cmpf oeq, %select_n3A_1309, %max3A_1325 : vector<16xf32>
      %not3A_1349 = arith.constant dense<true> : vector<16xi1>
      %not3A_1350 = arith.xori %or3A_1347, %not3A_1349 : vector<16xi1>
      %and3A_1351 = arith.andi %eq3A_1348, %not3A_1350 : vector<16xi1>
      %or3A_1352 = arith.ori %or3A_1347, %and3A_1351 : vector<16xi1>
      %eq3A_1353 = arith.cmpf oeq, %select_n3A_1312, %max3A_1325 : vector<16xf32>
      %not3A_1354 = arith.constant dense<true> : vector<16xi1>
      %not3A_1355 = arith.xori %or3A_1352, %not3A_1354 : vector<16xi1>
      %and3A_1356 = arith.andi %eq3A_1353, %not3A_1355 : vector<16xi1>
      %or3A_1357 = arith.ori %or3A_1352, %and3A_1356 : vector<16xi1>
      %eq3A_1358 = arith.cmpf oeq, %select_n3A_1315, %max3A_1325 : vector<16xf32>
      %not3A_1359 = arith.constant dense<true> : vector<16xi1>
      %not3A_1360 = arith.xori %or3A_1357, %not3A_1359 : vector<16xi1>
      %and3A_1361 = arith.andi %eq3A_1358, %not3A_1360 : vector<16xi1>
      %or3A_1362 = arith.ori %or3A_1357, %and3A_1361 : vector<16xi1>
      %eq3A_1363 = arith.cmpf oeq, %select_n3A_1318, %max3A_1325 : vector<16xf32>
      %not3A_1364 = arith.constant dense<true> : vector<16xi1>
      %not3A_1365 = arith.xori %or3A_1362, %not3A_1364 : vector<16xi1>
      %and3A_1366 = arith.andi %eq3A_1363, %not3A_1365 : vector<16xi1>
      %or3A_1367 = arith.ori %or3A_1362, %and3A_1366 : vector<16xi1>
      %add3A_1368 = arith.addf %max3A_1252, %max3A_1325 : vector<16xf32>
      %div3A_1369 = arith.divf %max3A_1252, %add3A_1368 : vector<16xf32>
      %div3A_1370 = arith.divf %max3A_1325, %add3A_1368 : vector<16xf32>
      %broadcast_in_dim3A_1371 = arith.constant 0.000000e+00 : f32
      %broadcast_in_dim3A_1372 = vector.broadcast %broadcast_in_dim3A_1371 : f32 to vector<16xf32>
      %select_n3A_1373 = arith.select %and3A_1331, %div3A_1370, %broadcast_in_dim3A_1372 : vector<16xi1>, vector<16xf32>
      %select_n3A_1374 = arith.select %and3A_1258, %div3A_1369, %select_n3A_1373 : vector<16xi1>, vector<16xf32>
      tpu.vector_store_idx %arg5[%add3A_1126], %select_n3A_1374 : memref<1152xf32, #tpu.memory_space<vmem>>[vector<16xi32>], vector<16xf32>,
      %select_n3A_1375 = arith.select %and3A_1336, %div3A_1370, %broadcast_in_dim3A_1372 : vector<16xi1>, vector<16xf32>
      %select_n3A_1376 = arith.select %and3A_1263, %div3A_1369, %select_n3A_1375 : vector<16xi1>, vector<16xf32>
      tpu.vector_store_idx %arg5[%add3A_1135], %select_n3A_1376 : memref<1152xf32, #tpu.memory_space<vmem>>[vector<16xi32>], vector<16xf32>,
      %select_n3A_1377 = arith.select %and3A_1341, %div3A_1370, %broadcast_in_dim3A_1372 : vector<16xi1>, vector<16xf32>
      %select_n3A_1378 = arith.select %and3A_1268, %div3A_1369, %select_n3A_1377 : vector<16xi1>, vector<16xf32>
      tpu.vector_store_idx %arg5[%add3A_1144], %select_n3A_1378 : memref<1152xf32, #tpu.memory_space<vmem>>[vector<16xi32>], vector<16xf32>,
      %select_n3A_1379 = arith.select %and3A_1346, %div3A_1370, %broadcast_in_dim3A_1372 : vector<16xi1>, vector<16xf32>
      %select_n3A_1380 = arith.select %and3A_1273, %div3A_1369, %select_n3A_1379 : vector<16xi1>, vector<16xf32>
      tpu.vector_store_idx %arg5[%add3A_1153], %select_n3A_1380 : memref<1152xf32, #tpu.memory_space<vmem>>[vector<16xi32>], vector<16xf32>,
      %select_n3A_1381 = arith.select %and3A_1351, %div3A_1370, %broadcast_in_dim3A_1372 : vector<16xi1>, vector<16xf32>
      %select_n3A_1382 = arith.select %and3A_1278, %div3A_1369, %select_n3A_1381 : vector<16xi1>, vector<16xf32>
      tpu.vector_store_idx %arg5[%add3A_1162], %select_n3A_1382 : memref<1152xf32, #tpu.memory_space<vmem>>[vector<16xi32>], vector<16xf32>,
      %select_n3A_1383 = arith.select %and3A_1356, %div3A_1370, %broadcast_in_dim3A_1372 : vector<16xi1>, vector<16xf32>
      %select_n3A_1384 = arith.select %and3A_1283, %div3A_1369, %select_n3A_1383 : vector<16xi1>, vector<16xf32>
      tpu.vector_store_idx %arg5[%add3A_1171], %select_n3A_1384 : memref<1152xf32, #tpu.memory_space<vmem>>[vector<16xi32>], vector<16xf32>,
      %select_n3A_1385 = arith.select %and3A_1361, %div3A_1370, %broadcast_in_dim3A_1372 : vector<16xi1>, vector<16xf32>
      %select_n3A_1386 = arith.select %and3A_1288, %div3A_1369, %select_n3A_1385 : vector<16xi1>, vector<16xf32>
      tpu.vector_store_idx %arg5[%add3A_1180], %select_n3A_1386 : memref<1152xf32, #tpu.memory_space<vmem>>[vector<16xi32>], vector<16xf32>,
      %select_n3A_1387 = arith.select %and3A_1366, %div3A_1370, %broadcast_in_dim3A_1372 : vector<16xi1>, vector<16xf32>
      %select_n3A_1388 = arith.select %and3A_1293, %div3A_1369, %select_n3A_1387 : vector<16xi1>, vector<16xf32>
      tpu.vector_store_idx %arg5[%add3A_1189], %select_n3A_1388 : memref<1152xf32, #tpu.memory_space<vmem>>[vector<16xi32>], vector<16xf32>,
      %neg3A_1389 = arith.constant 0.000000e+00 : f32
      %neg3A_1390 = vector.broadcast %neg3A_1389 : f32 to vector<16xf32>
      %neg3A_1391 = arith.subf %neg3A_1390, %gather3A_1207 : vector<16xf32>
      %exp3A_1392 = math.exp %neg3A_1391 : vector<16xf32>
      %add3A_1393 = arith.constant 1.000000e+00 : f32
      %add3A_1394 = vector.broadcast %add3A_1393 : f32 to vector<16xf32>
      %add3A_1395 = arith.addf %add3A_1394, %exp3A_1392 : vector<16xf32>
      %div3A_1396 = arith.constant 1.000000e+00 : f32
      %div3A_1397 = vector.broadcast %div3A_1396 : f32 to vector<16xf32>
      %div3A_1398 = arith.divf %div3A_1397, %add3A_1395 : vector<16xf32>
      tpu.vector_store_idx %arg5[%add3A_1198], %div3A_1398 : memref<1152xf32, #tpu.memory_space<vmem>>[vector<16xi32>], vector<16xf32>,
      %add3A_1399 = arith.constant 80 : i32
      %add3A_1400 = vector.broadcast %add3A_1399 : i32 to vector<16xi32>
      %add3A_1401 = arith.addi %add3A_1400, %iota3A : vector<16xi32>
      %mul3A_1402 = arith.constant 9 : i32
      %mul3A_1403 = vector.broadcast %mul3A_1402 : i32 to vector<16xi32>
      %mul3A_1404 = arith.muli %mul3A_1403, %add3A_1401 : vector<16xi32>
      %add3A_1405 = arith.constant 0 : i32
      %add3A_1406 = vector.broadcast %add3A_1405 : i32 to vector<16xi32>
      %add3A_1407 = arith.addi %mul3A_1404, %add3A_1406 : vector<16xi32>
      %add3A_1408 = arith.constant 80 : i32
      %add3A_1409 = vector.broadcast %add3A_1408 : i32 to vector<16xi32>
      %add3A_1410 = arith.addi %add3A_1409, %iota3A : vector<16xi32>
      %mul3A_1411 = arith.constant 9 : i32
      %mul3A_1412 = vector.broadcast %mul3A_1411 : i32 to vector<16xi32>
      %mul3A_1413 = arith.muli %mul3A_1412, %add3A_1410 : vector<16xi32>
      %add3A_1414 = arith.constant 1 : i32
      %add3A_1415 = vector.broadcast %add3A_1414 : i32 to vector<16xi32>
      %add3A_1416 = arith.addi %mul3A_1413, %add3A_1415 : vector<16xi32>
      %add3A_1417 = arith.constant 80 : i32
      %add3A_1418 = vector.broadcast %add3A_1417 : i32 to vector<16xi32>
      %add3A_1419 = arith.addi %add3A_1418, %iota3A : vector<16xi32>
      %mul3A_1420 = arith.constant 9 : i32
      %mul3A_1421 = vector.broadcast %mul3A_1420 : i32 to vector<16xi32>
      %mul3A_1422 = arith.muli %mul3A_1421, %add3A_1419 : vector<16xi32>
      %add3A_1423 = arith.constant 2 : i32
      %add3A_1424 = vector.broadcast %add3A_1423 : i32 to vector<16xi32>
      %add3A_1425 = arith.addi %mul3A_1422, %add3A_1424 : vector<16xi32>
      %add3A_1426 = arith.constant 80 : i32
      %add3A_1427 = vector.broadcast %add3A_1426 : i32 to vector<16xi32>
      %add3A_1428 = arith.addi %add3A_1427, %iota3A : vector<16xi32>
      %mul3A_1429 = arith.constant 9 : i32
      %mul3A_1430 = vector.broadcast %mul3A_1429 : i32 to vector<16xi32>
      %mul3A_1431 = arith.muli %mul3A_1430, %add3A_1428 : vector<16xi32>
      %add3A_1432 = arith.constant 3 : i32
      %add3A_1433 = vector.broadcast %add3A_1432 : i32 to vector<16xi32>
      %add3A_1434 = arith.addi %mul3A_1431, %add3A_1433 : vector<16xi32>
      %add3A_1435 = arith.constant 80 : i32
      %add3A_1436 = vector.broadcast %add3A_1435 : i32 to vector<16xi32>
      %add3A_1437 = arith.addi %add3A_1436, %iota3A : vector<16xi32>
      %mul3A_1438 = arith.constant 9 : i32
      %mul3A_1439 = vector.broadcast %mul3A_1438 : i32 to vector<16xi32>
      %mul3A_1440 = arith.muli %mul3A_1439, %add3A_1437 : vector<16xi32>
      %add3A_1441 = arith.constant 4 : i32
      %add3A_1442 = vector.broadcast %add3A_1441 : i32 to vector<16xi32>
      %add3A_1443 = arith.addi %mul3A_1440, %add3A_1442 : vector<16xi32>
      %add3A_1444 = arith.constant 80 : i32
      %add3A_1445 = vector.broadcast %add3A_1444 : i32 to vector<16xi32>
      %add3A_1446 = arith.addi %add3A_1445, %iota3A : vector<16xi32>
      %mul3A_1447 = arith.constant 9 : i32
      %mul3A_1448 = vector.broadcast %mul3A_1447 : i32 to vector<16xi32>
      %mul3A_1449 = arith.muli %mul3A_1448, %add3A_1446 : vector<16xi32>
      %add3A_1450 = arith.constant 5 : i32
      %add3A_1451 = vector.broadcast %add3A_1450 : i32 to vector<16xi32>
      %add3A_1452 = arith.addi %mul3A_1449, %add3A_1451 : vector<16xi32>
      %add3A_1453 = arith.constant 80 : i32
      %add3A_1454 = vector.broadcast %add3A_1453 : i32 to vector<16xi32>
      %add3A_1455 = arith.addi %add3A_1454, %iota3A : vector<16xi32>
      %mul3A_1456 = arith.constant 9 : i32
      %mul3A_1457 = vector.broadcast %mul3A_1456 : i32 to vector<16xi32>
      %mul3A_1458 = arith.muli %mul3A_1457, %add3A_1455 : vector<16xi32>
      %add3A_1459 = arith.constant 6 : i32
      %add3A_1460 = vector.broadcast %add3A_1459 : i32 to vector<16xi32>
      %add3A_1461 = arith.addi %mul3A_1458, %add3A_1460 : vector<16xi32>
      %add3A_1462 = arith.constant 80 : i32
      %add3A_1463 = vector.broadcast %add3A_1462 : i32 to vector<16xi32>
      %add3A_1464 = arith.addi %add3A_1463, %iota3A : vector<16xi32>
      %mul3A_1465 = arith.constant 9 : i32
      %mul3A_1466 = vector.broadcast %mul3A_1465 : i32 to vector<16xi32>
      %mul3A_1467 = arith.muli %mul3A_1466, %add3A_1464 : vector<16xi32>
      %add3A_1468 = arith.constant 7 : i32
      %add3A_1469 = vector.broadcast %add3A_1468 : i32 to vector<16xi32>
      %add3A_1470 = arith.addi %mul3A_1467, %add3A_1469 : vector<16xi32>
      %add3A_1471 = arith.constant 80 : i32
      %add3A_1472 = vector.broadcast %add3A_1471 : i32 to vector<16xi32>
      %add3A_1473 = arith.addi %add3A_1472, %iota3A : vector<16xi32>
      %mul3A_1474 = arith.constant 9 : i32
      %mul3A_1475 = vector.broadcast %mul3A_1474 : i32 to vector<16xi32>
      %mul3A_1476 = arith.muli %mul3A_1475, %add3A_1473 : vector<16xi32>
      %add3A_1477 = arith.constant 8 : i32
      %add3A_1478 = vector.broadcast %add3A_1477 : i32 to vector<16xi32>
      %add3A_1479 = arith.addi %mul3A_1476, %add3A_1478 : vector<16xi32>
      %gather3A_1480 = tpu.vector_load_idx %arg4[%add3A_1407] : memref<1152xf32, #tpu.memory_space<vmem>>[vector<16xi32>], vector<16xf32>,
      %gather3A_1481 = tpu.vector_load_idx %arg4[%add3A_1416] : memref<1152xf32, #tpu.memory_space<vmem>>[vector<16xi32>], vector<16xf32>,
      %gather3A_1482 = tpu.vector_load_idx %arg4[%add3A_1425] : memref<1152xf32, #tpu.memory_space<vmem>>[vector<16xi32>], vector<16xf32>,
      %gather3A_1483 = tpu.vector_load_idx %arg4[%add3A_1434] : memref<1152xf32, #tpu.memory_space<vmem>>[vector<16xi32>], vector<16xf32>,
      %gather3A_1484 = tpu.vector_load_idx %arg4[%add3A_1443] : memref<1152xf32, #tpu.memory_space<vmem>>[vector<16xi32>], vector<16xf32>,
      %gather3A_1485 = tpu.vector_load_idx %arg4[%add3A_1452] : memref<1152xf32, #tpu.memory_space<vmem>>[vector<16xi32>], vector<16xf32>,
      %gather3A_1486 = tpu.vector_load_idx %arg4[%add3A_1461] : memref<1152xf32, #tpu.memory_space<vmem>>[vector<16xi32>], vector<16xf32>,
      %gather3A_1487 = tpu.vector_load_idx %arg4[%add3A_1470] : memref<1152xf32, #tpu.memory_space<vmem>>[vector<16xi32>], vector<16xf32>,
      %gather3A_1488 = tpu.vector_load_idx %arg4[%add3A_1479] : memref<1152xf32, #tpu.memory_space<vmem>>[vector<16xi32>], vector<16xf32>,
      %max3A_1489 = arith.maximumf %gather3A_1480, %gather3A_1481 : vector<16xf32>
      %max3A_1490 = arith.maximumf %max3A_1489, %gather3A_1482 : vector<16xf32>
      %max3A_1491 = arith.maximumf %max3A_1490, %gather3A_1483 : vector<16xf32>
      %max3A_1492 = arith.maximumf %max3A_1491, %gather3A_1484 : vector<16xf32>
      %max3A_1493 = arith.maximumf %max3A_1492, %gather3A_1485 : vector<16xf32>
      %max3A_1494 = arith.maximumf %max3A_1493, %gather3A_1486 : vector<16xf32>
      %max3A_1495 = arith.maximumf %max3A_1494, %gather3A_1487 : vector<16xf32>
      %sub3A_1496 = arith.subf %gather3A_1480, %max3A_1495 : vector<16xf32>
      %exp3A_1497 = math.exp %sub3A_1496 : vector<16xf32>
      %sub3A_1498 = arith.subf %gather3A_1481, %max3A_1495 : vector<16xf32>
      %exp3A_1499 = math.exp %sub3A_1498 : vector<16xf32>
      %sub3A_1500 = arith.subf %gather3A_1482, %max3A_1495 : vector<16xf32>
      %exp3A_1501 = math.exp %sub3A_1500 : vector<16xf32>
      %sub3A_1502 = arith.subf %gather3A_1483, %max3A_1495 : vector<16xf32>
      %exp3A_1503 = math.exp %sub3A_1502 : vector<16xf32>
      %sub3A_1504 = arith.subf %gather3A_1484, %max3A_1495 : vector<16xf32>
      %exp3A_1505 = math.exp %sub3A_1504 : vector<16xf32>
      %sub3A_1506 = arith.subf %gather3A_1485, %max3A_1495 : vector<16xf32>
      %exp3A_1507 = math.exp %sub3A_1506 : vector<16xf32>
      %sub3A_1508 = arith.subf %gather3A_1486, %max3A_1495 : vector<16xf32>
      %exp3A_1509 = math.exp %sub3A_1508 : vector<16xf32>
      %sub3A_1510 = arith.subf %gather3A_1487, %max3A_1495 : vector<16xf32>
      %exp3A_1511 = math.exp %sub3A_1510 : vector<16xf32>
      %add3A_1512 = arith.addf %exp3A_1497, %exp3A_1499 : vector<16xf32>
      %add3A_1513 = arith.addf %add3A_1512, %exp3A_1501 : vector<16xf32>
      %add3A_1514 = arith.addf %add3A_1513, %exp3A_1503 : vector<16xf32>
      %add3A_1515 = arith.addf %add3A_1514, %exp3A_1505 : vector<16xf32>
      %add3A_1516 = arith.addf %add3A_1515, %exp3A_1507 : vector<16xf32>
      %add3A_1517 = arith.addf %add3A_1516, %exp3A_1509 : vector<16xf32>
      %add3A_1518 = arith.addf %add3A_1517, %exp3A_1511 : vector<16xf32>
      %div3A_1519 = arith.divf %exp3A_1497, %add3A_1518 : vector<16xf32>
      %div3A_1520 = arith.divf %exp3A_1499, %add3A_1518 : vector<16xf32>
      %div3A_1521 = arith.divf %exp3A_1501, %add3A_1518 : vector<16xf32>
      %div3A_1522 = arith.divf %exp3A_1503, %add3A_1518 : vector<16xf32>
      %div3A_1523 = arith.divf %exp3A_1505, %add3A_1518 : vector<16xf32>
      %div3A_1524 = arith.divf %exp3A_1507, %add3A_1518 : vector<16xf32>
      %div3A_1525 = arith.divf %exp3A_1509, %add3A_1518 : vector<16xf32>
      %div3A_1526 = arith.divf %exp3A_1511, %add3A_1518 : vector<16xf32>
      %max3A_1527 = arith.maximumf %div3A_1519, %div3A_1520 : vector<16xf32>
      %max3A_1528 = arith.maximumf %max3A_1527, %div3A_1521 : vector<16xf32>
      %max3A_1529 = arith.maximumf %max3A_1528, %div3A_1522 : vector<16xf32>
      %max3A_1530 = arith.maximumf %max3A_1529, %div3A_1523 : vector<16xf32>
      %max3A_1531 = arith.maximumf %max3A_1530, %div3A_1524 : vector<16xf32>
      %max3A_1532 = arith.maximumf %max3A_1531, %div3A_1525 : vector<16xf32>
      %max3A_1533 = arith.maximumf %max3A_1532, %div3A_1526 : vector<16xf32>
      %broadcast_in_dim3A_1534 = arith.constant false
      %broadcast_in_dim3A_1535 = vector.broadcast %broadcast_in_dim3A_1534 : i1 to vector<16xi1>
      %eq3A_1536 = arith.cmpf oeq, %div3A_1519, %max3A_1533 : vector<16xf32>
      %not3A_1537 = arith.constant dense<true> : vector<16xi1>
      %not3A_1538 = arith.xori %broadcast_in_dim3A_1535, %not3A_1537 : vector<16xi1>
      %and3A_1539 = arith.andi %eq3A_1536, %not3A_1538 : vector<16xi1>
      %or3A_1540 = arith.ori %broadcast_in_dim3A_1535, %and3A_1539 : vector<16xi1>
      %eq3A_1541 = arith.cmpf oeq, %div3A_1520, %max3A_1533 : vector<16xf32>
      %not3A_1542 = arith.constant dense<true> : vector<16xi1>
      %not3A_1543 = arith.xori %or3A_1540, %not3A_1542 : vector<16xi1>
      %and3A_1544 = arith.andi %eq3A_1541, %not3A_1543 : vector<16xi1>
      %or3A_1545 = arith.ori %or3A_1540, %and3A_1544 : vector<16xi1>
      %eq3A_1546 = arith.cmpf oeq, %div3A_1521, %max3A_1533 : vector<16xf32>
      %not3A_1547 = arith.constant dense<true> : vector<16xi1>
      %not3A_1548 = arith.xori %or3A_1545, %not3A_1547 : vector<16xi1>
      %and3A_1549 = arith.andi %eq3A_1546, %not3A_1548 : vector<16xi1>
      %or3A_1550 = arith.ori %or3A_1545, %and3A_1549 : vector<16xi1>
      %eq3A_1551 = arith.cmpf oeq, %div3A_1522, %max3A_1533 : vector<16xf32>
      %not3A_1552 = arith.constant dense<true> : vector<16xi1>
      %not3A_1553 = arith.xori %or3A_1550, %not3A_1552 : vector<16xi1>
      %and3A_1554 = arith.andi %eq3A_1551, %not3A_1553 : vector<16xi1>
      %or3A_1555 = arith.ori %or3A_1550, %and3A_1554 : vector<16xi1>
      %eq3A_1556 = arith.cmpf oeq, %div3A_1523, %max3A_1533 : vector<16xf32>
      %not3A_1557 = arith.constant dense<true> : vector<16xi1>
      %not3A_1558 = arith.xori %or3A_1555, %not3A_1557 : vector<16xi1>
      %and3A_1559 = arith.andi %eq3A_1556, %not3A_1558 : vector<16xi1>
      %or3A_1560 = arith.ori %or3A_1555, %and3A_1559 : vector<16xi1>
      %eq3A_1561 = arith.cmpf oeq, %div3A_1524, %max3A_1533 : vector<16xf32>
      %not3A_1562 = arith.constant dense<true> : vector<16xi1>
      %not3A_1563 = arith.xori %or3A_1560, %not3A_1562 : vector<16xi1>
      %and3A_1564 = arith.andi %eq3A_1561, %not3A_1563 : vector<16xi1>
      %or3A_1565 = arith.ori %or3A_1560, %and3A_1564 : vector<16xi1>
      %eq3A_1566 = arith.cmpf oeq, %div3A_1525, %max3A_1533 : vector<16xf32>
      %not3A_1567 = arith.constant dense<true> : vector<16xi1>
      %not3A_1568 = arith.xori %or3A_1565, %not3A_1567 : vector<16xi1>
      %and3A_1569 = arith.andi %eq3A_1566, %not3A_1568 : vector<16xi1>
      %or3A_1570 = arith.ori %or3A_1565, %and3A_1569 : vector<16xi1>
      %eq3A_1571 = arith.cmpf oeq, %div3A_1526, %max3A_1533 : vector<16xf32>
      %not3A_1572 = arith.constant dense<true> : vector<16xi1>
      %not3A_1573 = arith.xori %or3A_1570, %not3A_1572 : vector<16xi1>
      %and3A_1574 = arith.andi %eq3A_1571, %not3A_1573 : vector<16xi1>
      %or3A_1575 = arith.ori %or3A_1570, %and3A_1574 : vector<16xi1>
      %jit3A_1576 = arith.constant -1.000000e+00 : f32
      %broadcast_in_dim3A_1577 = vector.broadcast %jit3A_1576 : f32 to vector<16xf32>
      %select_n3A_1578 = arith.select %and3A_1539, %broadcast_in_dim3A_1577, %div3A_1519 : vector<16xi1>, vector<16xf32>
      %jit3A_1579 = arith.constant -1.000000e+00 : f32
      %broadcast_in_dim3A_1580 = vector.broadcast %jit3A_1579 : f32 to vector<16xf32>
      %select_n3A_1581 = arith.select %and3A_1544, %broadcast_in_dim3A_1580, %div3A_1520 : vector<16xi1>, vector<16xf32>
      %jit3A_1582 = arith.constant -1.000000e+00 : f32
      %broadcast_in_dim3A_1583 = vector.broadcast %jit3A_1582 : f32 to vector<16xf32>
      %select_n3A_1584 = arith.select %and3A_1549, %broadcast_in_dim3A_1583, %div3A_1521 : vector<16xi1>, vector<16xf32>
      %jit3A_1585 = arith.constant -1.000000e+00 : f32
      %broadcast_in_dim3A_1586 = vector.broadcast %jit3A_1585 : f32 to vector<16xf32>
      %select_n3A_1587 = arith.select %and3A_1554, %broadcast_in_dim3A_1586, %div3A_1522 : vector<16xi1>, vector<16xf32>
      %jit3A_1588 = arith.constant -1.000000e+00 : f32
      %broadcast_in_dim3A_1589 = vector.broadcast %jit3A_1588 : f32 to vector<16xf32>
      %select_n3A_1590 = arith.select %and3A_1559, %broadcast_in_dim3A_1589, %div3A_1523 : vector<16xi1>, vector<16xf32>
      %jit3A_1591 = arith.constant -1.000000e+00 : f32
      %broadcast_in_dim3A_1592 = vector.broadcast %jit3A_1591 : f32 to vector<16xf32>
      %select_n3A_1593 = arith.select %and3A_1564, %broadcast_in_dim3A_1592, %div3A_1524 : vector<16xi1>, vector<16xf32>
      %jit3A_1594 = arith.constant -1.000000e+00 : f32
      %broadcast_in_dim3A_1595 = vector.broadcast %jit3A_1594 : f32 to vector<16xf32>
      %select_n3A_1596 = arith.select %and3A_1569, %broadcast_in_dim3A_1595, %div3A_1525 : vector<16xi1>, vector<16xf32>
      %jit3A_1597 = arith.constant -1.000000e+00 : f32
      %broadcast_in_dim3A_1598 = vector.broadcast %jit3A_1597 : f32 to vector<16xf32>
      %select_n3A_1599 = arith.select %and3A_1574, %broadcast_in_dim3A_1598, %div3A_1526 : vector<16xi1>, vector<16xf32>
      %max3A_1600 = arith.maximumf %select_n3A_1578, %select_n3A_1581 : vector<16xf32>
      %max3A_1601 = arith.maximumf %max3A_1600, %select_n3A_1584 : vector<16xf32>
      %max3A_1602 = arith.maximumf %max3A_1601, %select_n3A_1587 : vector<16xf32>
      %max3A_1603 = arith.maximumf %max3A_1602, %select_n3A_1590 : vector<16xf32>
      %max3A_1604 = arith.maximumf %max3A_1603, %select_n3A_1593 : vector<16xf32>
      %max3A_1605 = arith.maximumf %max3A_1604, %select_n3A_1596 : vector<16xf32>
      %max3A_1606 = arith.maximumf %max3A_1605, %select_n3A_1599 : vector<16xf32>
      %broadcast_in_dim3A_1607 = arith.constant false
      %broadcast_in_dim3A_1608 = vector.broadcast %broadcast_in_dim3A_1607 : i1 to vector<16xi1>
      %eq3A_1609 = arith.cmpf oeq, %select_n3A_1578, %max3A_1606 : vector<16xf32>
      %not3A_1610 = arith.constant dense<true> : vector<16xi1>
      %not3A_1611 = arith.xori %broadcast_in_dim3A_1608, %not3A_1610 : vector<16xi1>
      %and3A_1612 = arith.andi %eq3A_1609, %not3A_1611 : vector<16xi1>
      %or3A_1613 = arith.ori %broadcast_in_dim3A_1608, %and3A_1612 : vector<16xi1>
      %eq3A_1614 = arith.cmpf oeq, %select_n3A_1581, %max3A_1606 : vector<16xf32>
      %not3A_1615 = arith.constant dense<true> : vector<16xi1>
      %not3A_1616 = arith.xori %or3A_1613, %not3A_1615 : vector<16xi1>
      %and3A_1617 = arith.andi %eq3A_1614, %not3A_1616 : vector<16xi1>
      %or3A_1618 = arith.ori %or3A_1613, %and3A_1617 : vector<16xi1>
      %eq3A_1619 = arith.cmpf oeq, %select_n3A_1584, %max3A_1606 : vector<16xf32>
      %not3A_1620 = arith.constant dense<true> : vector<16xi1>
      %not3A_1621 = arith.xori %or3A_1618, %not3A_1620 : vector<16xi1>
      %and3A_1622 = arith.andi %eq3A_1619, %not3A_1621 : vector<16xi1>
      %or3A_1623 = arith.ori %or3A_1618, %and3A_1622 : vector<16xi1>
      %eq3A_1624 = arith.cmpf oeq, %select_n3A_1587, %max3A_1606 : vector<16xf32>
      %not3A_1625 = arith.constant dense<true> : vector<16xi1>
      %not3A_1626 = arith.xori %or3A_1623, %not3A_1625 : vector<16xi1>
      %and3A_1627 = arith.andi %eq3A_1624, %not3A_1626 : vector<16xi1>
      %or3A_1628 = arith.ori %or3A_1623, %and3A_1627 : vector<16xi1>
      %eq3A_1629 = arith.cmpf oeq, %select_n3A_1590, %max3A_1606 : vector<16xf32>
      %not3A_1630 = arith.constant dense<true> : vector<16xi1>
      %not3A_1631 = arith.xori %or3A_1628, %not3A_1630 : vector<16xi1>
      %and3A_1632 = arith.andi %eq3A_1629, %not3A_1631 : vector<16xi1>
      %or3A_1633 = arith.ori %or3A_1628, %and3A_1632 : vector<16xi1>
      %eq3A_1634 = arith.cmpf oeq, %select_n3A_1593, %max3A_1606 : vector<16xf32>
      %not3A_1635 = arith.constant dense<true> : vector<16xi1>
      %not3A_1636 = arith.xori %or3A_1633, %not3A_1635 : vector<16xi1>
      %and3A_1637 = arith.andi %eq3A_1634, %not3A_1636 : vector<16xi1>
      %or3A_1638 = arith.ori %or3A_1633, %and3A_1637 : vector<16xi1>
      %eq3A_1639 = arith.cmpf oeq, %select_n3A_1596, %max3A_1606 : vector<16xf32>
      %not3A_1640 = arith.constant dense<true> : vector<16xi1>
      %not3A_1641 = arith.xori %or3A_1638, %not3A_1640 : vector<16xi1>
      %and3A_1642 = arith.andi %eq3A_1639, %not3A_1641 : vector<16xi1>
      %or3A_1643 = arith.ori %or3A_1638, %and3A_1642 : vector<16xi1>
      %eq3A_1644 = arith.cmpf oeq, %select_n3A_1599, %max3A_1606 : vector<16xf32>
      %not3A_1645 = arith.constant dense<true> : vector<16xi1>
      %not3A_1646 = arith.xori %or3A_1643, %not3A_1645 : vector<16xi1>
      %and3A_1647 = arith.andi %eq3A_1644, %not3A_1646 : vector<16xi1>
      %or3A_1648 = arith.ori %or3A_1643, %and3A_1647 : vector<16xi1>
      %add3A_1649 = arith.addf %max3A_1533, %max3A_1606 : vector<16xf32>
      %div3A_1650 = arith.divf %max3A_1533, %add3A_1649 : vector<16xf32>
      %div3A_1651 = arith.divf %max3A_1606, %add3A_1649 : vector<16xf32>
      %broadcast_in_dim3A_1652 = arith.constant 0.000000e+00 : f32
      %broadcast_in_dim3A_1653 = vector.broadcast %broadcast_in_dim3A_1652 : f32 to vector<16xf32>
      %select_n3A_1654 = arith.select %and3A_1612, %div3A_1651, %broadcast_in_dim3A_1653 : vector<16xi1>, vector<16xf32>
      %select_n3A_1655 = arith.select %and3A_1539, %div3A_1650, %select_n3A_1654 : vector<16xi1>, vector<16xf32>
      tpu.vector_store_idx %arg5[%add3A_1407], %select_n3A_1655 : memref<1152xf32, #tpu.memory_space<vmem>>[vector<16xi32>], vector<16xf32>,
      %select_n3A_1656 = arith.select %and3A_1617, %div3A_1651, %broadcast_in_dim3A_1653 : vector<16xi1>, vector<16xf32>
      %select_n3A_1657 = arith.select %and3A_1544, %div3A_1650, %select_n3A_1656 : vector<16xi1>, vector<16xf32>
      tpu.vector_store_idx %arg5[%add3A_1416], %select_n3A_1657 : memref<1152xf32, #tpu.memory_space<vmem>>[vector<16xi32>], vector<16xf32>,
      %select_n3A_1658 = arith.select %and3A_1622, %div3A_1651, %broadcast_in_dim3A_1653 : vector<16xi1>, vector<16xf32>
      %select_n3A_1659 = arith.select %and3A_1549, %div3A_1650, %select_n3A_1658 : vector<16xi1>, vector<16xf32>
      tpu.vector_store_idx %arg5[%add3A_1425], %select_n3A_1659 : memref<1152xf32, #tpu.memory_space<vmem>>[vector<16xi32>], vector<16xf32>,
      %select_n3A_1660 = arith.select %and3A_1627, %div3A_1651, %broadcast_in_dim3A_1653 : vector<16xi1>, vector<16xf32>
      %select_n3A_1661 = arith.select %and3A_1554, %div3A_1650, %select_n3A_1660 : vector<16xi1>, vector<16xf32>
      tpu.vector_store_idx %arg5[%add3A_1434], %select_n3A_1661 : memref<1152xf32, #tpu.memory_space<vmem>>[vector<16xi32>], vector<16xf32>,
      %select_n3A_1662 = arith.select %and3A_1632, %div3A_1651, %broadcast_in_dim3A_1653 : vector<16xi1>, vector<16xf32>
      %select_n3A_1663 = arith.select %and3A_1559, %div3A_1650, %select_n3A_1662 : vector<16xi1>, vector<16xf32>
      tpu.vector_store_idx %arg5[%add3A_1443], %select_n3A_1663 : memref<1152xf32, #tpu.memory_space<vmem>>[vector<16xi32>], vector<16xf32>,
      %select_n3A_1664 = arith.select %and3A_1637, %div3A_1651, %broadcast_in_dim3A_1653 : vector<16xi1>, vector<16xf32>
      %select_n3A_1665 = arith.select %and3A_1564, %div3A_1650, %select_n3A_1664 : vector<16xi1>, vector<16xf32>
      tpu.vector_store_idx %arg5[%add3A_1452], %select_n3A_1665 : memref<1152xf32, #tpu.memory_space<vmem>>[vector<16xi32>], vector<16xf32>,
      %select_n3A_1666 = arith.select %and3A_1642, %div3A_1651, %broadcast_in_dim3A_1653 : vector<16xi1>, vector<16xf32>
      %select_n3A_1667 = arith.select %and3A_1569, %div3A_1650, %select_n3A_1666 : vector<16xi1>, vector<16xf32>
      tpu.vector_store_idx %arg5[%add3A_1461], %select_n3A_1667 : memref<1152xf32, #tpu.memory_space<vmem>>[vector<16xi32>], vector<16xf32>,
      %select_n3A_1668 = arith.select %and3A_1647, %div3A_1651, %broadcast_in_dim3A_1653 : vector<16xi1>, vector<16xf32>
      %select_n3A_1669 = arith.select %and3A_1574, %div3A_1650, %select_n3A_1668 : vector<16xi1>, vector<16xf32>
      tpu.vector_store_idx %arg5[%add3A_1470], %select_n3A_1669 : memref<1152xf32, #tpu.memory_space<vmem>>[vector<16xi32>], vector<16xf32>,
      %neg3A_1670 = arith.constant 0.000000e+00 : f32
      %neg3A_1671 = vector.broadcast %neg3A_1670 : f32 to vector<16xf32>
      %neg3A_1672 = arith.subf %neg3A_1671, %gather3A_1488 : vector<16xf32>
      %exp3A_1673 = math.exp %neg3A_1672 : vector<16xf32>
      %add3A_1674 = arith.constant 1.000000e+00 : f32
      %add3A_1675 = vector.broadcast %add3A_1674 : f32 to vector<16xf32>
      %add3A_1676 = arith.addf %add3A_1675, %exp3A_1673 : vector<16xf32>
      %div3A_1677 = arith.constant 1.000000e+00 : f32
      %div3A_1678 = vector.broadcast %div3A_1677 : f32 to vector<16xf32>
      %div3A_1679 = arith.divf %div3A_1678, %add3A_1676 : vector<16xf32>
      tpu.vector_store_idx %arg5[%add3A_1479], %div3A_1679 : memref<1152xf32, #tpu.memory_space<vmem>>[vector<16xi32>], vector<16xf32>,
      %add3A_1680 = arith.constant 96 : i32
      %add3A_1681 = vector.broadcast %add3A_1680 : i32 to vector<16xi32>
      %add3A_1682 = arith.addi %add3A_1681, %iota3A : vector<16xi32>
      %mul3A_1683 = arith.constant 9 : i32
      %mul3A_1684 = vector.broadcast %mul3A_1683 : i32 to vector<16xi32>
      %mul3A_1685 = arith.muli %mul3A_1684, %add3A_1682 : vector<16xi32>
      %add3A_1686 = arith.constant 0 : i32
      %add3A_1687 = vector.broadcast %add3A_1686 : i32 to vector<16xi32>
      %add3A_1688 = arith.addi %mul3A_1685, %add3A_1687 : vector<16xi32>
      %add3A_1689 = arith.constant 96 : i32
      %add3A_1690 = vector.broadcast %add3A_1689 : i32 to vector<16xi32>
      %add3A_1691 = arith.addi %add3A_1690, %iota3A : vector<16xi32>
      %mul3A_1692 = arith.constant 9 : i32
      %mul3A_1693 = vector.broadcast %mul3A_1692 : i32 to vector<16xi32>
      %mul3A_1694 = arith.muli %mul3A_1693, %add3A_1691 : vector<16xi32>
      %add3A_1695 = arith.constant 1 : i32
      %add3A_1696 = vector.broadcast %add3A_1695 : i32 to vector<16xi32>
      %add3A_1697 = arith.addi %mul3A_1694, %add3A_1696 : vector<16xi32>
      %add3A_1698 = arith.constant 96 : i32
      %add3A_1699 = vector.broadcast %add3A_1698 : i32 to vector<16xi32>
      %add3A_1700 = arith.addi %add3A_1699, %iota3A : vector<16xi32>
      %mul3A_1701 = arith.constant 9 : i32
      %mul3A_1702 = vector.broadcast %mul3A_1701 : i32 to vector<16xi32>
      %mul3A_1703 = arith.muli %mul3A_1702, %add3A_1700 : vector<16xi32>
      %add3A_1704 = arith.constant 2 : i32
      %add3A_1705 = vector.broadcast %add3A_1704 : i32 to vector<16xi32>
      %add3A_1706 = arith.addi %mul3A_1703, %add3A_1705 : vector<16xi32>
      %add3A_1707 = arith.constant 96 : i32
      %add3A_1708 = vector.broadcast %add3A_1707 : i32 to vector<16xi32>
      %add3A_1709 = arith.addi %add3A_1708, %iota3A : vector<16xi32>
      %mul3A_1710 = arith.constant 9 : i32
      %mul3A_1711 = vector.broadcast %mul3A_1710 : i32 to vector<16xi32>
      %mul3A_1712 = arith.muli %mul3A_1711, %add3A_1709 : vector<16xi32>
      %add3A_1713 = arith.constant 3 : i32
      %add3A_1714 = vector.broadcast %add3A_1713 : i32 to vector<16xi32>
      %add3A_1715 = arith.addi %mul3A_1712, %add3A_1714 : vector<16xi32>
      %add3A_1716 = arith.constant 96 : i32
      %add3A_1717 = vector.broadcast %add3A_1716 : i32 to vector<16xi32>
      %add3A_1718 = arith.addi %add3A_1717, %iota3A : vector<16xi32>
      %mul3A_1719 = arith.constant 9 : i32
      %mul3A_1720 = vector.broadcast %mul3A_1719 : i32 to vector<16xi32>
      %mul3A_1721 = arith.muli %mul3A_1720, %add3A_1718 : vector<16xi32>
      %add3A_1722 = arith.constant 4 : i32
      %add3A_1723 = vector.broadcast %add3A_1722 : i32 to vector<16xi32>
      %add3A_1724 = arith.addi %mul3A_1721, %add3A_1723 : vector<16xi32>
      %add3A_1725 = arith.constant 96 : i32
      %add3A_1726 = vector.broadcast %add3A_1725 : i32 to vector<16xi32>
      %add3A_1727 = arith.addi %add3A_1726, %iota3A : vector<16xi32>
      %mul3A_1728 = arith.constant 9 : i32
      %mul3A_1729 = vector.broadcast %mul3A_1728 : i32 to vector<16xi32>
      %mul3A_1730 = arith.muli %mul3A_1729, %add3A_1727 : vector<16xi32>
      %add3A_1731 = arith.constant 5 : i32
      %add3A_1732 = vector.broadcast %add3A_1731 : i32 to vector<16xi32>
      %add3A_1733 = arith.addi %mul3A_1730, %add3A_1732 : vector<16xi32>
      %add3A_1734 = arith.constant 96 : i32
      %add3A_1735 = vector.broadcast %add3A_1734 : i32 to vector<16xi32>
      %add3A_1736 = arith.addi %add3A_1735, %iota3A : vector<16xi32>
      %mul3A_1737 = arith.constant 9 : i32
      %mul3A_1738 = vector.broadcast %mul3A_1737 : i32 to vector<16xi32>
      %mul3A_1739 = arith.muli %mul3A_1738, %add3A_1736 : vector<16xi32>
      %add3A_1740 = arith.constant 6 : i32
      %add3A_1741 = vector.broadcast %add3A_1740 : i32 to vector<16xi32>
      %add3A_1742 = arith.addi %mul3A_1739, %add3A_1741 : vector<16xi32>
      %add3A_1743 = arith.constant 96 : i32
      %add3A_1744 = vector.broadcast %add3A_1743 : i32 to vector<16xi32>
      %add3A_1745 = arith.addi %add3A_1744, %iota3A : vector<16xi32>
      %mul3A_1746 = arith.constant 9 : i32
      %mul3A_1747 = vector.broadcast %mul3A_1746 : i32 to vector<16xi32>
      %mul3A_1748 = arith.muli %mul3A_1747, %add3A_1745 : vector<16xi32>
      %add3A_1749 = arith.constant 7 : i32
      %add3A_1750 = vector.broadcast %add3A_1749 : i32 to vector<16xi32>
      %add3A_1751 = arith.addi %mul3A_1748, %add3A_1750 : vector<16xi32>
      %add3A_1752 = arith.constant 96 : i32
      %add3A_1753 = vector.broadcast %add3A_1752 : i32 to vector<16xi32>
      %add3A_1754 = arith.addi %add3A_1753, %iota3A : vector<16xi32>
      %mul3A_1755 = arith.constant 9 : i32
      %mul3A_1756 = vector.broadcast %mul3A_1755 : i32 to vector<16xi32>
      %mul3A_1757 = arith.muli %mul3A_1756, %add3A_1754 : vector<16xi32>
      %add3A_1758 = arith.constant 8 : i32
      %add3A_1759 = vector.broadcast %add3A_1758 : i32 to vector<16xi32>
      %add3A_1760 = arith.addi %mul3A_1757, %add3A_1759 : vector<16xi32>
      %gather3A_1761 = tpu.vector_load_idx %arg4[%add3A_1688] : memref<1152xf32, #tpu.memory_space<vmem>>[vector<16xi32>], vector<16xf32>,
      %gather3A_1762 = tpu.vector_load_idx %arg4[%add3A_1697] : memref<1152xf32, #tpu.memory_space<vmem>>[vector<16xi32>], vector<16xf32>,
      %gather3A_1763 = tpu.vector_load_idx %arg4[%add3A_1706] : memref<1152xf32, #tpu.memory_space<vmem>>[vector<16xi32>], vector<16xf32>,
      %gather3A_1764 = tpu.vector_load_idx %arg4[%add3A_1715] : memref<1152xf32, #tpu.memory_space<vmem>>[vector<16xi32>], vector<16xf32>,
      %gather3A_1765 = tpu.vector_load_idx %arg4[%add3A_1724] : memref<1152xf32, #tpu.memory_space<vmem>>[vector<16xi32>], vector<16xf32>,
      %gather3A_1766 = tpu.vector_load_idx %arg4[%add3A_1733] : memref<1152xf32, #tpu.memory_space<vmem>>[vector<16xi32>], vector<16xf32>,
      %gather3A_1767 = tpu.vector_load_idx %arg4[%add3A_1742] : memref<1152xf32, #tpu.memory_space<vmem>>[vector<16xi32>], vector<16xf32>,
      %gather3A_1768 = tpu.vector_load_idx %arg4[%add3A_1751] : memref<1152xf32, #tpu.memory_space<vmem>>[vector<16xi32>], vector<16xf32>,
      %gather3A_1769 = tpu.vector_load_idx %arg4[%add3A_1760] : memref<1152xf32, #tpu.memory_space<vmem>>[vector<16xi32>], vector<16xf32>,
      %max3A_1770 = arith.maximumf %gather3A_1761, %gather3A_1762 : vector<16xf32>
      %max3A_1771 = arith.maximumf %max3A_1770, %gather3A_1763 : vector<16xf32>
      %max3A_1772 = arith.maximumf %max3A_1771, %gather3A_1764 : vector<16xf32>
      %max3A_1773 = arith.maximumf %max3A_1772, %gather3A_1765 : vector<16xf32>
      %max3A_1774 = arith.maximumf %max3A_1773, %gather3A_1766 : vector<16xf32>
      %max3A_1775 = arith.maximumf %max3A_1774, %gather3A_1767 : vector<16xf32>
      %max3A_1776 = arith.maximumf %max3A_1775, %gather3A_1768 : vector<16xf32>
      %sub3A_1777 = arith.subf %gather3A_1761, %max3A_1776 : vector<16xf32>
      %exp3A_1778 = math.exp %sub3A_1777 : vector<16xf32>
      %sub3A_1779 = arith.subf %gather3A_1762, %max3A_1776 : vector<16xf32>
      %exp3A_1780 = math.exp %sub3A_1779 : vector<16xf32>
      %sub3A_1781 = arith.subf %gather3A_1763, %max3A_1776 : vector<16xf32>
      %exp3A_1782 = math.exp %sub3A_1781 : vector<16xf32>
      %sub3A_1783 = arith.subf %gather3A_1764, %max3A_1776 : vector<16xf32>
      %exp3A_1784 = math.exp %sub3A_1783 : vector<16xf32>
      %sub3A_1785 = arith.subf %gather3A_1765, %max3A_1776 : vector<16xf32>
      %exp3A_1786 = math.exp %sub3A_1785 : vector<16xf32>
      %sub3A_1787 = arith.subf %gather3A_1766, %max3A_1776 : vector<16xf32>
      %exp3A_1788 = math.exp %sub3A_1787 : vector<16xf32>
      %sub3A_1789 = arith.subf %gather3A_1767, %max3A_1776 : vector<16xf32>
      %exp3A_1790 = math.exp %sub3A_1789 : vector<16xf32>
      %sub3A_1791 = arith.subf %gather3A_1768, %max3A_1776 : vector<16xf32>
      %exp3A_1792 = math.exp %sub3A_1791 : vector<16xf32>
      %add3A_1793 = arith.addf %exp3A_1778, %exp3A_1780 : vector<16xf32>
      %add3A_1794 = arith.addf %add3A_1793, %exp3A_1782 : vector<16xf32>
      %add3A_1795 = arith.addf %add3A_1794, %exp3A_1784 : vector<16xf32>
      %add3A_1796 = arith.addf %add3A_1795, %exp3A_1786 : vector<16xf32>
      %add3A_1797 = arith.addf %add3A_1796, %exp3A_1788 : vector<16xf32>
      %add3A_1798 = arith.addf %add3A_1797, %exp3A_1790 : vector<16xf32>
      %add3A_1799 = arith.addf %add3A_1798, %exp3A_1792 : vector<16xf32>
      %div3A_1800 = arith.divf %exp3A_1778, %add3A_1799 : vector<16xf32>
      %div3A_1801 = arith.divf %exp3A_1780, %add3A_1799 : vector<16xf32>
      %div3A_1802 = arith.divf %exp3A_1782, %add3A_1799 : vector<16xf32>
      %div3A_1803 = arith.divf %exp3A_1784, %add3A_1799 : vector<16xf32>
      %div3A_1804 = arith.divf %exp3A_1786, %add3A_1799 : vector<16xf32>
      %div3A_1805 = arith.divf %exp3A_1788, %add3A_1799 : vector<16xf32>
      %div3A_1806 = arith.divf %exp3A_1790, %add3A_1799 : vector<16xf32>
      %div3A_1807 = arith.divf %exp3A_1792, %add3A_1799 : vector<16xf32>
      %max3A_1808 = arith.maximumf %div3A_1800, %div3A_1801 : vector<16xf32>
      %max3A_1809 = arith.maximumf %max3A_1808, %div3A_1802 : vector<16xf32>
      %max3A_1810 = arith.maximumf %max3A_1809, %div3A_1803 : vector<16xf32>
      %max3A_1811 = arith.maximumf %max3A_1810, %div3A_1804 : vector<16xf32>
      %max3A_1812 = arith.maximumf %max3A_1811, %div3A_1805 : vector<16xf32>
      %max3A_1813 = arith.maximumf %max3A_1812, %div3A_1806 : vector<16xf32>
      %max3A_1814 = arith.maximumf %max3A_1813, %div3A_1807 : vector<16xf32>
      %broadcast_in_dim3A_1815 = arith.constant false
      %broadcast_in_dim3A_1816 = vector.broadcast %broadcast_in_dim3A_1815 : i1 to vector<16xi1>
      %eq3A_1817 = arith.cmpf oeq, %div3A_1800, %max3A_1814 : vector<16xf32>
      %not3A_1818 = arith.constant dense<true> : vector<16xi1>
      %not3A_1819 = arith.xori %broadcast_in_dim3A_1816, %not3A_1818 : vector<16xi1>
      %and3A_1820 = arith.andi %eq3A_1817, %not3A_1819 : vector<16xi1>
      %or3A_1821 = arith.ori %broadcast_in_dim3A_1816, %and3A_1820 : vector<16xi1>
      %eq3A_1822 = arith.cmpf oeq, %div3A_1801, %max3A_1814 : vector<16xf32>
      %not3A_1823 = arith.constant dense<true> : vector<16xi1>
      %not3A_1824 = arith.xori %or3A_1821, %not3A_1823 : vector<16xi1>
      %and3A_1825 = arith.andi %eq3A_1822, %not3A_1824 : vector<16xi1>
      %or3A_1826 = arith.ori %or3A_1821, %and3A_1825 : vector<16xi1>
      %eq3A_1827 = arith.cmpf oeq, %div3A_1802, %max3A_1814 : vector<16xf32>
      %not3A_1828 = arith.constant dense<true> : vector<16xi1>
      %not3A_1829 = arith.xori %or3A_1826, %not3A_1828 : vector<16xi1>
      %and3A_1830 = arith.andi %eq3A_1827, %not3A_1829 : vector<16xi1>
      %or3A_1831 = arith.ori %or3A_1826, %and3A_1830 : vector<16xi1>
      %eq3A_1832 = arith.cmpf oeq, %div3A_1803, %max3A_1814 : vector<16xf32>
      %not3A_1833 = arith.constant dense<true> : vector<16xi1>
      %not3A_1834 = arith.xori %or3A_1831, %not3A_1833 : vector<16xi1>
      %and3A_1835 = arith.andi %eq3A_1832, %not3A_1834 : vector<16xi1>
      %or3A_1836 = arith.ori %or3A_1831, %and3A_1835 : vector<16xi1>
      %eq3A_1837 = arith.cmpf oeq, %div3A_1804, %max3A_1814 : vector<16xf32>
      %not3A_1838 = arith.constant dense<true> : vector<16xi1>
      %not3A_1839 = arith.xori %or3A_1836, %not3A_1838 : vector<16xi1>
      %and3A_1840 = arith.andi %eq3A_1837, %not3A_1839 : vector<16xi1>
      %or3A_1841 = arith.ori %or3A_1836, %and3A_1840 : vector<16xi1>
      %eq3A_1842 = arith.cmpf oeq, %div3A_1805, %max3A_1814 : vector<16xf32>
      %not3A_1843 = arith.constant dense<true> : vector<16xi1>
      %not3A_1844 = arith.xori %or3A_1841, %not3A_1843 : vector<16xi1>
      %and3A_1845 = arith.andi %eq3A_1842, %not3A_1844 : vector<16xi1>
      %or3A_1846 = arith.ori %or3A_1841, %and3A_1845 : vector<16xi1>
      %eq3A_1847 = arith.cmpf oeq, %div3A_1806, %max3A_1814 : vector<16xf32>
      %not3A_1848 = arith.constant dense<true> : vector<16xi1>
      %not3A_1849 = arith.xori %or3A_1846, %not3A_1848 : vector<16xi1>
      %and3A_1850 = arith.andi %eq3A_1847, %not3A_1849 : vector<16xi1>
      %or3A_1851 = arith.ori %or3A_1846, %and3A_1850 : vector<16xi1>
      %eq3A_1852 = arith.cmpf oeq, %div3A_1807, %max3A_1814 : vector<16xf32>
      %not3A_1853 = arith.constant dense<true> : vector<16xi1>
      %not3A_1854 = arith.xori %or3A_1851, %not3A_1853 : vector<16xi1>
      %and3A_1855 = arith.andi %eq3A_1852, %not3A_1854 : vector<16xi1>
      %or3A_1856 = arith.ori %or3A_1851, %and3A_1855 : vector<16xi1>
      %jit3A_1857 = arith.constant -1.000000e+00 : f32
      %broadcast_in_dim3A_1858 = vector.broadcast %jit3A_1857 : f32 to vector<16xf32>
      %select_n3A_1859 = arith.select %and3A_1820, %broadcast_in_dim3A_1858, %div3A_1800 : vector<16xi1>, vector<16xf32>
      %jit3A_1860 = arith.constant -1.000000e+00 : f32
      %broadcast_in_dim3A_1861 = vector.broadcast %jit3A_1860 : f32 to vector<16xf32>
      %select_n3A_1862 = arith.select %and3A_1825, %broadcast_in_dim3A_1861, %div3A_1801 : vector<16xi1>, vector<16xf32>
      %jit3A_1863 = arith.constant -1.000000e+00 : f32
      %broadcast_in_dim3A_1864 = vector.broadcast %jit3A_1863 : f32 to vector<16xf32>
      %select_n3A_1865 = arith.select %and3A_1830, %broadcast_in_dim3A_1864, %div3A_1802 : vector<16xi1>, vector<16xf32>
      %jit3A_1866 = arith.constant -1.000000e+00 : f32
      %broadcast_in_dim3A_1867 = vector.broadcast %jit3A_1866 : f32 to vector<16xf32>
      %select_n3A_1868 = arith.select %and3A_1835, %broadcast_in_dim3A_1867, %div3A_1803 : vector<16xi1>, vector<16xf32>
      %jit3A_1869 = arith.constant -1.000000e+00 : f32
      %broadcast_in_dim3A_1870 = vector.broadcast %jit3A_1869 : f32 to vector<16xf32>
      %select_n3A_1871 = arith.select %and3A_1840, %broadcast_in_dim3A_1870, %div3A_1804 : vector<16xi1>, vector<16xf32>
      %jit3A_1872 = arith.constant -1.000000e+00 : f32
      %broadcast_in_dim3A_1873 = vector.broadcast %jit3A_1872 : f32 to vector<16xf32>
      %select_n3A_1874 = arith.select %and3A_1845, %broadcast_in_dim3A_1873, %div3A_1805 : vector<16xi1>, vector<16xf32>
      %jit3A_1875 = arith.constant -1.000000e+00 : f32
      %broadcast_in_dim3A_1876 = vector.broadcast %jit3A_1875 : f32 to vector<16xf32>
      %select_n3A_1877 = arith.select %and3A_1850, %broadcast_in_dim3A_1876, %div3A_1806 : vector<16xi1>, vector<16xf32>
      %jit3A_1878 = arith.constant -1.000000e+00 : f32
      %broadcast_in_dim3A_1879 = vector.broadcast %jit3A_1878 : f32 to vector<16xf32>
      %select_n3A_1880 = arith.select %and3A_1855, %broadcast_in_dim3A_1879, %div3A_1807 : vector<16xi1>, vector<16xf32>
      %max3A_1881 = arith.maximumf %select_n3A_1859, %select_n3A_1862 : vector<16xf32>
      %max3A_1882 = arith.maximumf %max3A_1881, %select_n3A_1865 : vector<16xf32>
      %max3A_1883 = arith.maximumf %max3A_1882, %select_n3A_1868 : vector<16xf32>
      %max3A_1884 = arith.maximumf %max3A_1883, %select_n3A_1871 : vector<16xf32>
      %max3A_1885 = arith.maximumf %max3A_1884, %select_n3A_1874 : vector<16xf32>
      %max3A_1886 = arith.maximumf %max3A_1885, %select_n3A_1877 : vector<16xf32>
      %max3A_1887 = arith.maximumf %max3A_1886, %select_n3A_1880 : vector<16xf32>
      %broadcast_in_dim3A_1888 = arith.constant false
      %broadcast_in_dim3A_1889 = vector.broadcast %broadcast_in_dim3A_1888 : i1 to vector<16xi1>
      %eq3A_1890 = arith.cmpf oeq, %select_n3A_1859, %max3A_1887 : vector<16xf32>
      %not3A_1891 = arith.constant dense<true> : vector<16xi1>
      %not3A_1892 = arith.xori %broadcast_in_dim3A_1889, %not3A_1891 : vector<16xi1>
      %and3A_1893 = arith.andi %eq3A_1890, %not3A_1892 : vector<16xi1>
      %or3A_1894 = arith.ori %broadcast_in_dim3A_1889, %and3A_1893 : vector<16xi1>
      %eq3A_1895 = arith.cmpf oeq, %select_n3A_1862, %max3A_1887 : vector<16xf32>
      %not3A_1896 = arith.constant dense<true> : vector<16xi1>
      %not3A_1897 = arith.xori %or3A_1894, %not3A_1896 : vector<16xi1>
      %and3A_1898 = arith.andi %eq3A_1895, %not3A_1897 : vector<16xi1>
      %or3A_1899 = arith.ori %or3A_1894, %and3A_1898 : vector<16xi1>
      %eq3A_1900 = arith.cmpf oeq, %select_n3A_1865, %max3A_1887 : vector<16xf32>
      %not3A_1901 = arith.constant dense<true> : vector<16xi1>
      %not3A_1902 = arith.xori %or3A_1899, %not3A_1901 : vector<16xi1>
      %and3A_1903 = arith.andi %eq3A_1900, %not3A_1902 : vector<16xi1>
      %or3A_1904 = arith.ori %or3A_1899, %and3A_1903 : vector<16xi1>
      %eq3A_1905 = arith.cmpf oeq, %select_n3A_1868, %max3A_1887 : vector<16xf32>
      %not3A_1906 = arith.constant dense<true> : vector<16xi1>
      %not3A_1907 = arith.xori %or3A_1904, %not3A_1906 : vector<16xi1>
      %and3A_1908 = arith.andi %eq3A_1905, %not3A_1907 : vector<16xi1>
      %or3A_1909 = arith.ori %or3A_1904, %and3A_1908 : vector<16xi1>
      %eq3A_1910 = arith.cmpf oeq, %select_n3A_1871, %max3A_1887 : vector<16xf32>
      %not3A_1911 = arith.constant dense<true> : vector<16xi1>
      %not3A_1912 = arith.xori %or3A_1909, %not3A_1911 : vector<16xi1>
      %and3A_1913 = arith.andi %eq3A_1910, %not3A_1912 : vector<16xi1>
      %or3A_1914 = arith.ori %or3A_1909, %and3A_1913 : vector<16xi1>
      %eq3A_1915 = arith.cmpf oeq, %select_n3A_1874, %max3A_1887 : vector<16xf32>
      %not3A_1916 = arith.constant dense<true> : vector<16xi1>
      %not3A_1917 = arith.xori %or3A_1914, %not3A_1916 : vector<16xi1>
      %and3A_1918 = arith.andi %eq3A_1915, %not3A_1917 : vector<16xi1>
      %or3A_1919 = arith.ori %or3A_1914, %and3A_1918 : vector<16xi1>
      %eq3A_1920 = arith.cmpf oeq, %select_n3A_1877, %max3A_1887 : vector<16xf32>
      %not3A_1921 = arith.constant dense<true> : vector<16xi1>
      %not3A_1922 = arith.xori %or3A_1919, %not3A_1921 : vector<16xi1>
      %and3A_1923 = arith.andi %eq3A_1920, %not3A_1922 : vector<16xi1>
      %or3A_1924 = arith.ori %or3A_1919, %and3A_1923 : vector<16xi1>
      %eq3A_1925 = arith.cmpf oeq, %select_n3A_1880, %max3A_1887 : vector<16xf32>
      %not3A_1926 = arith.constant dense<true> : vector<16xi1>
      %not3A_1927 = arith.xori %or3A_1924, %not3A_1926 : vector<16xi1>
      %and3A_1928 = arith.andi %eq3A_1925, %not3A_1927 : vector<16xi1>
      %or3A_1929 = arith.ori %or3A_1924, %and3A_1928 : vector<16xi1>
      %add3A_1930 = arith.addf %max3A_1814, %max3A_1887 : vector<16xf32>
      %div3A_1931 = arith.divf %max3A_1814, %add3A_1930 : vector<16xf32>
      %div3A_1932 = arith.divf %max3A_1887, %add3A_1930 : vector<16xf32>
      %broadcast_in_dim3A_1933 = arith.constant 0.000000e+00 : f32
      %broadcast_in_dim3A_1934 = vector.broadcast %broadcast_in_dim3A_1933 : f32 to vector<16xf32>
      %select_n3A_1935 = arith.select %and3A_1893, %div3A_1932, %broadcast_in_dim3A_1934 : vector<16xi1>, vector<16xf32>
      %select_n3A_1936 = arith.select %and3A_1820, %div3A_1931, %select_n3A_1935 : vector<16xi1>, vector<16xf32>
      tpu.vector_store_idx %arg5[%add3A_1688], %select_n3A_1936 : memref<1152xf32, #tpu.memory_space<vmem>>[vector<16xi32>], vector<16xf32>,
      %select_n3A_1937 = arith.select %and3A_1898, %div3A_1932, %broadcast_in_dim3A_1934 : vector<16xi1>, vector<16xf32>
      %select_n3A_1938 = arith.select %and3A_1825, %div3A_1931, %select_n3A_1937 : vector<16xi1>, vector<16xf32>
      tpu.vector_store_idx %arg5[%add3A_1697], %select_n3A_1938 : memref<1152xf32, #tpu.memory_space<vmem>>[vector<16xi32>], vector<16xf32>,
      %select_n3A_1939 = arith.select %and3A_1903, %div3A_1932, %broadcast_in_dim3A_1934 : vector<16xi1>, vector<16xf32>
      %select_n3A_1940 = arith.select %and3A_1830, %div3A_1931, %select_n3A_1939 : vector<16xi1>, vector<16xf32>
      tpu.vector_store_idx %arg5[%add3A_1706], %select_n3A_1940 : memref<1152xf32, #tpu.memory_space<vmem>>[vector<16xi32>], vector<16xf32>,
      %select_n3A_1941 = arith.select %and3A_1908, %div3A_1932, %broadcast_in_dim3A_1934 : vector<16xi1>, vector<16xf32>
      %select_n3A_1942 = arith.select %and3A_1835, %div3A_1931, %select_n3A_1941 : vector<16xi1>, vector<16xf32>
      tpu.vector_store_idx %arg5[%add3A_1715], %select_n3A_1942 : memref<1152xf32, #tpu.memory_space<vmem>>[vector<16xi32>], vector<16xf32>,
      %select_n3A_1943 = arith.select %and3A_1913, %div3A_1932, %broadcast_in_dim3A_1934 : vector<16xi1>, vector<16xf32>
      %select_n3A_1944 = arith.select %and3A_1840, %div3A_1931, %select_n3A_1943 : vector<16xi1>, vector<16xf32>
      tpu.vector_store_idx %arg5[%add3A_1724], %select_n3A_1944 : memref<1152xf32, #tpu.memory_space<vmem>>[vector<16xi32>], vector<16xf32>,
      %select_n3A_1945 = arith.select %and3A_1918, %div3A_1932, %broadcast_in_dim3A_1934 : vector<16xi1>, vector<16xf32>
      %select_n3A_1946 = arith.select %and3A_1845, %div3A_1931, %select_n3A_1945 : vector<16xi1>, vector<16xf32>
      tpu.vector_store_idx %arg5[%add3A_1733], %select_n3A_1946 : memref<1152xf32, #tpu.memory_space<vmem>>[vector<16xi32>], vector<16xf32>,
      %select_n3A_1947 = arith.select %and3A_1923, %div3A_1932, %broadcast_in_dim3A_1934 : vector<16xi1>, vector<16xf32>
      %select_n3A_1948 = arith.select %and3A_1850, %div3A_1931, %select_n3A_1947 : vector<16xi1>, vector<16xf32>
      tpu.vector_store_idx %arg5[%add3A_1742], %select_n3A_1948 : memref<1152xf32, #tpu.memory_space<vmem>>[vector<16xi32>], vector<16xf32>,
      %select_n3A_1949 = arith.select %and3A_1928, %div3A_1932, %broadcast_in_dim3A_1934 : vector<16xi1>, vector<16xf32>
      %select_n3A_1950 = arith.select %and3A_1855, %div3A_1931, %select_n3A_1949 : vector<16xi1>, vector<16xf32>
      tpu.vector_store_idx %arg5[%add3A_1751], %select_n3A_1950 : memref<1152xf32, #tpu.memory_space<vmem>>[vector<16xi32>], vector<16xf32>,
      %neg3A_1951 = arith.constant 0.000000e+00 : f32
      %neg3A_1952 = vector.broadcast %neg3A_1951 : f32 to vector<16xf32>
      %neg3A_1953 = arith.subf %neg3A_1952, %gather3A_1769 : vector<16xf32>
      %exp3A_1954 = math.exp %neg3A_1953 : vector<16xf32>
      %add3A_1955 = arith.constant 1.000000e+00 : f32
      %add3A_1956 = vector.broadcast %add3A_1955 : f32 to vector<16xf32>
      %add3A_1957 = arith.addf %add3A_1956, %exp3A_1954 : vector<16xf32>
      %div3A_1958 = arith.constant 1.000000e+00 : f32
      %div3A_1959 = vector.broadcast %div3A_1958 : f32 to vector<16xf32>
      %div3A_1960 = arith.divf %div3A_1959, %add3A_1957 : vector<16xf32>
      tpu.vector_store_idx %arg5[%add3A_1760], %div3A_1960 : memref<1152xf32, #tpu.memory_space<vmem>>[vector<16xi32>], vector<16xf32>,
      %add3A_1961 = arith.constant 112 : i32
      %add3A_1962 = vector.broadcast %add3A_1961 : i32 to vector<16xi32>
      %add3A_1963 = arith.addi %add3A_1962, %iota3A : vector<16xi32>
      %mul3A_1964 = arith.constant 9 : i32
      %mul3A_1965 = vector.broadcast %mul3A_1964 : i32 to vector<16xi32>
      %mul3A_1966 = arith.muli %mul3A_1965, %add3A_1963 : vector<16xi32>
      %add3A_1967 = arith.constant 0 : i32
      %add3A_1968 = vector.broadcast %add3A_1967 : i32 to vector<16xi32>
      %add3A_1969 = arith.addi %mul3A_1966, %add3A_1968 : vector<16xi32>
      %add3A_1970 = arith.constant 112 : i32
      %add3A_1971 = vector.broadcast %add3A_1970 : i32 to vector<16xi32>
      %add3A_1972 = arith.addi %add3A_1971, %iota3A : vector<16xi32>
      %mul3A_1973 = arith.constant 9 : i32
      %mul3A_1974 = vector.broadcast %mul3A_1973 : i32 to vector<16xi32>
      %mul3A_1975 = arith.muli %mul3A_1974, %add3A_1972 : vector<16xi32>
      %add3A_1976 = arith.constant 1 : i32
      %add3A_1977 = vector.broadcast %add3A_1976 : i32 to vector<16xi32>
      %add3A_1978 = arith.addi %mul3A_1975, %add3A_1977 : vector<16xi32>
      %add3A_1979 = arith.constant 112 : i32
      %add3A_1980 = vector.broadcast %add3A_1979 : i32 to vector<16xi32>
      %add3A_1981 = arith.addi %add3A_1980, %iota3A : vector<16xi32>
      %mul3A_1982 = arith.constant 9 : i32
      %mul3A_1983 = vector.broadcast %mul3A_1982 : i32 to vector<16xi32>
      %mul3A_1984 = arith.muli %mul3A_1983, %add3A_1981 : vector<16xi32>
      %add3A_1985 = arith.constant 2 : i32
      %add3A_1986 = vector.broadcast %add3A_1985 : i32 to vector<16xi32>
      %add3A_1987 = arith.addi %mul3A_1984, %add3A_1986 : vector<16xi32>
      %add3A_1988 = arith.constant 112 : i32
      %add3A_1989 = vector.broadcast %add3A_1988 : i32 to vector<16xi32>
      %add3A_1990 = arith.addi %add3A_1989, %iota3A : vector<16xi32>
      %mul3A_1991 = arith.constant 9 : i32
      %mul3A_1992 = vector.broadcast %mul3A_1991 : i32 to vector<16xi32>
      %mul3A_1993 = arith.muli %mul3A_1992, %add3A_1990 : vector<16xi32>
      %add3A_1994 = arith.constant 3 : i32
      %add3A_1995 = vector.broadcast %add3A_1994 : i32 to vector<16xi32>
      %add3A_1996 = arith.addi %mul3A_1993, %add3A_1995 : vector<16xi32>
      %add3A_1997 = arith.constant 112 : i32
      %add3A_1998 = vector.broadcast %add3A_1997 : i32 to vector<16xi32>
      %add3A_1999 = arith.addi %add3A_1998, %iota3A : vector<16xi32>
      %mul3A_2000 = arith.constant 9 : i32
      %mul3A_2001 = vector.broadcast %mul3A_2000 : i32 to vector<16xi32>
      %mul3A_2002 = arith.muli %mul3A_2001, %add3A_1999 : vector<16xi32>
      %add3A_2003 = arith.constant 4 : i32
      %add3A_2004 = vector.broadcast %add3A_2003 : i32 to vector<16xi32>
      %add3A_2005 = arith.addi %mul3A_2002, %add3A_2004 : vector<16xi32>
      %add3A_2006 = arith.constant 112 : i32
      %add3A_2007 = vector.broadcast %add3A_2006 : i32 to vector<16xi32>
      %add3A_2008 = arith.addi %add3A_2007, %iota3A : vector<16xi32>
      %mul3A_2009 = arith.constant 9 : i32
      %mul3A_2010 = vector.broadcast %mul3A_2009 : i32 to vector<16xi32>
      %mul3A_2011 = arith.muli %mul3A_2010, %add3A_2008 : vector<16xi32>
      %add3A_2012 = arith.constant 5 : i32
      %add3A_2013 = vector.broadcast %add3A_2012 : i32 to vector<16xi32>
      %add3A_2014 = arith.addi %mul3A_2011, %add3A_2013 : vector<16xi32>
      %add3A_2015 = arith.constant 112 : i32
      %add3A_2016 = vector.broadcast %add3A_2015 : i32 to vector<16xi32>
      %add3A_2017 = arith.addi %add3A_2016, %iota3A : vector<16xi32>
      %mul3A_2018 = arith.constant 9 : i32
      %mul3A_2019 = vector.broadcast %mul3A_2018 : i32 to vector<16xi32>
      %mul3A_2020 = arith.muli %mul3A_2019, %add3A_2017 : vector<16xi32>
      %add3A_2021 = arith.constant 6 : i32
      %add3A_2022 = vector.broadcast %add3A_2021 : i32 to vector<16xi32>
      %add3A_2023 = arith.addi %mul3A_2020, %add3A_2022 : vector<16xi32>
      %add3A_2024 = arith.constant 112 : i32
      %add3A_2025 = vector.broadcast %add3A_2024 : i32 to vector<16xi32>
      %add3A_2026 = arith.addi %add3A_2025, %iota3A : vector<16xi32>
      %mul3A_2027 = arith.constant 9 : i32
      %mul3A_2028 = vector.broadcast %mul3A_2027 : i32 to vector<16xi32>
      %mul3A_2029 = arith.muli %mul3A_2028, %add3A_2026 : vector<16xi32>
      %add3A_2030 = arith.constant 7 : i32
      %add3A_2031 = vector.broadcast %add3A_2030 : i32 to vector<16xi32>
      %add3A_2032 = arith.addi %mul3A_2029, %add3A_2031 : vector<16xi32>
      %add3A_2033 = arith.constant 112 : i32
      %add3A_2034 = vector.broadcast %add3A_2033 : i32 to vector<16xi32>
      %add3A_2035 = arith.addi %add3A_2034, %iota3A : vector<16xi32>
      %mul3A_2036 = arith.constant 9 : i32
      %mul3A_2037 = vector.broadcast %mul3A_2036 : i32 to vector<16xi32>
      %mul3A_2038 = arith.muli %mul3A_2037, %add3A_2035 : vector<16xi32>
      %add3A_2039 = arith.constant 8 : i32
      %add3A_2040 = vector.broadcast %add3A_2039 : i32 to vector<16xi32>
      %add3A_2041 = arith.addi %mul3A_2038, %add3A_2040 : vector<16xi32>
      %gather3A_2042 = tpu.vector_load_idx %arg4[%add3A_1969] : memref<1152xf32, #tpu.memory_space<vmem>>[vector<16xi32>], vector<16xf32>,
      %gather3A_2043 = tpu.vector_load_idx %arg4[%add3A_1978] : memref<1152xf32, #tpu.memory_space<vmem>>[vector<16xi32>], vector<16xf32>,
      %gather3A_2044 = tpu.vector_load_idx %arg4[%add3A_1987] : memref<1152xf32, #tpu.memory_space<vmem>>[vector<16xi32>], vector<16xf32>,
      %gather3A_2045 = tpu.vector_load_idx %arg4[%add3A_1996] : memref<1152xf32, #tpu.memory_space<vmem>>[vector<16xi32>], vector<16xf32>,
      %gather3A_2046 = tpu.vector_load_idx %arg4[%add3A_2005] : memref<1152xf32, #tpu.memory_space<vmem>>[vector<16xi32>], vector<16xf32>,
      %gather3A_2047 = tpu.vector_load_idx %arg4[%add3A_2014] : memref<1152xf32, #tpu.memory_space<vmem>>[vector<16xi32>], vector<16xf32>,
      %gather3A_2048 = tpu.vector_load_idx %arg4[%add3A_2023] : memref<1152xf32, #tpu.memory_space<vmem>>[vector<16xi32>], vector<16xf32>,
      %gather3A_2049 = tpu.vector_load_idx %arg4[%add3A_2032] : memref<1152xf32, #tpu.memory_space<vmem>>[vector<16xi32>], vector<16xf32>,
      %gather3A_2050 = tpu.vector_load_idx %arg4[%add3A_2041] : memref<1152xf32, #tpu.memory_space<vmem>>[vector<16xi32>], vector<16xf32>,
      %max3A_2051 = arith.maximumf %gather3A_2042, %gather3A_2043 : vector<16xf32>
      %max3A_2052 = arith.maximumf %max3A_2051, %gather3A_2044 : vector<16xf32>
      %max3A_2053 = arith.maximumf %max3A_2052, %gather3A_2045 : vector<16xf32>
      %max3A_2054 = arith.maximumf %max3A_2053, %gather3A_2046 : vector<16xf32>
      %max3A_2055 = arith.maximumf %max3A_2054, %gather3A_2047 : vector<16xf32>
      %max3A_2056 = arith.maximumf %max3A_2055, %gather3A_2048 : vector<16xf32>
      %max3A_2057 = arith.maximumf %max3A_2056, %gather3A_2049 : vector<16xf32>
      %sub3A_2058 = arith.subf %gather3A_2042, %max3A_2057 : vector<16xf32>
      %exp3A_2059 = math.exp %sub3A_2058 : vector<16xf32>
      %sub3A_2060 = arith.subf %gather3A_2043, %max3A_2057 : vector<16xf32>
      %exp3A_2061 = math.exp %sub3A_2060 : vector<16xf32>
      %sub3A_2062 = arith.subf %gather3A_2044, %max3A_2057 : vector<16xf32>
      %exp3A_2063 = math.exp %sub3A_2062 : vector<16xf32>
      %sub3A_2064 = arith.subf %gather3A_2045, %max3A_2057 : vector<16xf32>
      %exp3A_2065 = math.exp %sub3A_2064 : vector<16xf32>
      %sub3A_2066 = arith.subf %gather3A_2046, %max3A_2057 : vector<16xf32>
      %exp3A_2067 = math.exp %sub3A_2066 : vector<16xf32>
      %sub3A_2068 = arith.subf %gather3A_2047, %max3A_2057 : vector<16xf32>
      %exp3A_2069 = math.exp %sub3A_2068 : vector<16xf32>
      %sub3A_2070 = arith.subf %gather3A_2048, %max3A_2057 : vector<16xf32>
      %exp3A_2071 = math.exp %sub3A_2070 : vector<16xf32>
      %sub3A_2072 = arith.subf %gather3A_2049, %max3A_2057 : vector<16xf32>
      %exp3A_2073 = math.exp %sub3A_2072 : vector<16xf32>
      %add3A_2074 = arith.addf %exp3A_2059, %exp3A_2061 : vector<16xf32>
      %add3A_2075 = arith.addf %add3A_2074, %exp3A_2063 : vector<16xf32>
      %add3A_2076 = arith.addf %add3A_2075, %exp3A_2065 : vector<16xf32>
      %add3A_2077 = arith.addf %add3A_2076, %exp3A_2067 : vector<16xf32>
      %add3A_2078 = arith.addf %add3A_2077, %exp3A_2069 : vector<16xf32>
      %add3A_2079 = arith.addf %add3A_2078, %exp3A_2071 : vector<16xf32>
      %add3A_2080 = arith.addf %add3A_2079, %exp3A_2073 : vector<16xf32>
      %div3A_2081 = arith.divf %exp3A_2059, %add3A_2080 : vector<16xf32>
      %div3A_2082 = arith.divf %exp3A_2061, %add3A_2080 : vector<16xf32>
      %div3A_2083 = arith.divf %exp3A_2063, %add3A_2080 : vector<16xf32>
      %div3A_2084 = arith.divf %exp3A_2065, %add3A_2080 : vector<16xf32>
      %div3A_2085 = arith.divf %exp3A_2067, %add3A_2080 : vector<16xf32>
      %div3A_2086 = arith.divf %exp3A_2069, %add3A_2080 : vector<16xf32>
      %div3A_2087 = arith.divf %exp3A_2071, %add3A_2080 : vector<16xf32>
      %div3A_2088 = arith.divf %exp3A_2073, %add3A_2080 : vector<16xf32>
      %max3A_2089 = arith.maximumf %div3A_2081, %div3A_2082 : vector<16xf32>
      %max3A_2090 = arith.maximumf %max3A_2089, %div3A_2083 : vector<16xf32>
      %max3A_2091 = arith.maximumf %max3A_2090, %div3A_2084 : vector<16xf32>
      %max3A_2092 = arith.maximumf %max3A_2091, %div3A_2085 : vector<16xf32>
      %max3A_2093 = arith.maximumf %max3A_2092, %div3A_2086 : vector<16xf32>
      %max3A_2094 = arith.maximumf %max3A_2093, %div3A_2087 : vector<16xf32>
      %max3A_2095 = arith.maximumf %max3A_2094, %div3A_2088 : vector<16xf32>
      %broadcast_in_dim3A_2096 = arith.constant false
      %broadcast_in_dim3A_2097 = vector.broadcast %broadcast_in_dim3A_2096 : i1 to vector<16xi1>
      %eq3A_2098 = arith.cmpf oeq, %div3A_2081, %max3A_2095 : vector<16xf32>
      %not3A_2099 = arith.constant dense<true> : vector<16xi1>
      %not3A_2100 = arith.xori %broadcast_in_dim3A_2097, %not3A_2099 : vector<16xi1>
      %and3A_2101 = arith.andi %eq3A_2098, %not3A_2100 : vector<16xi1>
      %or3A_2102 = arith.ori %broadcast_in_dim3A_2097, %and3A_2101 : vector<16xi1>
      %eq3A_2103 = arith.cmpf oeq, %div3A_2082, %max3A_2095 : vector<16xf32>
      %not3A_2104 = arith.constant dense<true> : vector<16xi1>
      %not3A_2105 = arith.xori %or3A_2102, %not3A_2104 : vector<16xi1>
      %and3A_2106 = arith.andi %eq3A_2103, %not3A_2105 : vector<16xi1>
      %or3A_2107 = arith.ori %or3A_2102, %and3A_2106 : vector<16xi1>
      %eq3A_2108 = arith.cmpf oeq, %div3A_2083, %max3A_2095 : vector<16xf32>
      %not3A_2109 = arith.constant dense<true> : vector<16xi1>
      %not3A_2110 = arith.xori %or3A_2107, %not3A_2109 : vector<16xi1>
      %and3A_2111 = arith.andi %eq3A_2108, %not3A_2110 : vector<16xi1>
      %or3A_2112 = arith.ori %or3A_2107, %and3A_2111 : vector<16xi1>
      %eq3A_2113 = arith.cmpf oeq, %div3A_2084, %max3A_2095 : vector<16xf32>
      %not3A_2114 = arith.constant dense<true> : vector<16xi1>
      %not3A_2115 = arith.xori %or3A_2112, %not3A_2114 : vector<16xi1>
      %and3A_2116 = arith.andi %eq3A_2113, %not3A_2115 : vector<16xi1>
      %or3A_2117 = arith.ori %or3A_2112, %and3A_2116 : vector<16xi1>
      %eq3A_2118 = arith.cmpf oeq, %div3A_2085, %max3A_2095 : vector<16xf32>
      %not3A_2119 = arith.constant dense<true> : vector<16xi1>
      %not3A_2120 = arith.xori %or3A_2117, %not3A_2119 : vector<16xi1>
      %and3A_2121 = arith.andi %eq3A_2118, %not3A_2120 : vector<16xi1>
      %or3A_2122 = arith.ori %or3A_2117, %and3A_2121 : vector<16xi1>
      %eq3A_2123 = arith.cmpf oeq, %div3A_2086, %max3A_2095 : vector<16xf32>
      %not3A_2124 = arith.constant dense<true> : vector<16xi1>
      %not3A_2125 = arith.xori %or3A_2122, %not3A_2124 : vector<16xi1>
      %and3A_2126 = arith.andi %eq3A_2123, %not3A_2125 : vector<16xi1>
      %or3A_2127 = arith.ori %or3A_2122, %and3A_2126 : vector<16xi1>
      %eq3A_2128 = arith.cmpf oeq, %div3A_2087, %max3A_2095 : vector<16xf32>
      %not3A_2129 = arith.constant dense<true> : vector<16xi1>
      %not3A_2130 = arith.xori %or3A_2127, %not3A_2129 : vector<16xi1>
      %and3A_2131 = arith.andi %eq3A_2128, %not3A_2130 : vector<16xi1>
      %or3A_2132 = arith.ori %or3A_2127, %and3A_2131 : vector<16xi1>
      %eq3A_2133 = arith.cmpf oeq, %div3A_2088, %max3A_2095 : vector<16xf32>
      %not3A_2134 = arith.constant dense<true> : vector<16xi1>
      %not3A_2135 = arith.xori %or3A_2132, %not3A_2134 : vector<16xi1>
      %and3A_2136 = arith.andi %eq3A_2133, %not3A_2135 : vector<16xi1>
      %or3A_2137 = arith.ori %or3A_2132, %and3A_2136 : vector<16xi1>
      %jit3A_2138 = arith.constant -1.000000e+00 : f32
      %broadcast_in_dim3A_2139 = vector.broadcast %jit3A_2138 : f32 to vector<16xf32>
      %select_n3A_2140 = arith.select %and3A_2101, %broadcast_in_dim3A_2139, %div3A_2081 : vector<16xi1>, vector<16xf32>
      %jit3A_2141 = arith.constant -1.000000e+00 : f32
      %broadcast_in_dim3A_2142 = vector.broadcast %jit3A_2141 : f32 to vector<16xf32>
      %select_n3A_2143 = arith.select %and3A_2106, %broadcast_in_dim3A_2142, %div3A_2082 : vector<16xi1>, vector<16xf32>
      %jit3A_2144 = arith.constant -1.000000e+00 : f32
      %broadcast_in_dim3A_2145 = vector.broadcast %jit3A_2144 : f32 to vector<16xf32>
      %select_n3A_2146 = arith.select %and3A_2111, %broadcast_in_dim3A_2145, %div3A_2083 : vector<16xi1>, vector<16xf32>
      %jit3A_2147 = arith.constant -1.000000e+00 : f32
      %broadcast_in_dim3A_2148 = vector.broadcast %jit3A_2147 : f32 to vector<16xf32>
      %select_n3A_2149 = arith.select %and3A_2116, %broadcast_in_dim3A_2148, %div3A_2084 : vector<16xi1>, vector<16xf32>
      %jit3A_2150 = arith.constant -1.000000e+00 : f32
      %broadcast_in_dim3A_2151 = vector.broadcast %jit3A_2150 : f32 to vector<16xf32>
      %select_n3A_2152 = arith.select %and3A_2121, %broadcast_in_dim3A_2151, %div3A_2085 : vector<16xi1>, vector<16xf32>
      %jit3A_2153 = arith.constant -1.000000e+00 : f32
      %broadcast_in_dim3A_2154 = vector.broadcast %jit3A_2153 : f32 to vector<16xf32>
      %select_n3A_2155 = arith.select %and3A_2126, %broadcast_in_dim3A_2154, %div3A_2086 : vector<16xi1>, vector<16xf32>
      %jit3A_2156 = arith.constant -1.000000e+00 : f32
      %broadcast_in_dim3A_2157 = vector.broadcast %jit3A_2156 : f32 to vector<16xf32>
      %select_n3A_2158 = arith.select %and3A_2131, %broadcast_in_dim3A_2157, %div3A_2087 : vector<16xi1>, vector<16xf32>
      %jit3A_2159 = arith.constant -1.000000e+00 : f32
      %broadcast_in_dim3A_2160 = vector.broadcast %jit3A_2159 : f32 to vector<16xf32>
      %select_n3A_2161 = arith.select %and3A_2136, %broadcast_in_dim3A_2160, %div3A_2088 : vector<16xi1>, vector<16xf32>
      %max3A_2162 = arith.maximumf %select_n3A_2140, %select_n3A_2143 : vector<16xf32>
      %max3A_2163 = arith.maximumf %max3A_2162, %select_n3A_2146 : vector<16xf32>
      %max3A_2164 = arith.maximumf %max3A_2163, %select_n3A_2149 : vector<16xf32>
      %max3A_2165 = arith.maximumf %max3A_2164, %select_n3A_2152 : vector<16xf32>
      %max3A_2166 = arith.maximumf %max3A_2165, %select_n3A_2155 : vector<16xf32>
      %max3A_2167 = arith.maximumf %max3A_2166, %select_n3A_2158 : vector<16xf32>
      %max3A_2168 = arith.maximumf %max3A_2167, %select_n3A_2161 : vector<16xf32>
      %broadcast_in_dim3A_2169 = arith.constant false
      %broadcast_in_dim3A_2170 = vector.broadcast %broadcast_in_dim3A_2169 : i1 to vector<16xi1>
      %eq3A_2171 = arith.cmpf oeq, %select_n3A_2140, %max3A_2168 : vector<16xf32>
      %not3A_2172 = arith.constant dense<true> : vector<16xi1>
      %not3A_2173 = arith.xori %broadcast_in_dim3A_2170, %not3A_2172 : vector<16xi1>
      %and3A_2174 = arith.andi %eq3A_2171, %not3A_2173 : vector<16xi1>
      %or3A_2175 = arith.ori %broadcast_in_dim3A_2170, %and3A_2174 : vector<16xi1>
      %eq3A_2176 = arith.cmpf oeq, %select_n3A_2143, %max3A_2168 : vector<16xf32>
      %not3A_2177 = arith.constant dense<true> : vector<16xi1>
      %not3A_2178 = arith.xori %or3A_2175, %not3A_2177 : vector<16xi1>
      %and3A_2179 = arith.andi %eq3A_2176, %not3A_2178 : vector<16xi1>
      %or3A_2180 = arith.ori %or3A_2175, %and3A_2179 : vector<16xi1>
      %eq3A_2181 = arith.cmpf oeq, %select_n3A_2146, %max3A_2168 : vector<16xf32>
      %not3A_2182 = arith.constant dense<true> : vector<16xi1>
      %not3A_2183 = arith.xori %or3A_2180, %not3A_2182 : vector<16xi1>
      %and3A_2184 = arith.andi %eq3A_2181, %not3A_2183 : vector<16xi1>
      %or3A_2185 = arith.ori %or3A_2180, %and3A_2184 : vector<16xi1>
      %eq3A_2186 = arith.cmpf oeq, %select_n3A_2149, %max3A_2168 : vector<16xf32>
      %not3A_2187 = arith.constant dense<true> : vector<16xi1>
      %not3A_2188 = arith.xori %or3A_2185, %not3A_2187 : vector<16xi1>
      %and3A_2189 = arith.andi %eq3A_2186, %not3A_2188 : vector<16xi1>
      %or3A_2190 = arith.ori %or3A_2185, %and3A_2189 : vector<16xi1>
      %eq3A_2191 = arith.cmpf oeq, %select_n3A_2152, %max3A_2168 : vector<16xf32>
      %not3A_2192 = arith.constant dense<true> : vector<16xi1>
      %not3A_2193 = arith.xori %or3A_2190, %not3A_2192 : vector<16xi1>
      %and3A_2194 = arith.andi %eq3A_2191, %not3A_2193 : vector<16xi1>
      %or3A_2195 = arith.ori %or3A_2190, %and3A_2194 : vector<16xi1>
      %eq3A_2196 = arith.cmpf oeq, %select_n3A_2155, %max3A_2168 : vector<16xf32>
      %not3A_2197 = arith.constant dense<true> : vector<16xi1>
      %not3A_2198 = arith.xori %or3A_2195, %not3A_2197 : vector<16xi1>
      %and3A_2199 = arith.andi %eq3A_2196, %not3A_2198 : vector<16xi1>
      %or3A_2200 = arith.ori %or3A_2195, %and3A_2199 : vector<16xi1>
      %eq3A_2201 = arith.cmpf oeq, %select_n3A_2158, %max3A_2168 : vector<16xf32>
      %not3A_2202 = arith.constant dense<true> : vector<16xi1>
      %not3A_2203 = arith.xori %or3A_2200, %not3A_2202 : vector<16xi1>
      %and3A_2204 = arith.andi %eq3A_2201, %not3A_2203 : vector<16xi1>
      %or3A_2205 = arith.ori %or3A_2200, %and3A_2204 : vector<16xi1>
      %eq3A_2206 = arith.cmpf oeq, %select_n3A_2161, %max3A_2168 : vector<16xf32>
      %not3A_2207 = arith.constant dense<true> : vector<16xi1>
      %not3A_2208 = arith.xori %or3A_2205, %not3A_2207 : vector<16xi1>
      %and3A_2209 = arith.andi %eq3A_2206, %not3A_2208 : vector<16xi1>
      %or3A_2210 = arith.ori %or3A_2205, %and3A_2209 : vector<16xi1>
      %add3A_2211 = arith.addf %max3A_2095, %max3A_2168 : vector<16xf32>
      %div3A_2212 = arith.divf %max3A_2095, %add3A_2211 : vector<16xf32>
      %div3A_2213 = arith.divf %max3A_2168, %add3A_2211 : vector<16xf32>
      %broadcast_in_dim3A_2214 = arith.constant 0.000000e+00 : f32
      %broadcast_in_dim3A_2215 = vector.broadcast %broadcast_in_dim3A_2214 : f32 to vector<16xf32>
      %select_n3A_2216 = arith.select %and3A_2174, %div3A_2213, %broadcast_in_dim3A_2215 : vector<16xi1>, vector<16xf32>
      %select_n3A_2217 = arith.select %and3A_2101, %div3A_2212, %select_n3A_2216 : vector<16xi1>, vector<16xf32>
      tpu.vector_store_idx %arg5[%add3A_1969], %select_n3A_2217 : memref<1152xf32, #tpu.memory_space<vmem>>[vector<16xi32>], vector<16xf32>,
      %select_n3A_2218 = arith.select %and3A_2179, %div3A_2213, %broadcast_in_dim3A_2215 : vector<16xi1>, vector<16xf32>
      %select_n3A_2219 = arith.select %and3A_2106, %div3A_2212, %select_n3A_2218 : vector<16xi1>, vector<16xf32>
      tpu.vector_store_idx %arg5[%add3A_1978], %select_n3A_2219 : memref<1152xf32, #tpu.memory_space<vmem>>[vector<16xi32>], vector<16xf32>,
      %select_n3A_2220 = arith.select %and3A_2184, %div3A_2213, %broadcast_in_dim3A_2215 : vector<16xi1>, vector<16xf32>
      %select_n3A_2221 = arith.select %and3A_2111, %div3A_2212, %select_n3A_2220 : vector<16xi1>, vector<16xf32>
      tpu.vector_store_idx %arg5[%add3A_1987], %select_n3A_2221 : memref<1152xf32, #tpu.memory_space<vmem>>[vector<16xi32>], vector<16xf32>,
      %select_n3A_2222 = arith.select %and3A_2189, %div3A_2213, %broadcast_in_dim3A_2215 : vector<16xi1>, vector<16xf32>
      %select_n3A_2223 = arith.select %and3A_2116, %div3A_2212, %select_n3A_2222 : vector<16xi1>, vector<16xf32>
      tpu.vector_store_idx %arg5[%add3A_1996], %select_n3A_2223 : memref<1152xf32, #tpu.memory_space<vmem>>[vector<16xi32>], vector<16xf32>,
      %select_n3A_2224 = arith.select %and3A_2194, %div3A_2213, %broadcast_in_dim3A_2215 : vector<16xi1>, vector<16xf32>
      %select_n3A_2225 = arith.select %and3A_2121, %div3A_2212, %select_n3A_2224 : vector<16xi1>, vector<16xf32>
      tpu.vector_store_idx %arg5[%add3A_2005], %select_n3A_2225 : memref<1152xf32, #tpu.memory_space<vmem>>[vector<16xi32>], vector<16xf32>,
      %select_n3A_2226 = arith.select %and3A_2199, %div3A_2213, %broadcast_in_dim3A_2215 : vector<16xi1>, vector<16xf32>
      %select_n3A_2227 = arith.select %and3A_2126, %div3A_2212, %select_n3A_2226 : vector<16xi1>, vector<16xf32>
      tpu.vector_store_idx %arg5[%add3A_2014], %select_n3A_2227 : memref<1152xf32, #tpu.memory_space<vmem>>[vector<16xi32>], vector<16xf32>,
      %select_n3A_2228 = arith.select %and3A_2204, %div3A_2213, %broadcast_in_dim3A_2215 : vector<16xi1>, vector<16xf32>
      %select_n3A_2229 = arith.select %and3A_2131, %div3A_2212, %select_n3A_2228 : vector<16xi1>, vector<16xf32>
      tpu.vector_store_idx %arg5[%add3A_2023], %select_n3A_2229 : memref<1152xf32, #tpu.memory_space<vmem>>[vector<16xi32>], vector<16xf32>,
      %select_n3A_2230 = arith.select %and3A_2209, %div3A_2213, %broadcast_in_dim3A_2215 : vector<16xi1>, vector<16xf32>
      %select_n3A_2231 = arith.select %and3A_2136, %div3A_2212, %select_n3A_2230 : vector<16xi1>, vector<16xf32>
      tpu.vector_store_idx %arg5[%add3A_2032], %select_n3A_2231 : memref<1152xf32, #tpu.memory_space<vmem>>[vector<16xi32>], vector<16xf32>,
      %neg3A_2232 = arith.constant 0.000000e+00 : f32
      %neg3A_2233 = vector.broadcast %neg3A_2232 : f32 to vector<16xf32>
      %neg3A_2234 = arith.subf %neg3A_2233, %gather3A_2050 : vector<16xf32>
      %exp3A_2235 = math.exp %neg3A_2234 : vector<16xf32>
      %add3A_2236 = arith.constant 1.000000e+00 : f32
      %add3A_2237 = vector.broadcast %add3A_2236 : f32 to vector<16xf32>
      %add3A_2238 = arith.addf %add3A_2237, %exp3A_2235 : vector<16xf32>
      %div3A_2239 = arith.constant 1.000000e+00 : f32
      %div3A_2240 = vector.broadcast %div3A_2239 : f32 to vector<16xf32>
      %div3A_2241 = arith.divf %div3A_2240, %add3A_2238 : vector<16xf32>
      tpu.vector_store_idx %arg5[%add3A_2041], %div3A_2241 : memref<1152xf32, #tpu.memory_space<vmem>>[vector<16xi32>], vector<16xf32>,
      "tpu.region"() ({
        %run_scoped3A = tpu.sem_alloc : memref<!tpu.dma_semaphore, #tpu.memory_space<semaphore_mem>>
        %dma_start3A = tpu.memref_slice %arg3[%mul3A_6] : memref<18432xf32, #tpu.memory_space<hbm>> -> memref<1152xf32, #tpu.memory_space<hbm>>
        %dma_start3A_2242 = tpu.memref_slice %arg3[%mul3A_6] : memref<18432xf32, #tpu.memory_space<hbm>> -> memref<1152xf32, #tpu.memory_space<hbm>>
        tpu.enqueue_dma source(%arg5 : memref<1152xf32, #tpu.memory_space<vmem>>) target(%dma_start3A_2242 : memref<1152xf32, #tpu.memory_space<hbm>>) target_semaphore(%run_scoped3A : memref<!tpu.dma_semaphore, #tpu.memory_space<semaphore_mem>>)
        %dma_wait3A = tpu.memref_slice %arg3[%mul3A_6] : memref<18432xf32, #tpu.memory_space<hbm>> -> memref<1152xf32, #tpu.memory_space<hbm>>
        %dma_wait3A_2243 = tpu.memref_slice %arg3[%mul3A_6] : memref<18432xf32, #tpu.memory_space<hbm>> -> memref<1152xf32, #tpu.memory_space<hbm>>
        tpu.wait_dma2 semaphore(%run_scoped3A : memref<!tpu.dma_semaphore, #tpu.memory_space<semaphore_mem>>) src(%arg5 : memref<1152xf32, #tpu.memory_space<vmem>>) dst(%dma_wait3A_2243 : memref<1152xf32, #tpu.memory_space<hbm>>)
        tpu.yield
      }) : () -> ()
    } else {
    }
    return
  }
}

module attributes {stable_mosaic.version = 14 : i64} {
  func.func @_router_body(%arg0: memref<2048x2048xf32, #tpu.memory_space<vmem>>, %arg1: memref<2048x9xf32, #tpu.memory_space<vmem>>, %arg2: memref<2048x8xf32, #tpu.memory_space<vmem>>, %arg3: memref<2048x9xf32, #tpu.memory_space<vmem>>) attributes {dimension_semantics = [], scalar_prefetch = 0 : i64, scratch_operands = 0 : i64, tpu.core_type = #tpu.core_type<tc>} {
    %get3A = arith.constant 0 : index
    %get3A_0 = arith.constant 0 : index
    %get3A_1 = vector.load %arg0[%get3A, %get3A_0] : memref<2048x2048xf32, #tpu.memory_space<vmem>>, vector<2048x2048xf32>
    %get3A_2 = arith.constant 0 : index
    %get3A_3 = arith.constant 0 : index
    %get3A_4 = vector.load %arg1[%get3A_2, %get3A_3] : memref<2048x9xf32, #tpu.memory_space<vmem>>, vector<2048x9xf32>
    %dot_general3A = arith.constant dense<0.000000e+00> : vector<2048x9xf32>
    %dot_general3A_5 = tpu.matmul %get3A_1, %get3A_4, %dot_general3A {dimension_numbers = #tpu.dot_dimension_numbers<[1], [0], [0], [1], [0, 0, 1, 1], [], []>, transpose_lhs_hint = false} : vector<2048x2048xf32>, vector<2048x9xf32>, vector<2048x9xf32> -> vector<2048x9xf32>
    %slice3A = vector.extract_strided_slice %dot_general3A_5 {offsets = [0, 0], sizes = [2048, 8], strides = [1, 1]} : vector<2048x9xf32> to vector<2048x8xf32>
    %swap3A = arith.constant 0 : index
    %swap3A_6 = arith.constant 0 : index
    %swap3A_7 = vector.load %arg2[%swap3A, %swap3A_6] : memref<2048x8xf32, #tpu.memory_space<vmem>>, vector<2048x8xf32>
    tpu.vector_store %arg2[%swap3A, %swap3A_6], %slice3A {strides = array<i32>} : memref<2048x8xf32, #tpu.memory_space<vmem>>, vector<2048x8xf32>,
    %swap3A_8 = arith.constant 0 : index
    %swap3A_9 = arith.constant 0 : index
    %swap3A_10 = vector.load %arg3[%swap3A_8, %swap3A_9] : memref<2048x9xf32, #tpu.memory_space<vmem>>, vector<2048x9xf32>
    tpu.vector_store %arg3[%swap3A_8, %swap3A_9], %dot_general3A_5 {strides = array<i32>} : memref<2048x9xf32, #tpu.memory_space<vmem>>, vector<2048x9xf32>,
    return
  }
}

module attributes {stable_mosaic.version = 14 : i64} {
  func.func @_ffn_body(%arg0: i32, %arg1: i32, %arg2: memref<512x2048xf32, #tpu.memory_space<vmem>>, %arg3: memref<1x2048x512xbf16, #tpu.memory_space<vmem>>, %arg4: memref<1x2048x512xbf16, #tpu.memory_space<vmem>>, %arg5: memref<1x512x2048xbf16, #tpu.memory_space<vmem>>, %arg6: memref<1x1x512xf32, #tpu.memory_space<vmem>>, %arg7: memref<1x1x512xf32, #tpu.memory_space<vmem>>, %arg8: memref<1x1x2048xf32, #tpu.memory_space<vmem>>, %arg9: memref<512x9xf32, #tpu.memory_space<vmem>>, %arg10: memref<512x2048xf32, #tpu.memory_space<vmem>>) attributes {dimension_semantics = [#tpu.dimension_semantics<arbitrary>, #tpu.dimension_semantics<arbitrary>], iteration_bounds = array<i64: 4, 9>, scalar_prefetch = 0 : i64, scratch_operands = 0 : i64, tpu.core_type = #tpu.core_type<tc>, window_params = [{transform_indices = @transform_0, window_bounds = array<i64: 512, 2048>}, {transform_indices = @transform_1, window_bounds = array<i64: 1, 2048, 512>}, {transform_indices = @transform_2, window_bounds = array<i64: 1, 2048, 512>}, {transform_indices = @transform_3, window_bounds = array<i64: 1, 512, 2048>}, {transform_indices = @transform_4, window_bounds = array<i64: 1, 1, 512>}, {transform_indices = @transform_5, window_bounds = array<i64: 1, 1, 512>}, {transform_indices = @transform_6, window_bounds = array<i64: 1, 1, 2048>}, {transform_indices = @transform_7, window_bounds = array<i64: 512, 9>}, {transform_indices = @transform_8, window_bounds = array<i64: 512, 2048>}]} {
    %get3A = arith.constant 0 : index
    %get3A_0 = arith.constant 0 : index
    %get3A_1 = vector.load %arg2[%get3A, %get3A_0] : memref<512x2048xf32, #tpu.memory_space<vmem>>, vector<512x2048xf32>
    %convert_element_type3A = arith.truncf %get3A_1 : vector<512x2048xf32> to vector<512x2048xbf16>
    %get3A_2 = arith.constant 0 : index
    %get3A_3 = arith.constant 0 : index
    %get3A_4 = arith.constant 0 : index
    %get3A_5 = vector.load %arg3[%get3A_2, %get3A_3, %get3A_4] : memref<1x2048x512xbf16, #tpu.memory_space<vmem>>, vector<1x2048x512xbf16>
    %get3A_6 = vector.shape_cast %get3A_5 : vector<1x2048x512xbf16> to vector<2048x512xbf16>
    %dot_general3A = arith.constant dense<0.000000e+00> : vector<512x512xf32>
    %dot_general3A_7 = tpu.matmul %convert_element_type3A, %get3A_6, %dot_general3A {dimension_numbers = #tpu.dot_dimension_numbers<[1], [0], [0], [1], [0, 0, 1, 1], [], []>, transpose_lhs_hint = false} : vector<512x2048xbf16>, vector<2048x512xbf16>, vector<512x512xf32> -> vector<512x512xf32>
    %get3A_8 = arith.constant 0 : index
    %get3A_9 = arith.constant 0 : index
    %get3A_10 = arith.constant 0 : index
    %get3A_11 = vector.load %arg6[%get3A_8, %get3A_9, %get3A_10] : memref<1x1x512xf32, #tpu.memory_space<vmem>>, vector<1x1x512xf32>
    %get3A_12 = vector.shape_cast %get3A_11 : vector<1x1x512xf32> to vector<1x512xf32>
    %add3A = vector.broadcast %get3A_12 : vector<1x512xf32> to vector<512x512xf32>
    %add3A_13 = arith.addf %dot_general3A_7, %add3A : vector<512x512xf32>
    %get3A_14 = arith.constant 0 : index
    %get3A_15 = arith.constant 0 : index
    %get3A_16 = arith.constant 0 : index
    %get3A_17 = vector.load %arg4[%get3A_14, %get3A_15, %get3A_16] : memref<1x2048x512xbf16, #tpu.memory_space<vmem>>, vector<1x2048x512xbf16>
    %get3A_18 = vector.shape_cast %get3A_17 : vector<1x2048x512xbf16> to vector<2048x512xbf16>
    %dot_general3A_19 = arith.constant dense<0.000000e+00> : vector<512x512xf32>
    %dot_general3A_20 = tpu.matmul %convert_element_type3A, %get3A_18, %dot_general3A_19 {dimension_numbers = #tpu.dot_dimension_numbers<[1], [0], [0], [1], [0, 0, 1, 1], [], []>, transpose_lhs_hint = false} : vector<512x2048xbf16>, vector<2048x512xbf16>, vector<512x512xf32> -> vector<512x512xf32>
    %get3A_21 = arith.constant 0 : index
    %get3A_22 = arith.constant 0 : index
    %get3A_23 = arith.constant 0 : index
    %get3A_24 = vector.load %arg7[%get3A_21, %get3A_22, %get3A_23] : memref<1x1x512xf32, #tpu.memory_space<vmem>>, vector<1x1x512xf32>
    %get3A_25 = vector.shape_cast %get3A_24 : vector<1x1x512xf32> to vector<1x512xf32>
    %add3A_26 = vector.broadcast %get3A_25 : vector<1x512xf32> to vector<512x512xf32>
    %add3A_27 = arith.addf %dot_general3A_20, %add3A_26 : vector<512x512xf32>
    %logistic3A = arith.negf %add3A_13 : vector<512x512xf32>
    %logistic3A_28 = math.exp %logistic3A : vector<512x512xf32>
    %logistic3A_29 = arith.constant 1.000000e+00 : f32
    %logistic3A_30 = vector.broadcast %logistic3A_29 : f32 to vector<512x512xf32>
    %logistic3A_31 = arith.addf %logistic3A_30, %logistic3A_28 : vector<512x512xf32>
    %logistic3A_32 = arith.divf %logistic3A_30, %logistic3A_31 : vector<512x512xf32>
    %mul3A = arith.mulf %add3A_13, %logistic3A_32 : vector<512x512xf32>
    %mul3A_33 = arith.mulf %mul3A, %add3A_27 : vector<512x512xf32>
    %convert_element_type3A_34 = arith.truncf %mul3A_33 : vector<512x512xf32> to vector<512x512xbf16>
    %get3A_35 = arith.constant 0 : index
    %get3A_36 = arith.constant 0 : index
    %get3A_37 = arith.constant 0 : index
    %get3A_38 = vector.load %arg5[%get3A_35, %get3A_36, %get3A_37] : memref<1x512x2048xbf16, #tpu.memory_space<vmem>>, vector<1x512x2048xbf16>
    %get3A_39 = vector.shape_cast %get3A_38 : vector<1x512x2048xbf16> to vector<512x2048xbf16>
    %dot_general3A_40 = arith.constant dense<0.000000e+00> : vector<512x2048xf32>
    %dot_general3A_41 = tpu.matmul %convert_element_type3A_34, %get3A_39, %dot_general3A_40 {dimension_numbers = #tpu.dot_dimension_numbers<[1], [0], [0], [1], [0, 0, 1, 1], [], []>, transpose_lhs_hint = false} : vector<512x512xbf16>, vector<512x2048xbf16>, vector<512x2048xf32> -> vector<512x2048xf32>
    %get3A_42 = arith.constant 0 : index
    %get3A_43 = arith.constant 0 : index
    %get3A_44 = arith.constant 0 : index
    %get3A_45 = vector.load %arg8[%get3A_42, %get3A_43, %get3A_44] : memref<1x1x2048xf32, #tpu.memory_space<vmem>>, vector<1x1x2048xf32>
    %get3A_46 = vector.shape_cast %get3A_45 : vector<1x1x2048xf32> to vector<1x2048xf32>
    %add3A_47 = vector.broadcast %get3A_46 : vector<1x2048xf32> to vector<512x2048xf32>
    %add3A_48 = arith.addf %dot_general3A_41, %add3A_47 : vector<512x2048xf32>
    %iota3A = tpu.iota {dimensions = array<i32: 1>} : vector<512x9xi32>
    %eq3A = vector.broadcast %arg1 : i32 to vector<512x9xi32>
    %eq3A_49 = arith.cmpi eq, %iota3A, %eq3A : vector<512x9xi32>
    %get3A_50 = arith.constant 0 : index
    %get3A_51 = arith.constant 0 : index
    %get3A_52 = vector.load %arg9[%get3A_50, %get3A_51] : memref<512x9xf32, #tpu.memory_space<vmem>>, vector<512x9xf32>
    %jit3A = arith.constant 0.000000e+00 : f32
    %broadcast_in_dim3A = vector.broadcast %jit3A : f32 to vector<512x9xf32>
    %select_n3A = arith.select %eq3A_49, %get3A_52, %broadcast_in_dim3A : vector<512x9xi1>, vector<512x9xf32>
    %reduce_sum3A = arith.constant dense<0.000000e+00> : vector<512xf32>
    %reduce_sum3A_53 = vector.multi_reduction <add>, %select_n3A, %reduce_sum3A [1] : vector<512x9xf32> to vector<512xf32>
    %broadcast_in_dim3A_54 = vector.shape_cast %reduce_sum3A_53 : vector<512xf32> to vector<512x1xf32>
    %mul3A_55 = vector.broadcast %broadcast_in_dim3A_54 : vector<512x1xf32> to vector<512x2048xf32>
    %mul3A_56 = arith.mulf %add3A_48, %mul3A_55 : vector<512x2048xf32>
    %eq3A_57 = arith.constant 0 : i32
    %eq3A_58 = arith.cmpi eq, %arg1, %eq3A_57 : i32
    %convert_element_type3A_59 = arith.extui %eq3A_58 : i1 to i32
    %cond3A = arith.constant 0 : i32
    %cond3A_60 = arith.cmpi ne, %convert_element_type3A_59, %cond3A : i32
    scf.if %cond3A_60 {
      %swap3A = arith.constant 0 : index
      %swap3A_65 = arith.constant 0 : index
      %swap3A_66 = vector.load %arg10[%swap3A, %swap3A_65] : memref<512x2048xf32, #tpu.memory_space<vmem>>, vector<512x2048xf32>
      tpu.vector_store %arg10[%swap3A, %swap3A_65], %mul3A_56 {strides = array<i32>} : memref<512x2048xf32, #tpu.memory_space<vmem>>, vector<512x2048xf32>,
    } else {
    }
    %gt3A = arith.constant 0 : i32
    %gt3A_61 = arith.cmpi sgt, %arg1, %gt3A : i32
    %convert_element_type3A_62 = arith.extui %gt3A_61 : i1 to i32
    %cond3A_63 = arith.constant 0 : i32
    %cond3A_64 = arith.cmpi ne, %convert_element_type3A_62, %cond3A_63 : i32
    scf.if %cond3A_64 {
      %get3A_65 = arith.constant 0 : index
      %get3A_66 = arith.constant 0 : index
      %get3A_67 = vector.load %arg10[%get3A_65, %get3A_66] : memref<512x2048xf32, #tpu.memory_space<vmem>>, vector<512x2048xf32>
      %add3A_68 = arith.addf %get3A_67, %mul3A_56 : vector<512x2048xf32>
      %swap3A = arith.constant 0 : index
      %swap3A_69 = arith.constant 0 : index
      %swap3A_70 = vector.load %arg10[%swap3A, %swap3A_69] : memref<512x2048xf32, #tpu.memory_space<vmem>>, vector<512x2048xf32>
      tpu.vector_store %arg10[%swap3A, %swap3A_69], %add3A_68 {strides = array<i32>} : memref<512x2048xf32, #tpu.memory_space<vmem>>, vector<512x2048xf32>,
    } else {
    }
    return
  }
  func.func @transform_0(%arg0: i32, %arg1: i32) -> (i32, i32) {
    %c0_i32 = arith.constant 0 : i32
    %c0_i32_0 = arith.constant 0 : i32
    return %arg0, %c0_i32 : i32, i32
  }
  func.func @transform_1(%arg0: i32, %arg1: i32) -> (i32, i32, i32) {
    %c0_i32 = arith.constant 0 : i32
    %c0_i32_0 = arith.constant 0 : i32
    %c0_i32_1 = arith.constant 0 : i32
    return %arg1, %c0_i32, %c0_i32_0 : i32, i32, i32
  }
  func.func @transform_2(%arg0: i32, %arg1: i32) -> (i32, i32, i32) {
    %c0_i32 = arith.constant 0 : i32
    %c0_i32_0 = arith.constant 0 : i32
    %c0_i32_1 = arith.constant 0 : i32
    return %arg1, %c0_i32, %c0_i32_0 : i32, i32, i32
  }
  func.func @transform_3(%arg0: i32, %arg1: i32) -> (i32, i32, i32) {
    %c0_i32 = arith.constant 0 : i32
    %c0_i32_0 = arith.constant 0 : i32
    %c0_i32_1 = arith.constant 0 : i32
    return %arg1, %c0_i32, %c0_i32_0 : i32, i32, i32
  }
  func.func @transform_4(%arg0: i32, %arg1: i32) -> (i32, i32, i32) {
    %c0_i32 = arith.constant 0 : i32
    %c0_i32_0 = arith.constant 0 : i32
    %c0_i32_1 = arith.constant 0 : i32
    return %arg1, %c0_i32, %c0_i32_0 : i32, i32, i32
  }
  func.func @transform_5(%arg0: i32, %arg1: i32) -> (i32, i32, i32) {
    %c0_i32 = arith.constant 0 : i32
    %c0_i32_0 = arith.constant 0 : i32
    %c0_i32_1 = arith.constant 0 : i32
    return %arg1, %c0_i32, %c0_i32_0 : i32, i32, i32
  }
  func.func @transform_6(%arg0: i32, %arg1: i32) -> (i32, i32, i32) {
    %c0_i32 = arith.constant 0 : i32
    %c0_i32_0 = arith.constant 0 : i32
    %c0_i32_1 = arith.constant 0 : i32
    return %arg1, %c0_i32, %c0_i32_0 : i32, i32, i32
  }
  func.func @transform_7(%arg0: i32, %arg1: i32) -> (i32, i32) {
    %c0_i32 = arith.constant 0 : i32
    %c0_i32_0 = arith.constant 0 : i32
    return %arg0, %c0_i32 : i32, i32
  }
  func.func @transform_8(%arg0: i32, %arg1: i32) -> (i32, i32) {
    %c0_i32 = arith.constant 0 : i32
    %c0_i32_0 = arith.constant 0 : i32
    return %arg0, %c0_i32 : i32, i32
  }
}

</mosaic_0001>

<sc_bundles>
// kernel: kernel.5.cloned.1.call-start
scs
__scs_entry_jumppad:
0x0: {  	(pc) =	sbr.rel $0x88, $3  }
0x1: {  	(tag) =	ssettag $0x0;
	lr =	simm.s32 $0x1  }
0x2: {  	[smem:$0x3F92] =	sst lr;
	_ =	strace $0xD0000000  }
0x3: {  	_ = 	snop  }
0x4: {  	_ = 	snop  }
0x5: {  	_ = 	snop  }
0x6: {  	_ = 	snop  }
0x7: {  	_ = 	snop  }
__scs_overlays_trampoline_lowered:
0x8: {  	[smem:$0x3FA1] =	sst s0  }
0x9: {  	[smem:$0x3FA2] =	sst s1  }
0xa: {  	[smem:$0x3FA3] =	sst s2  }
0xb: {  	[smem:$0x3FA4] =	sst s3  }
0xc: {  	[smem:$0x3FA5] =	sst s4  }
0xd: {  	[smem:$0x3FA6] =	sst s5  }
0xe: {  	[smem:$0x3FA7] =	sst s6  }
0xf: {  	[smem:$0x3FA8] =	sst s7  }
0x10: {  	[smem:$0x3FA9] =	sst s8  }
0x11: {  	[smem:$0x3FAA] =	sst s9;
	s0 =	simm.s32 @!p0 $0x0  }
0x12: {  	s1 =	sld [smem:$0x3F90];
	s0 =	simm.s32 @p0 $0x1  }
0x13: {  	[smem:$0x3FAB] =	sst s0;
	s0 =	simm.s32 @!p1 $0x0  }
0x14: {  	s2 =	sld [smem:$0x3F8F];
	s0 =	simm.s32 @p1 $0x1  }
0x15: {  	[smem:$0x3FAC] =	sst s0;
	s0 =	simm.s32 @!p2 $0x0  }
0x16: {  	s3 =	sld [smem:$0x3FDB];
	s0 =	simm.s32 @p2 $0x1  }
0x17: {  	s4 =	simm.s32 $0x1BF5;
	[smem:$0x3FAE] =	sst s0  }
0x18: {  	s0 =	sld [smem:$0x3F91];
	_ =	swait.ge [sflag:s4], $0x0  }
0x19: {  	s7 =	sld [smem:$0x3F92]  }
0x1a: {  	s8 =	sadd.s32 $0xFFFFE003, lr  }
0x1b: {  	s9 =	sadd.s32 $0xFFFFFEF7, lr;
	s5 =	simm.s32 $0xFFFFFFFF;
	p2 =	slt.u32 s8, $0xFFFFF086  }
0x1c: {  	p1 =	slt.u32 s9, $0xF7A;
	s5 =	simm.s32 @!p2 $0x0  }
0x1d: {  	s5 =	simm.s32 @p1 $0x1;
	p0 =	seq.s32 s7, s2  }
0x1e: {  	s7 =	smul.u32 @!p0 $0xF7A, s2;
	p2 =	seq.s32 @!p0 s5, $0x0  }
0x1f: {  	s9 =	smul.u32 $0xF7A, s1;
	s8 =	simm.s32 @!p0 $0x1BF5;
	p2 =	por !p2, p0  }
0x20: {  	[sflag:s8] =	ssyncset.s32 @!p0 $0xFFFFF086;
	s6 =	sadd.s32 @!p0 s3, s7;
	s7 =	simm.s32 @!p0 $0x108  }
0x21: {  	s3 =	sadd.s32 s3, s9;
	s6 =	sadd.s32 @!p0 $0x88, s6;
	s7 =	simm.s32 @p2 $0x1082  }
0x22: {  	[simem:s7], [sflag:s8] =	dma.local @!p0 [hbm:s6], $0xF7A  }
0x23: {  	s9 =	sor.u32 $0xD0000000, s2;
	s6 =	simm.s32 $0x108;
	_ =	swait.ge @!p0 [sflag:s8], $0x0  }
0x24: {  	s3 =	sadd.s32 $0x88, s3;
	s6 =	simm.s32 @!p1 $0x1082;
	[sflag:s4] =	ssyncset.s32 $0xFFFFF086  }
0x25: {  	[simem:s6], [sflag:s4] =	dma.local [hbm:s3], $0xF7A  }
0x26: {  	[smem:$0x3F92] =	sst s1;
	(tag) =	ssettag s2;
	_ =	strace s9  }
0x27: {  	s1 =	sld [smem:$0x3FA2]  }
0x28: {  	s2 =	sld [smem:$0x3FA3]  }
0x29: {  	s4 =	sld [smem:$0x3FA5]  }
0x2a: {  	p0 =	seq.s32 s5, $0x0;
	s5 =	sld [smem:$0x3FA6]  }
0x2b: {  	s6 =	sld [smem:$0x3FA7]  }
0x2c: {  	s7 =	sld [smem:$0x3FA8]  }
0x2d: {  	s3 =	simm.s32 $0x108;
	s8 =	sld [smem:$0x3FA9]  }
0x2e: {  	s3 =	simm.s32 @!p0 $0x1082;
	s9 =	sld [smem:$0x3FAA]  }
0x2f: {  	lr =	sadd.s32 s0, s3;
	s0 =	sld [smem:$0x3FA1]  }
0x30: {  	s3 =	sld [smem:$0x3FA4]  }
0x31: {  	[smem:$0x3FAD] =	sst s10  }
0x32: {  	s10 =	sld [smem:$0x3FAB];
	_ =	sdelay $0x3  }
0x33: {  	p0 =	seq.s32 s10, $0x1;
	s10 =	sld [smem:$0x3FAD];
	_ =	sdelay $0x3  }
0x34: {  	[smem:$0x3FAD] =	sst s10  }
0x35: {  	s10 =	sld [smem:$0x3FAC];
	_ =	sdelay $0x3  }
0x36: {  	p1 =	seq.s32 s10, $0x1;
	s10 =	sld [smem:$0x3FAD];
	_ =	sdelay $0x3  }
0x37: {  	[smem:$0x3FAD] =	sst s10  }
0x38: {  	s10 =	sld [smem:$0x3FAE]  }
0x39: {  	_ = 	snop;
	(pc) =	sbr.ind lr, $3  }
0x3a: {  	_ = 	snop  }
0x3b: {  	_ = 	snop  }
0x3c: {  	p2 =	seq.s32 s10, $0x1;
	s10 =	sld [smem:$0x3FAD]  }
0x3d: {  	_ =	shalt  }
0x3e: {  	_ =	shalt  }
0x3f: {  	_ =	shalt  }
0x40: {  	_ =	shalt  }
0x41: {  	_ =	shalt  }
0x42: {  	_ =	shalt  }
0x43: {  	_ =	shalt  }
0x44: {  	_ =	shalt  }
0x45: {  	_ =	shalt  }
0x46: {  	_ =	shalt  }
0x47: {  	_ =	shalt  }
0x48: {  	_ =	shalt  }
0x49: {  	_ =	shalt  }
0x4a: {  	_ =	shalt  }
0x4b: {  	_ =	shalt  }
0x4c: {  	_ =	shalt  }
0x4d: {  	_ =	shalt  }
0x4e: {  	_ =	shalt  }
0x4f: {  	_ =	shalt  }
0x50: {  	_ =	shalt  }
0x51: {  	_ =	shalt  }
0x52: {  	_ =	shalt  }
0x53: {  	_ =	shalt  }
0x54: {  	_ =	shalt  }
0x55: {  	_ =	shalt  }
0x56: {  	_ =	shalt  }
0x57: {  	_ =	shalt  }
0x58: {  	_ =	shalt  }
0x59: {  	_ =	shalt  }
0x5a: {  	_ =	shalt  }
0x5b: {  	_ =	shalt  }
0x5c: {  	_ =	shalt  }
0x5d: {  	_ =	shalt  }
0x5e: {  	_ =	shalt  }
0x5f: {  	_ =	shalt  }
0x60: {  	_ =	shalt  }
0x61: {  	_ =	shalt  }
0x62: {  	_ =	shalt  }
0x63: {  	_ =	shalt  }
0x64: {  	_ =	shalt  }
0x65: {  	_ =	shalt  }
0x66: {  	_ =	shalt  }
0x67: {  	_ =	shalt  }
0x68: {  	_ =	shalt  }
0x69: {  	_ =	shalt  }
0x6a: {  	_ =	shalt  }
0x6b: {  	_ =	shalt  }
0x6c: {  	_ =	shalt  }
0x6d: {  	_ =	shalt  }
0x6e: {  	_ =	shalt  }
0x6f: {  	_ =	shalt  }
0x70: {  	_ =	shalt  }
0x71: {  	_ =	shalt  }
0x72: {  	_ =	shalt  }
0x73: {  	_ =	shalt  }
0x74: {  	_ =	shalt  }
0x75: {  	_ =	shalt  }
0x76: {  	_ =	shalt  }
0x77: {  	_ =	shalt  }
0x78: {  	_ =	shalt  }
0x79: {  	_ =	shalt  }
0x7a: {  	_ =	shalt  }
0x7b: {  	_ =	shalt  }
0x7c: {  	_ =	shalt  }
0x7d: {  	_ =	shalt  }
0x7e: {  	_ =	shalt  }
0x7f: {  	_ =	shalt  }
0x80: {  	_ =	shalt  }
0x81: {  	_ =	shalt  }
0x82: {  	_ =	shalt  }
0x83: {  	_ =	shalt  }
0x84: {  	_ =	shalt  }
0x85: {  	_ =	shalt  }
0x86: {  	_ =	shalt  }
0x87: {  	_ =	shalt  }
.Lfunc_end0:
.L_simem_size_0:
called_computation_lowered:
.L_overlay_start_0:
0x88: {  	s2 =	sld [smem:$0x3FD9]  }
0x89: {  	s3 =	sld [smem:$0x3FFE];
	_ =	sdelay $0x1  }
0x8a: {  	s1 =	srdreg.scid  }
0x8b: {  	s0 =	sand.u32 $0x1, s1  }
0x8c: {  	s16 =	sshll.u32 s0, $0xA;
	s2 =	sadd.s32 s3, s2  }
0x8d: {  	s2 =	sadd.s32 s2, s16  }
0x8e: {  	[smem:$0x3FB9] =	sst s2  }
0x8f: {  	_ = 	snop  }
0x90: {  	(tm) =	ssettm $0x1  }
0x91: {  	s17 =	sld [smem:$0x3FFB];
	_ =	sdelay $0x3  }
0x92: {  	_ =	strace s17  }
0x93: {  	s2 =	sld [smem:$0x3FFC];
	_ =	sdelay $0x3  }
0x94: {  	_ =	strace s2  }
0x95: {  	s2 =	sld [smem:$0x3FFD];
	_ =	sdelay $0x3  }
0x96: {  	_ =	strace s2  }
0x97: {  	_ =	strace $0x8FFFFFFF  }
0x98: {  	s18 =	sld [smem:$0x3FDB];
	_ =	sdelay $0x1  }
0x99: {  	s19 =	simm.s32 $_scs_section_size  }
0x9a: {  	s4 =	simm.s32 $_size__tile_overlayer_lowered;
	s5 =	simm.s32 $_tile_overlayer_lowered  }
0x9b: {  	s22 =	simm.s32 $0x1BFF;
	s21 =	sshll.u32 s5, $0x1;
	s2 =	sadd.s32 s19, s18  }
0x9c: {  	s6 =	simm.s32 $0x0;
	s20 =	sshll.u32 s4, $0x1;
	s4 =	sadd.s32 s21, s2  }
0x9d: {  	[timem:s6], [sflag:s22] =	dma.local [hbm:s4], s20  }
0x9e: {  	_ =	swait.ge [sflag:s22], s20  }
0x9f: {  	s3 =	ssub.s32 $0x0, s20;
	[sflag:s22] =	ssyncset.done $0x0  }
0xa0: {  	[sflag:s22] =	ssyncadd.s32 s3;
	_ =	sdelay $0x1  }
0xa1: {  	s23 =	simm.s32 $0x1B8B  }
0xa2: {  	_ =	swait.ge [sflag:s23], $0x1  }
0xa3: {  	[sflag:s23] =	ssyncset.done $0x0  }
0xa4: {  	s25 =	simm.s32 $0x1B8E;
	s24 =	sld [smem:$0x3FFE];
	[sflag:s23] =	ssyncadd.s32 $0xFFFFFFFF  }
0xa5: {  	s26 =	simm.s32 $execute0_lowered;
	[smem:$0x3FD2] =	sst s25  }
0xa6: {  	s4 =	sshll.u32 s26, $0x1;
	_ =	strace $0x80000046;
	[dreg:$0x1] =	wrdreg $0xFFFFFFFF  }
0xa7: {  	s28 =	simm.s32 $_size_execute0_lowered;
	s2 =	sadd.s32 s2, s4;
	[dreg:$0x0] =	wrdreg $0x0  }
0xa8: {  	s4 =	sshll.u32 s28, $0x1;
	[dreg:$0x2] =	wrdreg s2  }
0xa9: {  	[dreg:$0x3] =	wrdreg s4  }
0xaa: {  	[dreg:$0x4] =	wrdreg $0xC0  }
0xab: {  	_ =	task [dreg:s6], $0x5FFFF  }
0xac: {  	[dreg:$0x1] =	wrdreg $0xFFFFFFFF  }
0xad: {  	[dreg:$0x0] =	wrdreg $0x60  }
0xae: {  	[dreg:$0x2] =	wrdreg s24  }
0xaf: {  	[dreg:$0x3] =	wrdreg $0x9  }
0xb0: {  	_ =	task.clear_ibuf [dreg:s6], $0x4FFFF;
	_ =	strace $0x90000046  }
0xb1: {  	s29 =	simm.s32 $0x9;
	_ =	strace $0x80000048  }
0xb2: {  	_ =	swait.ge [sflag:s29], $0x1  }
0xb3: {  	[sflag:s29] =	ssyncadd.s32 $0xFFFFFFFF  }
0xb4: {  	_ =	strace $0x90000048  }
0xb5: {  	_ =	sfence  }
0xb6: {  	s30 =	sld [smem:$0x0];
	_ =	sdelay $0x2  }
0xb7: {  	s31 =	sshll.u32 s1, $0xD;
	s1 =	sshrl.u32 s1, $0x2  }
0xb8: {  	s3 =	sand.u32 $0x4000, s31;
	s1 =	sadd.s32 s1, s30  }
0xb9: {  	s0 =	sor.u32 s3, s0;
	s1 =	sshll.u32 s1, $0x11  }
0xba: {  	s0 =	sor.u32 s1, s0  }
0xbb: {  	s0 =	sadd.s32 $0x8F2B, s0  }
0xbc: {  	[sflag:s0] =	ssyncadd.remote.s32 $0x1  }
0xbd: {  	_ =	sfence.sel $0xFFFF  }
0xbe: {  	[dreg:$0x0] =	wrdreg $0xFFFFFFFF;
	(pc) =	sbr.abs _section_cstart, $3  }
0xbf: {  	[dreg:$0x1] =	wrdreg $0xFFFFFFFF  }
0xc0: {  	_ =	task.clear_ibuf [dreg:s6], $0x2FFFF;
	_ =	strace $0x9FFFFFFF  }
0xc1: {  	(tm) =	ssettm $0x7FFFFFFF  }
tec
execute0_lowered:
.L_overlay_start_1:
0x0: {  	(tag) =	ssettag $0x1  }
0x1: {  	s1 =	stileid.u32  }
0x2: {  	p0 =	sgt.u32 s1, $0x7  }
.Ltmp0:
0x3: {  	_ = 	snop;
	(pc) =	sbr.rel @p0 .LBB2_3-.Ltmp0, $4  }
0x4: {  	_ = 	snop  }
0x5: {  	s3 =	rddreg [dreg:$0x0];
	s2 =	simm.s32 $0x0  }
0x6: {  	[smem:$0x7FF] =	sst s2  }
0x7: {  	s0 =	rddreg [dreg:$0x1];
	_ =	strace $0x80000047  }
0x8: {  	v0 =	vlaneseq.u32  }
0x9: {  	v0 =	vmul.u32 $0x9, v0;
	_ =	sdelay $0x1  }
0xa: {  	v1 =	vadd.s32 $0x1, v0  }
0xb: {  	v22 =	vadd.s32 $0x124, v0;
	[tilespmem:$0x1FEB0] =	vst v1;
	v1 =	vadd.s32 $0x2, v0  }
0xc: {  	v23 =	vadd.s32 $0x125, v0;
	v24 =	vadd.s32 $0x126, v0;
	[tilespmem:$0x1FEC0] =	vst v1;
	v1 =	vadd.s32 $0x3, v0  }
0xd: {  	v25 =	vadd.s32 $0x127, v0;
	v26 =	vadd.s32 $0x128, v0;
	[tilespmem:$0x1FED0] =	vst v1;
	v1 =	vadd.s32 $0x4, v0  }
0xe: {  	v27 =	vadd.s32 $0x1B0, v0;
	v28 =	vadd.s32 $0x1B1, v0;
	[tilespmem:$0x1FEE0] =	vst v1;
	v1 =	vadd.s32 $0x5, v0  }
0xf: {  	v29 =	vadd.s32 $0x1B2, v0;
	v30 =	vadd.s32 $0x1B3, v0;
	[tilespmem:$0x1FEF0] =	vst v1;
	v1 =	vadd.s32 $0x6, v0  }
0x10: {  	v31 =	vadd.s32 $0x1B4, v0;
	v32 =	vadd.s32 $0x1B5, v0;
	[tilespmem:$0x1FF00] =	vst v1;
	v1 =	vadd.s32 $0x7, v0  }
0x11: {  	v33 =	vadd.s32 $0x1B6, v0;
	v34 =	vadd.s32 $0x1B7, v0;
	[tilespmem:$0x1FF10] =	vst v1;
	v1 =	vadd.s32 $0x8, v0  }
0x12: {  	v35 =	vadd.s32 $0x1B8, v0;
	v36 =	vadd.s32 $0x240, v0;
	[tilespmem:$0x1FF20] =	vst v1;
	v1 =	vadd.s32 $0x90, v0  }
0x13: {  	v37 =	vadd.s32 $0x241, v0;
	v38 =	vadd.s32 $0x242, v0;
	[tilespmem:$0x1FF30] =	vst v1;
	v1 =	vadd.s32 $0x91, v0  }
0x14: {  	v39 =	vadd.s32 $0x243, v0;
	v40 =	vadd.s32 $0x244, v0;
	[tilespmem:$0x1FF40] =	vst v1;
	v1 =	vadd.s32 $0x92, v0  }
0x15: {  	v41 =	vadd.s32 $0x245, v0;
	v42 =	vadd.s32 $0x246, v0;
	[tilespmem:$0x1FF50] =	vst v1;
	v1 =	vadd.s32 $0x93, v0  }
0x16: {  	v43 =	vadd.s32 $0x247, v0;
	v44 =	vadd.s32 $0x248, v0;
	[tilespmem:$0x1FF60] =	vst v1;
	v1 =	vadd.s32 $0x94, v0  }
0x17: {  	v45 =	vadd.s32 $0x2D0, v0;
	v46 =	vadd.s32 $0x2D1, v0;
	[tilespmem:$0x1FF70] =	vst v1;
	v1 =	vadd.s32 $0x95, v0  }
0x18: {  	v47 =	vadd.s32 $0x2D2, v0;
	v48 =	vadd.s32 $0x2D3, v0;
	[tilespmem:$0x1FF80] =	vst v1;
	v1 =	vadd.s32 $0x96, v0  }
0x19: {  	s4 =	srdreg.scid;
	v49 =	vadd.s32 $0x2D4, v0;
	v50 =	vadd.s32 $0x2D5, v0;
	[tilespmem:$0x1FF90] =	vst v1;
	v1 =	vadd.s32 $0x97, v0  }
0x1a: {  	s5 =	sshll.u32 s1, $0x1;
	s4 =	sand.u32 $0x1, s4;
	v51 =	vadd.s32 $0x2D6, v0;
	v52 =	vadd.s32 $0x2D7, v0;
	[tilespmem:$0x1FFA0] =	vst v1;
	v1 =	vadd.s32 $0x98, v0  }
0x1b: {  	s5 =	sor.u32 s4, s5;
	s4 =	ssub.s32 $0x2, s4;
	v53 =	vadd.s32 $0x2D8, v0;
	v54 =	vadd.s32 $0x360, v0;
	[tilespmem:$0x1FFB0] =	vst v1;
	v1 =	vadd.s32 $0x120, v0  }
0x1c: {  	s5 =	smul.u32 $0x90, s5;
	s7 =	sshrl.u32 s4, $0x1;
	v55 =	vadd.s32 $0x361, v0;
	v56 =	vadd.s32 $0x362, v0;
	[tilespmem:$0x1FFC0] =	vst v1;
	v1 =	vadd.s32 $0x121, v0  }
0x1d: {  	s6 =	sadd.s32 $0x1C00, s3;
	v57 =	vadd.s32 $0x363, v0;
	v58 =	vadd.s32 $0x364, v0;
	s7 =	ssub.s32 s4, s7;
	[tilespmem:$0x1FFD0] =	vst v1;
	v1 =	vadd.s32 $0x122, v0  }
0x1e: {  	v59 =	vadd.s32 $0x365, v0;
	v60 =	vadd.s32 $0x366, v0;
	s31 =	sadd.s32 s5, s3;
	s4 =	sadd.s32 s6, s5;
	s5 =	smax.u32 s7, $0x1;
	[tilespmem:$0x1FFE0] =	vst v1;
	v1 =	vadd.s32 $0x123, v0  }
0x1f: {  	v61 =	vadd.s32 $0x367, v0;
	v62 =	vadd.s32 $0x368, v0;
	v63 =	vadd.s32 $0x3F0, v0;
	s6 =	simm.s32 $0x1;
	s7 =	simm.s32 $0x480;
	s3 =	sadd.s32 $0x2600, s31;
	[tilespmem:$0x1FFF0] =	vst v1  }
.LBB2_2:
0x20: {  	[tilespmem:s2], [sflag:$0x1] =	stream.linear.gather [hbm4b:s4+s2], $0x480, $0x38;
	[tilespmem:$0x900] =	vst v63  }
0x21: {  	_ =	swait.ge [sflag:s6], $0x480  }
0x22: {  	v13 =	vld [tilespmem:$0x1FEB0]  }
0x23: {  	v14 =	vld [tilespmem:$0x1FEC0]  }
0x24: {  	v15 =	vld [tilespmem:$0x1FED0]  }
0x25: {  	v16 =	vld [tilespmem:$0x1FEE0]  }
0x26: {  	v17 =	vld [tilespmem:$0x1FEF0]  }
0x27: {  	[sflag:s6] =	ssyncset.done $0x0;
	v18 =	vld [tilespmem:$0x1FF00]  }
0x28: {  	v19 =	vld [tilespmem:$0x1FF10];
	[sflag:s6] =	ssyncadd.s32 $0xFFFFFB80  }
0x29: {  	v1 =	vld.idx.msk [tilespmem:v0+s2+$0x0], $0xffff  }
0x2a: {  	v2 =	vld.idx.msk [tilespmem:v13+s2+$0x0], $0xffff  }
0x2b: {  	v3 =	vld.idx.msk [tilespmem:v14+s2+$0x0], $0xffff  }
0x2c: {  	v4 =	vld.idx.msk [tilespmem:v15+s2+$0x0], $0xffff  }
0x2d: {  	v5 =	vld.idx.msk [tilespmem:v16+s2+$0x0], $0xffff  }
0x2e: {  	v6 =	vld.idx.msk [tilespmem:v17+s2+$0x0], $0xffff  }
0x2f: {  	v7 =	vld.idx.msk [tilespmem:v18+s2+$0x0], $0xffff;
	v8 =	vmax.f32 v1, v2  }
0x30: {  	v9 =	vld.idx.msk [tilespmem:v19+s2+$0x0], $0xffff;
	v8 =	vmax.f32 v8, v3  }
0x31: {  	v8 =	vmax.f32 v8, v4  }
0x32: {  	v8 =	vmax.f32 v8, v5  }
0x33: {  	v8 =	vmax.f32 v8, v6  }
0x34: {  	v8 =	vmax.f32 v8, v7  }
0x35: {  	v8 =	vmax.f32 v8, v9  }
0x36: {  	v1 =	vsub.f32 v1, v8  }
0x37: {  	v2 =	vsub.f32 v2, v8  }
0x38: {  	v1 =	vmul.f32 $1.442695020e+00, v1  }
0x39: {  	v3 =	vsub.f32 v3, v8;
	v2 =	vmul.f32 $1.442695020e+00, v2  }
0x3a: {  	(erf) = vpow2.f32 v1  }
0x3b: {  	v1 =	vmul.f32 $1.442695020e+00, v3;
	(erf) = vpow2.f32 v2;
	v2 =	vsub.f32 v4, v8;
	_ =	sdelay $0x1  }
0x3c: {  	(erf) = vpow2.f32 v1;
	v1 =	vmul.f32 $1.442695020e+00, v2;
	v2 =	vsub.f32 v5, v8;
	_ =	sdelay $0x1  }
0x3d: {  	(erf) = vpow2.f32 v1;
	v1 =	vmul.f32 $1.442695020e+00, v2;
	v2 =	vsub.f32 v6, v8;
	_ =	sdelay $0x1  }
0x3e: {  	(erf) = vpow2.f32 v1;
	v1 =	vmul.f32 $1.442695020e+00, v2;
	v2 =	vsub.f32 v7, v8;
	_ =	sdelay $0x1  }
0x3f: {  	v3 =	vpop (erf);
	(erf) = vpow2.f32 v1;
	v1 =	vmul.f32 $1.442695020e+00, v2;
	v2 =	vsub.f32 v9, v8  }
0x40: {  	v4 =	vpop (erf)  }
0x41: {  	(erf) = vpow2.f32 v1;
	v1 =	vmul.f32 $1.442695020e+00, v2;
	v2 =	vadd.f32 v4, v3;
	_ =	sdelay $0x1  }
0x42: {  	v5 =	vpop (erf)  }
0x43: {  	(erf) = vpow2.f32 v1;
	v1 =	vadd.f32 v2, v5  }
0x44: {  	v2 =	vpop (erf)  }
0x45: {  	v1 =	vadd.f32 v1, v2  }
0x46: {  	v6 =	vpop (erf)  }
0x47: {  	v1 =	vadd.f32 v1, v6  }
0x48: {  	v7 =	vpop (erf)  }
0x49: {  	v1 =	vadd.f32 v1, v7  }
0x4a: {  	v8 =	vpop (erf)  }
0x4b: {  	v1 =	vadd.f32 v1, v8  }
0x4c: {  	v12 =	vpop (erf)  }
0x4d: {  	v1 =	vadd.f32 v1, v12;
	_ =	sdelay $0x1  }
0x4e: {  	(erf) = vrcp.f32 v1;
	_ =	sdelay $0x8  }
0x4f: {  	v1 =	vpop (erf)  }
0x50: {  	v3 =	vmul.f32 v1, v3;
	v4 =	vmul.f32 v1, v4  }
0x51: {  	v5 =	vmul.f32 v1, v5  }
0x52: {  	v2 =	vmul.f32 v1, v2;
	v10 =	vmax.f32 v3, v4  }
0x53: {  	v6 =	vmul.f32 v1, v6;
	v10 =	vmax.f32 v10, v5  }
0x54: {  	v7 =	vmul.f32 v1, v7;
	v10 =	vmax.f32 v10, v2  }
0x55: {  	v8 =	vmul.f32 v1, v8;
	v10 =	vmax.f32 v10, v6  }
0x56: {  	v1 =	vmul.f32 v1, v12;
	v12 =	vmax.f32 v10, v7  }
0x57: {  	v9 =	vmax.f32 v12, v8  }
0x58: {  	v9 =	vmax.f32 v9, v1  }
0x59: {  	v12 =	vimm.s32 $0x0;
	vm2 =	veq.f32 v3, v9  }
0x5a: {  	vm0 =	vne.f32 v3, v9;
	vm1 =	veq.f32 v4, v9;
	vm3 =	veq.f32 v5, v9  }
0x5b: {  	v20 =	vld [tilespmem:$0x1FF20];
	vm6 =	veq.f32 v2, v9;
	vm8 =	veq.f32 v6, v9;
	vm13 =	veq.f32 v7, v9  }
0x5c: {  	vm14 =	veq.f32 v8, v9;
	vm15 =	vne.f32 v1, v9;
	vm0 =	vmand vm1, vm0  }
0x5d: {  	vm1 =	vmor vm2, vm1;
	v3 =	vsel vm2, $0xBF800000, v3;
	v10 =	vsel vm0, $0xFFFFFFFF, v12  }
0x5e: {  	vm4 =	vmneg vm1;
	vm1 =	vmor vm3, vm1;
	v4 =	vsel vm0, $0xBF800000, v4  }
0x5f: {  	vm7 =	vmneg vm1;
	vm1 =	vmor vm6, vm1;
	vm5 =	vmand vm3, vm4  }
0x60: {  	v12 =	vmax.f32 v3, v4;
	vm3 =	vmand vm6, vm7;
	vm12 =	vmor vm8, vm1  }
0x61: {  	vm1 =	vmneg vm1;
	v5 =	vsel vm5, $0xBF800000, v5;
	vm9 =	vmneg vm12  }
0x62: {  	vm4 =	vmand vm8, vm1;
	vm7 =	vmor vm13, vm12;
	v2 =	vsel vm3, $0xBF800000, v2  }
0x63: {  	v11 =	vld.idx.msk [tilespmem:v20+s2+$0x0], $0xffff;
	[tilespmem:$0x1FE30] =	vst v10;
	v10 =	vmax.f32 v12, v5;
	vm8 =	vmor vm14, vm15;
	vm1 =	vmand vm13, vm9  }
0x64: {  	vm6 =	vmneg vm7;
	v6 =	vsel vm4, $0xBF800000, v6;
	v10 =	vmax.f32 v10, v2  }
0x65: {  	vm6 =	vmand vm14, vm6;
	v7 =	vsel vm1, $0xBF800000, v7;
	v10 =	vmax.f32 v10, v6  }
0x66: {  	vm7 =	vmor vm8, vm7;
	v8 =	vsel vm6, $0xBF800000, v8;
	v10 =	vmax.f32 v10, v7  }
0x67: {  	v1 =	vnsel vm7, $0xBF800000, v1;
	v10 =	vmax.f32 v10, v8  }
0x68: {  	v11 =	vsub.f32 $0.0e+00, v11;
	v10 =	vmax.f32 v10, v1  }
0x69: {  	v12 =	vadd.f32 v10, v9  }
0x6a: {  	v11 =	vmul.f32 $1.442695020e+00, v11  }
0x6b: {  	(erf) = vrcp.f32 v12  }
0x6c: {  	(erf) = vpow2.f32 v11;
	_ =	sdelay $0x6  }
0x6d: {  	vm8 =	veq.f32 v3, v10;
	vm0 =	veq.f32 v4, v10;
	vm10 =	vne.f32 v3, v10  }
0x6e: {  	vm11 =	vmor vm8, vm0;
	vm9 =	vmand vm0, vm10;
	vm0 =	veq.f32 v2, v10;
	v2 =	vpop (erf)  }
0x6f: {  	v3 =	vpop (erf);
	v4 =	vmul.f32 v2, v10  }
0x70: {  	v2 =	vmul.f32 v2, v9;
	v3 =	vadd.f32 $1.000000000e+00, v3  }
0x71: {  	vm12 =	veq.f32 v5, v10;
	v12 =	vnsel vm8, $0x0, v4  }
0x72: {  	vm15 =	vmneg vm11;
	(erf) = vrcp.f32 v3;
	v3 =	vsel vm2, v2, v12  }
0x73: {  	vm11 =	vmor vm12, vm11;
	vm10 =	vmand vm12, vm15;
	[tilespmem:v0+s7+$0x0] =	vst.idx.msk $0xffff, v3;
	v3 =	vld [tilespmem:$0x1FE30]  }
0x74: {  	vm13 =	vmneg vm11;
	vm11 =	vmor vm0, vm11;
	vm12 =	veq.f32 v6, v10  }
0x75: {  	vm14 =	vmneg vm11;
	vm11 =	vmor vm12, vm11  }
0x76: {  	vm15 =	veq.f32 v7, v10;
	vm13 =	vmand vm0, vm13;
	vm0 =	vmneg vm11  }
0x77: {  	vm12 =	vmand vm12, vm14;
	vm11 =	vmor vm15, vm11;
	vm0 =	vmand vm15, vm0  }
0x78: {  	vm8 =	veq.f32 v8, v10;
	v8 =	vnsel vm9, $0x0, v4;
	vm15 =	vnez.u8 v3  }
0x79: {  	vm14 =	vmneg vm11;
	v9 =	vnsel vm10, $0x0, v4;
	v3 =	vsel vm15, v2, v8  }
0x7a: {  	v11 =	vnsel vm13, $0x0, v4;
	vm9 =	vne.f32 v1, v10;
	[tilespmem:v13+s7+$0x0] =	vst.idx.msk $0xffff, v3;
	v3 =	vsel vm5, v2, v9  }
0x7b: {  	vm2 =	vmand vm8, vm14;
	v1 =	vsel vm3, v2, v11;
	[tilespmem:v14+s7+$0x0] =	vst.idx.msk $0xffff, v3;
	v3 =	vnsel vm12, $0x0, v4  }
0x7c: {  	vm10 =	vmor vm8, vm9;
	v13 =	vld [tilespmem:$0x1FF30];
	[tilespmem:v15+s7+$0x0] =	vst.idx.msk $0xffff, v1;
	v1 =	vsel vm4, v2, v3;
	v3 =	vnsel vm0, $0x0, v4  }
0x7d: {  	vm12 =	vmor vm10, vm11;
	v14 =	vld [tilespmem:$0x1FF40];
	[tilespmem:v16+s7+$0x0] =	vst.idx.msk $0xffff, v1;
	v1 =	vsel vm1, v2, v3;
	v3 =	vnsel vm2, $0x0, v4  }
0x7e: {  	v15 =	vld [tilespmem:$0x1FF50];
	[tilespmem:v17+s7+$0x0] =	vst.idx.msk $0xffff, v1;
	v1 =	vsel vm6, v2, v3;
	v3 =	vsel vm12, $0x0, v4  }
0x7f: {  	v16 =	vld [tilespmem:$0x1FF60];
	[tilespmem:v18+s7+$0x0] =	vst.idx.msk $0xffff, v1;
	v1 =	vsel vm7, v3, v2  }
0x80: {  	v17 =	vld [tilespmem:$0x1FF70]  }
0x81: {  	v18 =	vld [tilespmem:$0x1FF80]  }
0x82: {  	[tilespmem:v19+s7+$0x0] =	vst.idx.msk $0xffff, v1;
	v19 =	vld [tilespmem:$0x1FF90];
	v1 =	vpop (erf)  }
0x83: {  	[tilespmem:v20+s7+$0x0] =	vst.idx.msk $0xffff, v1;
	v20 =	vld [tilespmem:$0x1FFA0]  }
0x84: {  	v1 =	vld.idx.msk [tilespmem:v13+s2+$0x0], $0xffff  }
0x85: {  	v2 =	vld.idx.msk [tilespmem:v14+s2+$0x0], $0xffff  }
0x86: {  	v3 =	vld.idx.msk [tilespmem:v15+s2+$0x0], $0xffff  }
0x87: {  	v4 =	vld.idx.msk [tilespmem:v16+s2+$0x0], $0xffff  }
0x88: {  	v5 =	vld.idx.msk [tilespmem:v17+s2+$0x0], $0xffff  }
0x89: {  	v6 =	vld.idx.msk [tilespmem:v18+s2+$0x0], $0xffff  }
0x8a: {  	v7 =	vld.idx.msk [tilespmem:v19+s2+$0x0], $0xffff;
	v8 =	vmax.f32 v1, v2  }
0x8b: {  	v8 =	vmax.f32 v8, v3;
	v12 =	vld.idx.msk [tilespmem:v20+s2+$0x0], $0xffff  }
0x8c: {  	v8 =	vmax.f32 v8, v4  }
0x8d: {  	v8 =	vmax.f32 v8, v5  }
0x8e: {  	v8 =	vmax.f32 v8, v6  }
0x8f: {  	v8 =	vmax.f32 v8, v7  }
0x90: {  	v8 =	vmax.f32 v8, v12  }
0x91: {  	v1 =	vsub.f32 v1, v8  }
0x92: {  	v2 =	vsub.f32 v2, v8  }
0x93: {  	v1 =	vmul.f32 $1.442695020e+00, v1  }
0x94: {  	v3 =	vsub.f32 v3, v8;
	v2 =	vmul.f32 $1.442695020e+00, v2  }
0x95: {  	(erf) = vpow2.f32 v1  }
0x96: {  	v1 =	vmul.f32 $1.442695020e+00, v3;
	(erf) = vpow2.f32 v2;
	v2 =	vsub.f32 v4, v8;
	_ =	sdelay $0x1  }
0x97: {  	(erf) = vpow2.f32 v1;
	v1 =	vmul.f32 $1.442695020e+00, v2;
	v2 =	vsub.f32 v5, v8;
	_ =	sdelay $0x1  }
0x98: {  	(erf) = vpow2.f32 v1;
	v1 =	vmul.f32 $1.442695020e+00, v2;
	v2 =	vsub.f32 v6, v8;
	_ =	sdelay $0x1  }
0x99: {  	(erf) = vpow2.f32 v1;
	v1 =	vmul.f32 $1.442695020e+00, v2;
	v2 =	vsub.f32 v7, v8;
	_ =	sdelay $0x1  }
0x9a: {  	v3 =	vpop (erf);
	(erf) = vpow2.f32 v1;
	v1 =	vmul.f32 $1.442695020e+00, v2;
	v2 =	vsub.f32 v12, v8  }
0x9b: {  	v4 =	vpop (erf)  }
0x9c: {  	(erf) = vpow2.f32 v1;
	v1 =	vmul.f32 $1.442695020e+00, v2;
	v2 =	vadd.f32 v4, v3;
	_ =	sdelay $0x1  }
0x9d: {  	v12 =	vpop (erf)  }
0x9e: {  	(erf) = vpow2.f32 v1;
	v1 =	vadd.f32 v2, v12  }
0x9f: {  	v2 =	vpop (erf)  }
0xa0: {  	v1 =	vadd.f32 v1, v2  }
0xa1: {  	v6 =	vpop (erf)  }
0xa2: {  	v1 =	vadd.f32 v1, v6  }
0xa3: {  	v7 =	vpop (erf)  }
0xa4: {  	v1 =	vadd.f32 v1, v7  }
0xa5: {  	v8 =	vpop (erf)  }
0xa6: {  	v1 =	vadd.f32 v1, v8  }
0xa7: {  	v9 =	vpop (erf)  }
0xa8: {  	v1 =	vadd.f32 v1, v9;
	_ =	sdelay $0x1  }
0xa9: {  	(erf) = vrcp.f32 v1;
	_ =	sdelay $0x8  }
0xaa: {  	v1 =	vpop (erf)  }
0xab: {  	v3 =	vmul.f32 v1, v3;
	v4 =	vmul.f32 v1, v4  }
0xac: {  	v5 =	vmul.f32 v1, v12  }
0xad: {  	v2 =	vmul.f32 v1, v2;
	v12 =	vmax.f32 v3, v4  }
0xae: {  	v6 =	vmul.f32 v1, v6;
	v10 =	vmax.f32 v12, v5  }
0xaf: {  	v7 =	vmul.f32 v1, v7;
	v10 =	vmax.f32 v10, v2  }
0xb0: {  	v8 =	vmul.f32 v1, v8;
	v10 =	vmax.f32 v10, v6  }
0xb1: {  	v1 =	vmul.f32 v1, v9;
	v12 =	vmax.f32 v10, v7  }
0xb2: {  	v9 =	vmax.f32 v12, v8  }
0xb3: {  	v9 =	vmax.f32 v9, v1  }
0xb4: {  	v12 =	vimm.s32 $0x0;
	vm2 =	veq.f32 v3, v9  }
0xb5: {  	vm13 =	vne.f32 v3, v9;
	vm14 =	veq.f32 v4, v9;
	vm3 =	veq.f32 v5, v9  }
0xb6: {  	v21 =	vld [tilespmem:$0x1FFB0];
	vm12 =	veq.f32 v2, v9;
	vm0 =	vmand vm14, vm13;
	vm1 =	vmor vm2, vm14  }
0xb7: {  	vm14 =	veq.f32 v6, v9;
	v3 =	vsel vm2, $0xBF800000, v3;
	v10 =	vsel vm0, $0xFFFFFFFF, v12  }
0xb8: {  	vm15 =	vmneg vm1;
	vm1 =	vmor vm3, vm1;
	v4 =	vsel vm0, $0xBF800000, v4  }
0xb9: {  	vm13 =	vmneg vm1;
	vm1 =	vmor vm12, vm1;
	vm5 =	vmand vm3, vm15  }
0xba: {  	[tilespmem:$0x1FE40] =	vst v10;
	v10 =	vmax.f32 v3, v4;
	vm3 =	vmand vm12, vm13;
	vm15 =	vmor vm14, vm1  }
0xbb: {  	vm1 =	vmneg vm1;
	vm12 =	veq.f32 v7, v9;
	v5 =	vsel vm5, $0xBF800000, v5  }
0xbc: {  	vm13 =	vmneg vm15;
	vm4 =	vmand vm14, vm1;
	vm7 =	vmor vm12, vm15  }
0xbd: {  	vm14 =	veq.f32 v8, v9;
	v2 =	vsel vm3, $0xBF800000, v2;
	v10 =	vmax.f32 v10, v5  }
0xbe: {  	v12 =	vld.idx.msk [tilespmem:v21+s2+$0x0], $0xffff;
	vm15 =	vne.f32 v1, v9;
	vm1 =	vmand vm12, vm13;
	vm6 =	vmneg vm7  }
0xbf: {  	v6 =	vsel vm4, $0xBF800000, v6;
	v10 =	vmax.f32 v10, v2;
	vm8 =	vmor vm14, vm15  }
0xc0: {  	vm6 =	vmand vm14, vm6;
	v7 =	vsel vm1, $0xBF800000, v7;
	v10 =	vmax.f32 v10, v6  }
0xc1: {  	vm7 =	vmor vm8, vm7;
	v8 =	vsel vm6, $0xBF800000, v8;
	v10 =	vmax.f32 v10, v7  }
0xc2: {  	v1 =	vnsel vm7, $0xBF800000, v1;
	v10 =	vmax.f32 v10, v8  }
0xc3: {  	v11 =	vsub.f32 $0.0e+00, v12;
	v10 =	vmax.f32 v10, v1  }
0xc4: {  	v12 =	vadd.f32 v10, v9  }
0xc5: {  	v11 =	vmul.f32 $1.442695020e+00, v11  }
0xc6: {  	(erf) = vrcp.f32 v12  }
0xc7: {  	(erf) = vpow2.f32 v11;
	_ =	sdelay $0x7  }
0xc8: {  	vm8 =	veq.f32 v3, v10;
	vm12 =	veq.f32 v2, v10;
	v2 =	vpop (erf)  }
0xc9: {  	vm9 =	veq.f32 v4, v10;
	vm10 =	vne.f32 v3, v10;
	v3 =	vpop (erf);
	v4 =	vmul.f32 v2, v10  }
0xca: {  	vm11 =	vmor vm8, vm9;
	v2 =	vmul.f32 v2, v9;
	v3 =	vadd.f32 $1.000000000e+00, v3  }
0xcb: {  	vm0 =	veq.f32 v5, v10;
	vm15 =	vmneg vm11;
	v11 =	vnsel vm8, $0x0, v4  }
0xcc: {  	vm11 =	vmor vm0, vm11;
	(erf) = vrcp.f32 v3;
	v3 =	vsel vm2, v2, v11  }
0xcd: {  	vm9 =	vmand vm9, vm10;
	vm10 =	vmand vm0, vm15;
	vm0 =	vmneg vm11;
	[tilespmem:v13+s7+$0x0] =	vst.idx.msk $0xffff, v3;
	v3 =	vld [tilespmem:$0x1FE40]  }
0xce: {  	vm11 =	vmor vm12, vm11;
	vm13 =	vmand vm12, vm0;
	vm12 =	veq.f32 v6, v10  }
0xcf: {  	vm14 =	vmneg vm11;
	vm11 =	vmor vm12, vm11  }
0xd0: {  	vm15 =	veq.f32 v7, v10;
	vm0 =	vmneg vm11  }
0xd1: {  	vm12 =	vmand vm12, vm14;
	vm11 =	vmor vm15, vm11;
	vm0 =	vmand vm15, vm0  }
0xd2: {  	vm14 =	vmneg vm11;
	v12 =	vnsel vm9, $0x0, v4;
	vm15 =	vnez.u8 v3  }
0xd3: {  	vm8 =	veq.f32 v8, v10;
	v13 =	vnsel vm10, $0x0, v4;
	v3 =	vsel vm15, v2, v12  }
0xd4: {  	vm9 =	vne.f32 v1, v10;
	[tilespmem:v14+s7+$0x0] =	vst.idx.msk $0xffff, v3;
	v3 =	vsel vm5, v2, v13;
	v14 =	vnsel vm13, $0x0, v4  }
0xd5: {  	vm2 =	vmand vm8, vm14;
	[tilespmem:v15+s7+$0x0] =	vst.idx.msk $0xffff, v3;
	v1 =	vsel vm3, v2, v14;
	v3 =	vnsel vm12, $0x0, v4  }
0xd6: {  	vm10 =	vmor vm8, vm9;
	v13 =	vld [tilespmem:$0x1FFC0];
	[tilespmem:v16+s7+$0x0] =	vst.idx.msk $0xffff, v1;
	v1 =	vsel vm4, v2, v3;
	v3 =	vnsel vm0, $0x0, v4  }
0xd7: {  	vm12 =	vmor vm10, vm11;
	v14 =	vld [tilespmem:$0x1FFD0];
	[tilespmem:v17+s7+$0x0] =	vst.idx.msk $0xffff, v1;
	v1 =	vsel vm1, v2, v3;
	v3 =	vnsel vm2, $0x0, v4  }
0xd8: {  	v15 =	vld [tilespmem:$0x1FFE0];
	[tilespmem:v18+s7+$0x0] =	vst.idx.msk $0xffff, v1;
	v1 =	vsel vm6, v2, v3;
	v3 =	vsel vm12, $0x0, v4  }
0xd9: {  	v16 =	vld [tilespmem:$0x1FFF0];
	[tilespmem:v19+s7+$0x0] =	vst.idx.msk $0xffff, v1;
	v1 =	vsel vm7, v3, v2;
	_ =	sdelay $0x2  }
0xda: {  	[tilespmem:v20+s7+$0x0] =	vst.idx.msk $0xffff, v1;
	v1 =	vpop (erf)  }
0xdb: {  	[tilespmem:v21+s7+$0x0] =	vst.idx.msk $0xffff, v1  }
0xdc: {  	v1 =	vld.idx.msk [tilespmem:v13+s2+$0x0], $0xffff  }
0xdd: {  	v2 =	vld.idx.msk [tilespmem:v14+s2+$0x0], $0xffff  }
0xde: {  	v3 =	vld.idx.msk [tilespmem:v15+s2+$0x0], $0xffff  }
0xdf: {  	v4 =	vld.idx.msk [tilespmem:v16+s2+$0x0], $0xffff  }
0xe0: {  	v5 =	vld.idx.msk [tilespmem:v22+s2+$0x0], $0xffff  }
0xe1: {  	v17 =	vld.idx.msk [tilespmem:v23+s2+$0x0], $0xffff  }
0xe2: {  	v18 =	vld.idx.msk [tilespmem:v24+s2+$0x0], $0xffff;
	v19 =	vmax.f32 v1, v2  }
0xe3: {  	v12 =	vld.idx.msk [tilespmem:v25+s2+$0x0], $0xffff;
	v8 =	vmax.f32 v19, v3  }
0xe4: {  	v8 =	vmax.f32 v8, v4  }
0xe5: {  	v8 =	vmax.f32 v8, v5  }
0xe6: {  	v8 =	vmax.f32 v8, v17  }
0xe7: {  	v8 =	vmax.f32 v8, v18  }
0xe8: {  	v8 =	vmax.f32 v8, v12  }
0xe9: {  	v1 =	vsub.f32 v1, v8  }
0xea: {  	v2 =	vsub.f32 v2, v8  }
0xeb: {  	v1 =	vmul.f32 $1.442695020e+00, v1  }
0xec: {  	v3 =	vsub.f32 v3, v8;
	v2 =	vmul.f32 $1.442695020e+00, v2  }
0xed: {  	(erf) = vpow2.f32 v1  }
0xee: {  	v1 =	vmul.f32 $1.442695020e+00, v3;
	(erf) = vpow2.f32 v2;
	v2 =	vsub.f32 v4, v8;
	_ =	sdelay $0x1  }
0xef: {  	(erf) = vpow2.f32 v1;
	v1 =	vmul.f32 $1.442695020e+00, v2;
	v2 =	vsub.f32 v5, v8;
	_ =	sdelay $0x1  }
0xf0: {  	(erf) = vpow2.f32 v1;
	v1 =	vmul.f32 $1.442695020e+00, v2;
	v2 =	vsub.f32 v17, v8;
	_ =	sdelay $0x1  }
0xf1: {  	(erf) = vpow2.f32 v1;
	v1 =	vmul.f32 $1.442695020e+00, v2;
	v2 =	vsub.f32 v18, v8;
	_ =	sdelay $0x1  }
0xf2: {  	v3 =	vpop (erf);
	(erf) = vpow2.f32 v1;
	v1 =	vmul.f32 $1.442695020e+00, v2;
	v2 =	vsub.f32 v12, v8  }
0xf3: {  	v4 =	vpop (erf)  }
0xf4: {  	(erf) = vpow2.f32 v1;
	v1 =	vmul.f32 $1.442695020e+00, v2;
	v2 =	vadd.f32 v4, v3;
	_ =	sdelay $0x1  }
0xf5: {  	v17 =	vpop (erf)  }
0xf6: {  	(erf) = vpow2.f32 v1;
	v1 =	vadd.f32 v2, v17  }
0xf7: {  	v2 =	vpop (erf)  }
0xf8: {  	v1 =	vadd.f32 v1, v2  }
0xf9: {  	v6 =	vpop (erf)  }
0xfa: {  	v1 =	vadd.f32 v1, v6  }
0xfb: {  	v18 =	vpop (erf)  }
0xfc: {  	v1 =	vadd.f32 v1, v18  }
0xfd: {  	v19 =	vpop (erf)  }
0xfe: {  	v1 =	vadd.f32 v1, v19  }
0xff: {  	v12 =	vpop (erf)  }
0x100: {  	v1 =	vadd.f32 v1, v12;
	_ =	sdelay $0x1  }
0x101: {  	(erf) = vrcp.f32 v1;
	_ =	sdelay $0x8  }
0x102: {  	v1 =	vpop (erf)  }
0x103: {  	v3 =	vmul.f32 v1, v3;
	v4 =	vmul.f32 v1, v4  }
0x104: {  	v5 =	vmul.f32 v1, v17  }
0x105: {  	v2 =	vmul.f32 v1, v2;
	v17 =	vmax.f32 v3, v4  }
0x106: {  	v6 =	vmul.f32 v1, v6;
	v10 =	vmax.f32 v17, v5  }
0x107: {  	v7 =	vmul.f32 v1, v18;
	v10 =	vmax.f32 v10, v2  }
0x108: {  	v8 =	vmul.f32 v1, v19;
	v10 =	vmax.f32 v10, v6  }
0x109: {  	v1 =	vmul.f32 v1, v12;
	v18 =	vmax.f32 v10, v7  }
0x10a: {  	v9 =	vmax.f32 v18, v8  }
0x10b: {  	v9 =	vmax.f32 v9, v1  }
0x10c: {  	v19 =	vimm.s32 $0x0;
	vm2 =	veq.f32 v3, v9  }
0x10d: {  	vm13 =	vne.f32 v3, v9;
	vm14 =	veq.f32 v4, v9;
	vm3 =	veq.f32 v5, v9  }
0x10e: {  	vm12 =	veq.f32 v2, v9;
	vm0 =	vmand vm14, vm13;
	vm1 =	vmor vm2, vm14  }
0x10f: {  	vm14 =	veq.f32 v6, v9;
	v3 =	vsel vm2, $0xBF800000, v3;
	v10 =	vsel vm0, $0xFFFFFFFF, v19  }
0x110: {  	vm15 =	vmneg vm1;
	vm1 =	vmor vm3, vm1;
	v4 =	vsel vm0, $0xBF800000, v4  }
0x111: {  	vm13 =	vmneg vm1;
	vm1 =	vmor vm12, vm1;
	vm5 =	vmand vm3, vm15  }
0x112: {  	v12 =	vmax.f32 v3, v4;
	vm3 =	vmand vm12, vm13;
	vm15 =	vmor vm14, vm1  }
0x113: {  	vm1 =	vmneg vm1;
	vm12 =	veq.f32 v7, v9;
	v5 =	vsel vm5, $0xBF800000, v5  }
0x114: {  	vm13 =	vmneg vm15;
	vm4 =	vmand vm14, vm1;
	vm7 =	vmor vm12, vm15  }
0x115: {  	[tilespmem:$0x1FE50] =	vst v10;
	vm14 =	veq.f32 v8, v9;
	v2 =	vsel vm3, $0xBF800000, v2;
	v10 =	vmax.f32 v12, v5  }
0x116: {  	v17 =	vld.idx.msk [tilespmem:v26+s2+$0x0], $0xffff;
	vm15 =	vne.f32 v1, v9;
	vm1 =	vmand vm12, vm13;
	vm6 =	vmneg vm7  }
0x117: {  	v6 =	vsel vm4, $0xBF800000, v6;
	v10 =	vmax.f32 v10, v2;
	vm8 =	vmor vm14, vm15  }
0x118: {  	vm6 =	vmand vm14, vm6;
	v7 =	vsel vm1, $0xBF800000, v7;
	v10 =	vmax.f32 v10, v6  }
0x119: {  	vm7 =	vmor vm8, vm7;
	v8 =	vsel vm6, $0xBF800000, v8;
	v10 =	vmax.f32 v10, v7  }
0x11a: {  	v1 =	vnsel vm7, $0xBF800000, v1;
	v10 =	vmax.f32 v10, v8  }
0x11b: {  	v11 =	vsub.f32 $0.0e+00, v17;
	v10 =	vmax.f32 v10, v1  }
0x11c: {  	v18 =	vadd.f32 v10, v9  }
0x11d: {  	v11 =	vmul.f32 $1.442695020e+00, v11  }
0x11e: {  	(erf) = vrcp.f32 v18  }
0x11f: {  	(erf) = vpow2.f32 v11;
	_ =	sdelay $0x7  }
0x120: {  	vm8 =	veq.f32 v3, v10;
	vm12 =	veq.f32 v2, v10;
	v2 =	vpop (erf)  }
0x121: {  	vm9 =	veq.f32 v4, v10;
	vm10 =	vne.f32 v3, v10;
	v3 =	vpop (erf);
	v19 =	vmul.f32 v2, v10  }
0x122: {  	vm11 =	vmor vm8, vm9;
	v2 =	vmul.f32 v2, v9;
	v3 =	vadd.f32 $1.000000000e+00, v3  }
0x123: {  	vm0 =	veq.f32 v5, v10;
	vm15 =	vmneg vm11;
	v11 =	vnsel vm8, $0x0, v19  }
0x124: {  	vm11 =	vmor vm0, vm11;
	(erf) = vrcp.f32 v3;
	v3 =	vsel vm2, v2, v11  }
0x125: {  	vm9 =	vmand vm9, vm10;
	vm10 =	vmand vm0, vm15;
	vm0 =	vmneg vm11;
	[tilespmem:v13+s7+$0x0] =	vst.idx.msk $0xffff, v3;
	v3 =	vld [tilespmem:$0x1FE50]  }
0x126: {  	vm11 =	vmor vm12, vm11;
	vm13 =	vmand vm12, vm0;
	vm12 =	veq.f32 v6, v10  }
0x127: {  	vm14 =	vmneg vm11;
	vm11 =	vmor vm12, vm11  }
0x128: {  	vm15 =	veq.f32 v7, v10;
	vm0 =	vmneg vm11  }
0x129: {  	vm12 =	vmand vm12, vm14;
	vm11 =	vmor vm15, vm11;
	vm0 =	vmand vm15, vm0  }
0x12a: {  	vm14 =	vmneg vm11;
	v12 =	vnsel vm9, $0x0, v19;
	vm15 =	vnez.u8 v3  }
0x12b: {  	vm8 =	veq.f32 v8, v10;
	v13 =	vnsel vm10, $0x0, v19;
	v3 =	vsel vm15, v2, v12  }
0x12c: {  	v17 =	vnsel vm13, $0x0, v19;
	vm9 =	vne.f32 v1, v10;
	[tilespmem:v14+s7+$0x0] =	vst.idx.msk $0xffff, v3;
	v3 =	vsel vm5, v2, v13  }
0x12d: {  	vm2 =	vmand vm8, vm14;
	v1 =	vsel vm3, v2, v17;
	[tilespmem:v15+s7+$0x0] =	vst.idx.msk $0xffff, v3;
	v3 =	vnsel vm12, $0x0, v19  }
0x12e: {  	vm10 =	vmor vm8, vm9;
	[tilespmem:v16+s7+$0x0] =	vst.idx.msk $0xffff, v1;
	v1 =	vsel vm4, v2, v3;
	v3 =	vnsel vm0, $0x0, v19  }
0x12f: {  	vm12 =	vmor vm10, vm11;
	[tilespmem:v22+s7+$0x0] =	vst.idx.msk $0xffff, v1;
	v1 =	vsel vm1, v2, v3;
	v3 =	vnsel vm2, $0x0, v19  }
0x130: {  	[tilespmem:v23+s7+$0x0] =	vst.idx.msk $0xffff, v1;
	v1 =	vsel vm6, v2, v3;
	v3 =	vsel vm12, $0x0, v19  }
0x131: {  	[tilespmem:v24+s7+$0x0] =	vst.idx.msk $0xffff, v1;
	v1 =	vsel vm7, v3, v2;
	_ =	sdelay $0x2  }
0x132: {  	[tilespmem:v25+s7+$0x0] =	vst.idx.msk $0xffff, v1;
	v1 =	vpop (erf)  }
0x133: {  	[tilespmem:v26+s7+$0x0] =	vst.idx.msk $0xffff, v1  }
0x134: {  	v1 =	vld.idx.msk [tilespmem:v27+s2+$0x0], $0xffff  }
0x135: {  	v2 =	vld.idx.msk [tilespmem:v28+s2+$0x0], $0xffff  }
0x136: {  	v3 =	vld.idx.msk [tilespmem:v29+s2+$0x0], $0xffff  }
0x137: {  	v18 =	vld.idx.msk [tilespmem:v30+s2+$0x0], $0xffff  }
0x138: {  	v19 =	vld.idx.msk [tilespmem:v31+s2+$0x0], $0xffff  }
0x139: {  	v12 =	vld.idx.msk [tilespmem:v32+s2+$0x0], $0xffff  }
0x13a: {  	v13 =	vld.idx.msk [tilespmem:v33+s2+$0x0], $0xffff;
	v14 =	vmax.f32 v1, v2  }
0x13b: {  	v15 =	vld.idx.msk [tilespmem:v34+s2+$0x0], $0xffff;
	v8 =	vmax.f32 v14, v3  }
0x13c: {  	v8 =	vmax.f32 v8, v18  }
0x13d: {  	v8 =	vmax.f32 v8, v19  }
0x13e: {  	v8 =	vmax.f32 v8, v12  }
0x13f: {  	v8 =	vmax.f32 v8, v13  }
0x140: {  	v8 =	vmax.f32 v8, v15  }
0x141: {  	v1 =	vsub.f32 v1, v8  }
0x142: {  	v2 =	vsub.f32 v2, v8  }
0x143: {  	v1 =	vmul.f32 $1.442695020e+00, v1  }
0x144: {  	v3 =	vsub.f32 v3, v8;
	v2 =	vmul.f32 $1.442695020e+00, v2  }
0x145: {  	(erf) = vpow2.f32 v1  }
0x146: {  	v1 =	vmul.f32 $1.442695020e+00, v3;
	(erf) = vpow2.f32 v2;
	v2 =	vsub.f32 v18, v8;
	_ =	sdelay $0x1  }
0x147: {  	(erf) = vpow2.f32 v1;
	v1 =	vmul.f32 $1.442695020e+00, v2;
	v2 =	vsub.f32 v19, v8;
	_ =	sdelay $0x1  }
0x148: {  	(erf) = vpow2.f32 v1;
	v1 =	vmul.f32 $1.442695020e+00, v2;
	v2 =	vsub.f32 v12, v8;
	_ =	sdelay $0x1  }
0x149: {  	(erf) = vpow2.f32 v1;
	v1 =	vmul.f32 $1.442695020e+00, v2;
	v2 =	vsub.f32 v13, v8;
	_ =	sdelay $0x1  }
0x14a: {  	v3 =	vpop (erf);
	(erf) = vpow2.f32 v1;
	v1 =	vmul.f32 $1.442695020e+00, v2;
	v2 =	vsub.f32 v15, v8  }
0x14b: {  	v16 =	vpop (erf)  }
0x14c: {  	(erf) = vpow2.f32 v1;
	v1 =	vmul.f32 $1.442695020e+00, v2;
	v2 =	vadd.f32 v16, v3;
	_ =	sdelay $0x1  }
0x14d: {  	v17 =	vpop (erf)  }
0x14e: {  	(erf) = vpow2.f32 v1;
	v1 =	vadd.f32 v2, v17  }
0x14f: {  	v2 =	vpop (erf)  }
0x150: {  	v1 =	vadd.f32 v1, v2  }
0x151: {  	v18 =	vpop (erf)  }
0x152: {  	v1 =	vadd.f32 v1, v18  }
0x153: {  	v19 =	vpop (erf)  }
0x154: {  	v1 =	vadd.f32 v1, v19  }
0x155: {  	v12 =	vpop (erf)  }
0x156: {  	v1 =	vadd.f32 v1, v12  }
0x157: {  	v13 =	vpop (erf)  }
0x158: {  	v1 =	vadd.f32 v1, v13;
	_ =	sdelay $0x1  }
0x159: {  	(erf) = vrcp.f32 v1;
	_ =	sdelay $0x8  }
0x15a: {  	v1 =	vpop (erf)  }
0x15b: {  	v3 =	vmul.f32 v1, v3;
	v4 =	vmul.f32 v1, v16  }
0x15c: {  	v5 =	vmul.f32 v1, v17  }
0x15d: {  	v2 =	vmul.f32 v1, v2;
	v14 =	vmax.f32 v3, v4  }
0x15e: {  	v6 =	vmul.f32 v1, v18;
	v10 =	vmax.f32 v14, v5  }
0x15f: {  	v7 =	vmul.f32 v1, v19;
	v10 =	vmax.f32 v10, v2  }
0x160: {  	v8 =	vmul.f32 v1, v12;
	v10 =	vmax.f32 v10, v6  }
0x161: {  	v1 =	vmul.f32 v1, v13;
	v15 =	vmax.f32 v10, v7  }
0x162: {  	v9 =	vmax.f32 v15, v8  }
0x163: {  	v9 =	vmax.f32 v9, v1  }
0x164: {  	v16 =	vimm.s32 $0x0;
	vm2 =	veq.f32 v3, v9  }
0x165: {  	vm13 =	vne.f32 v3, v9;
	vm14 =	veq.f32 v4, v9;
	vm3 =	veq.f32 v5, v9  }
0x166: {  	vm12 =	veq.f32 v2, v9;
	vm0 =	vmand vm14, vm13;
	vm1 =	vmor vm2, vm14  }
0x167: {  	vm14 =	veq.f32 v6, v9;
	v3 =	vsel vm2, $0xBF800000, v3;
	v10 =	vsel vm0, $0xFFFFFFFF, v16  }
0x168: {  	vm15 =	vmneg vm1;
	vm1 =	vmor vm3, vm1;
	v4 =	vsel vm0, $0xBF800000, v4  }
0x169: {  	vm13 =	vmneg vm1;
	vm1 =	vmor vm12, vm1;
	vm5 =	vmand vm3, vm15  }
0x16a: {  	v17 =	vmax.f32 v3, v4;
	vm3 =	vmand vm12, vm13;
	vm15 =	vmor vm14, vm1  }
0x16b: {  	vm1 =	vmneg vm1;
	vm12 =	veq.f32 v7, v9;
	v5 =	vsel vm5, $0xBF800000, v5  }
0x16c: {  	vm13 =	vmneg vm15;
	vm4 =	vmand vm14, vm1;
	vm7 =	vmor vm12, vm15  }
0x16d: {  	[tilespmem:$0x1FE60] =	vst v10;
	vm14 =	veq.f32 v8, v9;
	v2 =	vsel vm3, $0xBF800000, v2;
	v10 =	vmax.f32 v17, v5  }
0x16e: {  	v18 =	vld.idx.msk [tilespmem:v35+s2+$0x0], $0xffff;
	vm15 =	vne.f32 v1, v9;
	vm1 =	vmand vm12, vm13;
	vm6 =	vmneg vm7  }
0x16f: {  	v6 =	vsel vm4, $0xBF800000, v6;
	v10 =	vmax.f32 v10, v2;
	vm8 =	vmor vm14, vm15  }
0x170: {  	vm6 =	vmand vm14, vm6;
	v7 =	vsel vm1, $0xBF800000, v7;
	v10 =	vmax.f32 v10, v6  }
0x171: {  	vm7 =	vmor vm8, vm7;
	v8 =	vsel vm6, $0xBF800000, v8;
	v10 =	vmax.f32 v10, v7  }
0x172: {  	v1 =	vnsel vm7, $0xBF800000, v1;
	v10 =	vmax.f32 v10, v8  }
0x173: {  	v11 =	vsub.f32 $0.0e+00, v18;
	v10 =	vmax.f32 v10, v1  }
0x174: {  	v19 =	vadd.f32 v10, v9  }
0x175: {  	v11 =	vmul.f32 $1.442695020e+00, v11  }
0x176: {  	(erf) = vrcp.f32 v19  }
0x177: {  	(erf) = vpow2.f32 v11;
	_ =	sdelay $0x7  }
0x178: {  	vm8 =	veq.f32 v3, v10;
	vm12 =	veq.f32 v2, v10;
	v2 =	vpop (erf)  }
0x179: {  	vm9 =	veq.f32 v4, v10;
	vm10 =	vne.f32 v3, v10;
	v3 =	vpop (erf);
	v13 =	vmul.f32 v2, v10  }
0x17a: {  	vm11 =	vmor vm8, vm9;
	v2 =	vmul.f32 v2, v9;
	v3 =	vadd.f32 $1.000000000e+00, v3  }
0x17b: {  	vm0 =	veq.f32 v5, v10;
	vm15 =	vmneg vm11;
	v14 =	vnsel vm8, $0x0, v13  }
0x17c: {  	vm11 =	vmor vm0, vm11;
	(erf) = vrcp.f32 v3;
	v3 =	vsel vm2, v2, v14  }
0x17d: {  	vm9 =	vmand vm9, vm10;
	vm10 =	vmand vm0, vm15;
	vm0 =	vmneg vm11;
	[tilespmem:v27+s7+$0x0] =	vst.idx.msk $0xffff, v3;
	v3 =	vld [tilespmem:$0x1FE60]  }
0x17e: {  	vm11 =	vmor vm12, vm11;
	vm13 =	vmand vm12, vm0;
	vm12 =	veq.f32 v6, v10  }
0x17f: {  	vm14 =	vmneg vm11;
	vm11 =	vmor vm12, vm11  }
0x180: {  	vm15 =	veq.f32 v7, v10;
	vm0 =	vmneg vm11  }
0x181: {  	vm12 =	vmand vm12, vm14;
	vm11 =	vmor vm15, vm11;
	vm0 =	vmand vm15, vm0  }
0x182: {  	vm14 =	vmneg vm11;
	v15 =	vnsel vm9, $0x0, v13;
	vm15 =	vnez.u8 v3  }
0x183: {  	vm8 =	veq.f32 v8, v10;
	v16 =	vnsel vm10, $0x0, v13;
	v3 =	vsel vm15, v2, v15  }
0x184: {  	v17 =	vnsel vm13, $0x0, v13;
	vm9 =	vne.f32 v1, v10;
	[tilespmem:v28+s7+$0x0] =	vst.idx.msk $0xffff, v3;
	v3 =	vsel vm5, v2, v16  }
0x185: {  	vm2 =	vmand vm8, vm14;
	v1 =	vsel vm3, v2, v17;
	[tilespmem:v29+s7+$0x0] =	vst.idx.msk $0xffff, v3;
	v3 =	vnsel vm12, $0x0, v13  }
0x186: {  	vm10 =	vmor vm8, vm9;
	[tilespmem:v30+s7+$0x0] =	vst.idx.msk $0xffff, v1;
	v1 =	vsel vm4, v2, v3;
	v3 =	vnsel vm0, $0x0, v13  }
0x187: {  	vm12 =	vmor vm10, vm11;
	[tilespmem:v31+s7+$0x0] =	vst.idx.msk $0xffff, v1;
	v1 =	vsel vm1, v2, v3;
	v3 =	vnsel vm2, $0x0, v13  }
0x188: {  	[tilespmem:v32+s7+$0x0] =	vst.idx.msk $0xffff, v1;
	v1 =	vsel vm6, v2, v3;
	v3 =	vsel vm12, $0x0, v13  }
0x189: {  	[tilespmem:v33+s7+$0x0] =	vst.idx.msk $0xffff, v1;
	v1 =	vsel vm7, v3, v2;
	_ =	sdelay $0x2  }
0x18a: {  	[tilespmem:v34+s7+$0x0] =	vst.idx.msk $0xffff, v1;
	v1 =	vpop (erf)  }
0x18b: {  	[tilespmem:v35+s7+$0x0] =	vst.idx.msk $0xffff, v1  }
0x18c: {  	v1 =	vld.idx.msk [tilespmem:v36+s2+$0x0], $0xffff  }
0x18d: {  	v2 =	vld.idx.msk [tilespmem:v37+s2+$0x0], $0xffff  }
0x18e: {  	v3 =	vld.idx.msk [tilespmem:v38+s2+$0x0], $0xffff  }
0x18f: {  	v18 =	vld.idx.msk [tilespmem:v39+s2+$0x0], $0xffff  }
0x190: {  	v19 =	vld.idx.msk [tilespmem:v40+s2+$0x0], $0xffff  }
0x191: {  	v12 =	vld.idx.msk [tilespmem:v41+s2+$0x0], $0xffff  }
0x192: {  	v13 =	vld.idx.msk [tilespmem:v42+s2+$0x0], $0xffff;
	v14 =	vmax.f32 v1, v2  }
0x193: {  	v15 =	vld.idx.msk [tilespmem:v43+s2+$0x0], $0xffff;
	v8 =	vmax.f32 v14, v3  }
0x194: {  	v8 =	vmax.f32 v8, v18  }
0x195: {  	v8 =	vmax.f32 v8, v19  }
0x196: {  	v8 =	vmax.f32 v8, v12  }
0x197: {  	v8 =	vmax.f32 v8, v13  }
0x198: {  	v8 =	vmax.f32 v8, v15  }
0x199: {  	v1 =	vsub.f32 v1, v8  }
0x19a: {  	v2 =	vsub.f32 v2, v8  }
0x19b: {  	v1 =	vmul.f32 $1.442695020e+00, v1  }
0x19c: {  	v3 =	vsub.f32 v3, v8;
	v2 =	vmul.f32 $1.442695020e+00, v2  }
0x19d: {  	(erf) = vpow2.f32 v1  }
0x19e: {  	v1 =	vmul.f32 $1.442695020e+00, v3;
	(erf) = vpow2.f32 v2;
	v2 =	vsub.f32 v18, v8;
	_ =	sdelay $0x1  }
0x19f: {  	(erf) = vpow2.f32 v1;
	v1 =	vmul.f32 $1.442695020e+00, v2;
	v2 =	vsub.f32 v19, v8;
	_ =	sdelay $0x1  }
0x1a0: {  	(erf) = vpow2.f32 v1;
	v1 =	vmul.f32 $1.442695020e+00, v2;
	v2 =	vsub.f32 v12, v8;
	_ =	sdelay $0x1  }
0x1a1: {  	(erf) = vpow2.f32 v1;
	v1 =	vmul.f32 $1.442695020e+00, v2;
	v2 =	vsub.f32 v13, v8;
	_ =	sdelay $0x1  }
0x1a2: {  	v3 =	vpop (erf);
	(erf) = vpow2.f32 v1;
	v1 =	vmul.f32 $1.442695020e+00, v2;
	v2 =	vsub.f32 v15, v8  }
0x1a3: {  	v16 =	vpop (erf)  }
0x1a4: {  	(erf) = vpow2.f32 v1;
	v1 =	vmul.f32 $1.442695020e+00, v2;
	v2 =	vadd.f32 v16, v3;
	_ =	sdelay $0x1  }
0x1a5: {  	v17 =	vpop (erf)  }
0x1a6: {  	(erf) = vpow2.f32 v1;
	v1 =	vadd.f32 v2, v17  }
0x1a7: {  	v2 =	vpop (erf)  }
0x1a8: {  	v1 =	vadd.f32 v1, v2  }
0x1a9: {  	v18 =	vpop (erf)  }
0x1aa: {  	v1 =	vadd.f32 v1, v18  }
0x1ab: {  	v19 =	vpop (erf)  }
0x1ac: {  	v1 =	vadd.f32 v1, v19  }
0x1ad: {  	v12 =	vpop (erf)  }
0x1ae: {  	v1 =	vadd.f32 v1, v12  }
0x1af: {  	v13 =	vpop (erf)  }
0x1b0: {  	v1 =	vadd.f32 v1, v13;
	_ =	sdelay $0x1  }
0x1b1: {  	(erf) = vrcp.f32 v1;
	_ =	sdelay $0x8  }
0x1b2: {  	v1 =	vpop (erf)  }
0x1b3: {  	v3 =	vmul.f32 v1, v3;
	v4 =	vmul.f32 v1, v16  }
0x1b4: {  	v5 =	vmul.f32 v1, v17  }
0x1b5: {  	v2 =	vmul.f32 v1, v2;
	v14 =	vmax.f32 v3, v4  }
0x1b6: {  	v6 =	vmul.f32 v1, v18;
	v10 =	vmax.f32 v14, v5  }
0x1b7: {  	v7 =	vmul.f32 v1, v19;
	v10 =	vmax.f32 v10, v2  }
0x1b8: {  	v8 =	vmul.f32 v1, v12;
	v10 =	vmax.f32 v10, v6  }
0x1b9: {  	v1 =	vmul.f32 v1, v13;
	v15 =	vmax.f32 v10, v7  }
0x1ba: {  	v9 =	vmax.f32 v15, v8  }
0x1bb: {  	v9 =	vmax.f32 v9, v1  }
0x1bc: {  	v16 =	vimm.s32 $0x0;
	vm2 =	veq.f32 v3, v9  }
0x1bd: {  	vm13 =	vne.f32 v3, v9;
	vm14 =	veq.f32 v4, v9;
	vm3 =	veq.f32 v5, v9  }
0x1be: {  	vm12 =	veq.f32 v2, v9;
	vm0 =	vmand vm14, vm13;
	vm1 =	vmor vm2, vm14  }
0x1bf: {  	vm14 =	veq.f32 v6, v9;
	v3 =	vsel vm2, $0xBF800000, v3;
	v10 =	vsel vm0, $0xFFFFFFFF, v16  }
0x1c0: {  	vm15 =	vmneg vm1;
	vm1 =	vmor vm3, vm1;
	v4 =	vsel vm0, $0xBF800000, v4  }
0x1c1: {  	vm13 =	vmneg vm1;
	vm1 =	vmor vm12, vm1;
	vm5 =	vmand vm3, vm15  }
0x1c2: {  	v17 =	vmax.f32 v3, v4;
	vm3 =	vmand vm12, vm13;
	vm15 =	vmor vm14, vm1  }
0x1c3: {  	vm1 =	vmneg vm1;
	vm12 =	veq.f32 v7, v9;
	v5 =	vsel vm5, $0xBF800000, v5  }
0x1c4: {  	vm13 =	vmneg vm15;
	vm4 =	vmand vm14, vm1;
	vm7 =	vmor vm12, vm15  }
0x1c5: {  	[tilespmem:$0x1FE70] =	vst v10;
	vm14 =	veq.f32 v8, v9;
	v2 =	vsel vm3, $0xBF800000, v2;
	v10 =	vmax.f32 v17, v5  }
0x1c6: {  	v18 =	vld.idx.msk [tilespmem:v44+s2+$0x0], $0xffff;
	vm15 =	vne.f32 v1, v9;
	vm1 =	vmand vm12, vm13;
	vm6 =	vmneg vm7  }
0x1c7: {  	v6 =	vsel vm4, $0xBF800000, v6;
	v10 =	vmax.f32 v10, v2;
	vm8 =	vmor vm14, vm15  }
0x1c8: {  	vm6 =	vmand vm14, vm6;
	v7 =	vsel vm1, $0xBF800000, v7;
	v10 =	vmax.f32 v10, v6  }
0x1c9: {  	vm7 =	vmor vm8, vm7;
	v8 =	vsel vm6, $0xBF800000, v8;
	v10 =	vmax.f32 v10, v7  }
0x1ca: {  	v1 =	vnsel vm7, $0xBF800000, v1;
	v10 =	vmax.f32 v10, v8  }
0x1cb: {  	v11 =	vsub.f32 $0.0e+00, v18;
	v10 =	vmax.f32 v10, v1  }
0x1cc: {  	v19 =	vadd.f32 v10, v9  }
0x1cd: {  	v11 =	vmul.f32 $1.442695020e+00, v11  }
0x1ce: {  	(erf) = vrcp.f32 v19  }
0x1cf: {  	(erf) = vpow2.f32 v11;
	_ =	sdelay $0x7  }
0x1d0: {  	vm8 =	veq.f32 v3, v10;
	vm12 =	veq.f32 v2, v10;
	v2 =	vpop (erf)  }
0x1d1: {  	vm9 =	veq.f32 v4, v10;
	vm10 =	vne.f32 v3, v10;
	v3 =	vpop (erf);
	v13 =	vmul.f32 v2, v10  }
0x1d2: {  	vm11 =	vmor vm8, vm9;
	v2 =	vmul.f32 v2, v9;
	v3 =	vadd.f32 $1.000000000e+00, v3  }
0x1d3: {  	vm0 =	veq.f32 v5, v10;
	vm15 =	vmneg vm11;
	v14 =	vnsel vm8, $0x0, v13  }
0x1d4: {  	vm11 =	vmor vm0, vm11;
	(erf) = vrcp.f32 v3;
	v3 =	vsel vm2, v2, v14  }
0x1d5: {  	vm9 =	vmand vm9, vm10;
	vm10 =	vmand vm0, vm15;
	vm0 =	vmneg vm11;
	[tilespmem:v36+s7+$0x0] =	vst.idx.msk $0xffff, v3;
	v3 =	vld [tilespmem:$0x1FE70]  }
0x1d6: {  	vm11 =	vmor vm12, vm11;
	vm13 =	vmand vm12, vm0;
	vm12 =	veq.f32 v6, v10  }
0x1d7: {  	vm14 =	vmneg vm11;
	vm11 =	vmor vm12, vm11  }
0x1d8: {  	vm15 =	veq.f32 v7, v10;
	vm0 =	vmneg vm11  }
0x1d9: {  	vm12 =	vmand vm12, vm14;
	vm11 =	vmor vm15, vm11;
	vm0 =	vmand vm15, vm0  }
0x1da: {  	vm14 =	vmneg vm11;
	v15 =	vnsel vm9, $0x0, v13;
	vm15 =	vnez.u8 v3  }
0x1db: {  	vm8 =	veq.f32 v8, v10;
	v16 =	vnsel vm10, $0x0, v13;
	v3 =	vsel vm15, v2, v15  }
0x1dc: {  	v17 =	vnsel vm13, $0x0, v13;
	vm9 =	vne.f32 v1, v10;
	[tilespmem:v37+s7+$0x0] =	vst.idx.msk $0xffff, v3;
	v3 =	vsel vm5, v2, v16  }
0x1dd: {  	vm2 =	vmand vm8, vm14;
	v1 =	vsel vm3, v2, v17;
	[tilespmem:v38+s7+$0x0] =	vst.idx.msk $0xffff, v3;
	v3 =	vnsel vm12, $0x0, v13  }
0x1de: {  	vm10 =	vmor vm8, vm9;
	[tilespmem:v39+s7+$0x0] =	vst.idx.msk $0xffff, v1;
	v1 =	vsel vm4, v2, v3;
	v3 =	vnsel vm0, $0x0, v13  }
0x1df: {  	vm12 =	vmor vm10, vm11;
	[tilespmem:v40+s7+$0x0] =	vst.idx.msk $0xffff, v1;
	v1 =	vsel vm1, v2, v3;
	v3 =	vnsel vm2, $0x0, v13  }
0x1e0: {  	[tilespmem:v41+s7+$0x0] =	vst.idx.msk $0xffff, v1;
	v1 =	vsel vm6, v2, v3;
	v3 =	vsel vm12, $0x0, v13  }
0x1e1: {  	[tilespmem:v42+s7+$0x0] =	vst.idx.msk $0xffff, v1;
	v1 =	vsel vm7, v3, v2;
	_ =	sdelay $0x2  }
0x1e2: {  	[tilespmem:v43+s7+$0x0] =	vst.idx.msk $0xffff, v1;
	v1 =	vpop (erf)  }
0x1e3: {  	[tilespmem:v44+s7+$0x0] =	vst.idx.msk $0xffff, v1  }
0x1e4: {  	v1 =	vld.idx.msk [tilespmem:v45+s2+$0x0], $0xffff  }
0x1e5: {  	v2 =	vld.idx.msk [tilespmem:v46+s2+$0x0], $0xffff  }
0x1e6: {  	v3 =	vld.idx.msk [tilespmem:v47+s2+$0x0], $0xffff  }
0x1e7: {  	v18 =	vld.idx.msk [tilespmem:v48+s2+$0x0], $0xffff  }
0x1e8: {  	v19 =	vld.idx.msk [tilespmem:v49+s2+$0x0], $0xffff  }
0x1e9: {  	v12 =	vld.idx.msk [tilespmem:v50+s2+$0x0], $0xffff  }
0x1ea: {  	v13 =	vld.idx.msk [tilespmem:v51+s2+$0x0], $0xffff;
	v14 =	vmax.f32 v1, v2  }
0x1eb: {  	v15 =	vld.idx.msk [tilespmem:v52+s2+$0x0], $0xffff;
	v8 =	vmax.f32 v14, v3  }
0x1ec: {  	v8 =	vmax.f32 v8, v18  }
0x1ed: {  	v8 =	vmax.f32 v8, v19  }
0x1ee: {  	v8 =	vmax.f32 v8, v12  }
0x1ef: {  	v8 =	vmax.f32 v8, v13  }
0x1f0: {  	v8 =	vmax.f32 v8, v15  }
0x1f1: {  	v1 =	vsub.f32 v1, v8  }
0x1f2: {  	v2 =	vsub.f32 v2, v8  }
0x1f3: {  	v1 =	vmul.f32 $1.442695020e+00, v1  }
0x1f4: {  	v3 =	vsub.f32 v3, v8;
	v2 =	vmul.f32 $1.442695020e+00, v2  }
0x1f5: {  	(erf) = vpow2.f32 v1  }
0x1f6: {  	v1 =	vmul.f32 $1.442695020e+00, v3;
	(erf) = vpow2.f32 v2;
	v2 =	vsub.f32 v18, v8;
	_ =	sdelay $0x1  }
0x1f7: {  	(erf) = vpow2.f32 v1;
	v1 =	vmul.f32 $1.442695020e+00, v2;
	v2 =	vsub.f32 v19, v8;
	_ =	sdelay $0x1  }
0x1f8: {  	(erf) = vpow2.f32 v1;
	v1 =	vmul.f32 $1.442695020e+00, v2;
	v2 =	vsub.f32 v12, v8;
	_ =	sdelay $0x1  }
0x1f9: {  	(erf) = vpow2.f32 v1;
	v1 =	vmul.f32 $1.442695020e+00, v2;
	v2 =	vsub.f32 v13, v8;
	_ =	sdelay $0x1  }
0x1fa: {  	v3 =	vpop (erf);
	(erf) = vpow2.f32 v1;
	v1 =	vmul.f32 $1.442695020e+00, v2;
	v2 =	vsub.f32 v15, v8  }
0x1fb: {  	v16 =	vpop (erf)  }
0x1fc: {  	(erf) = vpow2.f32 v1;
	v1 =	vmul.f32 $1.442695020e+00, v2;
	v2 =	vadd.f32 v16, v3;
	_ =	sdelay $0x1  }
0x1fd: {  	v17 =	vpop (erf)  }
0x1fe: {  	(erf) = vpow2.f32 v1;
	v1 =	vadd.f32 v2, v17  }
0x1ff: {  	v2 =	vpop (erf)  }
0x200: {  	v1 =	vadd.f32 v1, v2  }
0x201: {  	v18 =	vpop (erf)  }
0x202: {  	v1 =	vadd.f32 v1, v18  }
0x203: {  	v19 =	vpop (erf)  }
0x204: {  	v1 =	vadd.f32 v1, v19  }
0x205: {  	v12 =	vpop (erf)  }
0x206: {  	v1 =	vadd.f32 v1, v12  }
0x207: {  	v13 =	vpop (erf)  }
0x208: {  	v1 =	vadd.f32 v1, v13;
	_ =	sdelay $0x1  }
0x209: {  	(erf) = vrcp.f32 v1;
	_ =	sdelay $0x8  }
0x20a: {  	v1 =	vpop (erf)  }
0x20b: {  	v3 =	vmul.f32 v1, v3;
	v4 =	vmul.f32 v1, v16  }
0x20c: {  	v5 =	vmul.f32 v1, v17  }
0x20d: {  	v2 =	vmul.f32 v1, v2;
	v14 =	vmax.f32 v3, v4  }
0x20e: {  	v6 =	vmul.f32 v1, v18;
	v10 =	vmax.f32 v14, v5  }
0x20f: {  	v7 =	vmul.f32 v1, v19;
	v10 =	vmax.f32 v10, v2  }
0x210: {  	v8 =	vmul.f32 v1, v12;
	v10 =	vmax.f32 v10, v6  }
0x211: {  	v1 =	vmul.f32 v1, v13;
	v15 =	vmax.f32 v10, v7  }
0x212: {  	v9 =	vmax.f32 v15, v8  }
0x213: {  	v9 =	vmax.f32 v9, v1  }
0x214: {  	v16 =	vimm.s32 $0x0;
	vm2 =	veq.f32 v3, v9  }
0x215: {  	vm13 =	vne.f32 v3, v9;
	vm14 =	veq.f32 v4, v9;
	vm3 =	veq.f32 v5, v9  }
0x216: {  	vm12 =	veq.f32 v2, v9;
	vm0 =	vmand vm14, vm13;
	vm1 =	vmor vm2, vm14  }
0x217: {  	vm14 =	veq.f32 v6, v9;
	v3 =	vsel vm2, $0xBF800000, v3;
	v10 =	vsel vm0, $0xFFFFFFFF, v16  }
0x218: {  	vm15 =	vmneg vm1;
	vm1 =	vmor vm3, vm1;
	v4 =	vsel vm0, $0xBF800000, v4  }
0x219: {  	vm13 =	vmneg vm1;
	vm1 =	vmor vm12, vm1;
	vm5 =	vmand vm3, vm15  }
0x21a: {  	v17 =	vmax.f32 v3, v4;
	vm3 =	vmand vm12, vm13;
	vm15 =	vmor vm14, vm1  }
0x21b: {  	vm1 =	vmneg vm1;
	vm12 =	veq.f32 v7, v9;
	v5 =	vsel vm5, $0xBF800000, v5  }
0x21c: {  	vm13 =	vmneg vm15;
	vm4 =	vmand vm14, vm1;
	vm7 =	vmor vm12, vm15  }
0x21d: {  	[tilespmem:$0x1FE80] =	vst v10;
	vm14 =	veq.f32 v8, v9;
	v2 =	vsel vm3, $0xBF800000, v2;
	v10 =	vmax.f32 v17, v5  }
0x21e: {  	v18 =	vld.idx.msk [tilespmem:v53+s2+$0x0], $0xffff;
	vm15 =	vne.f32 v1, v9;
	vm1 =	vmand vm12, vm13;
	vm6 =	vmneg vm7  }
0x21f: {  	v6 =	vsel vm4, $0xBF800000, v6;
	v10 =	vmax.f32 v10, v2;
	vm8 =	vmor vm14, vm15  }
0x220: {  	vm6 =	vmand vm14, vm6;
	v7 =	vsel vm1, $0xBF800000, v7;
	v10 =	vmax.f32 v10, v6  }
0x221: {  	vm7 =	vmor vm8, vm7;
	v8 =	vsel vm6, $0xBF800000, v8;
	v10 =	vmax.f32 v10, v7  }
0x222: {  	v1 =	vnsel vm7, $0xBF800000, v1;
	v10 =	vmax.f32 v10, v8  }
0x223: {  	v11 =	vsub.f32 $0.0e+00, v18;
	v10 =	vmax.f32 v10, v1  }
0x224: {  	v19 =	vadd.f32 v10, v9  }
0x225: {  	v11 =	vmul.f32 $1.442695020e+00, v11  }
0x226: {  	(erf) = vrcp.f32 v19  }
0x227: {  	(erf) = vpow2.f32 v11;
	_ =	sdelay $0x7  }
0x228: {  	vm8 =	veq.f32 v3, v10;
	vm12 =	veq.f32 v2, v10;
	v2 =	vpop (erf)  }
0x229: {  	vm9 =	veq.f32 v4, v10;
	vm10 =	vne.f32 v3, v10;
	v3 =	vpop (erf);
	v13 =	vmul.f32 v2, v10  }
0x22a: {  	vm11 =	vmor vm8, vm9;
	v2 =	vmul.f32 v2, v9;
	v3 =	vadd.f32 $1.000000000e+00, v3  }
0x22b: {  	vm0 =	veq.f32 v5, v10;
	vm15 =	vmneg vm11;
	v14 =	vnsel vm8, $0x0, v13  }
0x22c: {  	vm11 =	vmor vm0, vm11;
	(erf) = vrcp.f32 v3;
	v3 =	vsel vm2, v2, v14  }
0x22d: {  	vm9 =	vmand vm9, vm10;
	vm10 =	vmand vm0, vm15;
	vm0 =	vmneg vm11;
	[tilespmem:v45+s7+$0x0] =	vst.idx.msk $0xffff, v3;
	v3 =	vld [tilespmem:$0x1FE80]  }
0x22e: {  	vm11 =	vmor vm12, vm11;
	vm13 =	vmand vm12, vm0;
	vm12 =	veq.f32 v6, v10  }
0x22f: {  	vm14 =	vmneg vm11;
	vm11 =	vmor vm12, vm11  }
0x230: {  	vm15 =	veq.f32 v7, v10;
	vm0 =	vmneg vm11  }
0x231: {  	vm12 =	vmand vm12, vm14;
	vm11 =	vmor vm15, vm11;
	vm0 =	vmand vm15, vm0  }
0x232: {  	vm14 =	vmneg vm11;
	v15 =	vnsel vm9, $0x0, v13;
	vm15 =	vnez.u8 v3  }
0x233: {  	vm8 =	veq.f32 v8, v10;
	v16 =	vnsel vm10, $0x0, v13;
	v3 =	vsel vm15, v2, v15  }
0x234: {  	v17 =	vnsel vm13, $0x0, v13;
	vm9 =	vne.f32 v1, v10;
	[tilespmem:v46+s7+$0x0] =	vst.idx.msk $0xffff, v3;
	v3 =	vsel vm5, v2, v16  }
0x235: {  	vm2 =	vmand vm8, vm14;
	v1 =	vsel vm3, v2, v17;
	[tilespmem:v47+s7+$0x0] =	vst.idx.msk $0xffff, v3;
	v3 =	vnsel vm12, $0x0, v13  }
0x236: {  	vm10 =	vmor vm8, vm9;
	[tilespmem:v48+s7+$0x0] =	vst.idx.msk $0xffff, v1;
	v1 =	vsel vm4, v2, v3;
	v3 =	vnsel vm0, $0x0, v13  }
0x237: {  	vm12 =	vmor vm10, vm11;
	[tilespmem:v49+s7+$0x0] =	vst.idx.msk $0xffff, v1;
	v1 =	vsel vm1, v2, v3;
	v3 =	vnsel vm2, $0x0, v13  }
0x238: {  	[tilespmem:v50+s7+$0x0] =	vst.idx.msk $0xffff, v1;
	v1 =	vsel vm6, v2, v3;
	v3 =	vsel vm12, $0x0, v13  }
0x239: {  	[tilespmem:v51+s7+$0x0] =	vst.idx.msk $0xffff, v1;
	v1 =	vsel vm7, v3, v2;
	_ =	sdelay $0x2  }
0x23a: {  	[tilespmem:v52+s7+$0x0] =	vst.idx.msk $0xffff, v1;
	v1 =	vpop (erf)  }
0x23b: {  	[tilespmem:v53+s7+$0x0] =	vst.idx.msk $0xffff, v1  }
0x23c: {  	v1 =	vld.idx.msk [tilespmem:v54+s2+$0x0], $0xffff  }
0x23d: {  	v2 =	vld.idx.msk [tilespmem:v55+s2+$0x0], $0xffff  }
0x23e: {  	v3 =	vld.idx.msk [tilespmem:v56+s2+$0x0], $0xffff  }
0x23f: {  	v18 =	vld.idx.msk [tilespmem:v57+s2+$0x0], $0xffff  }
0x240: {  	v19 =	vld.idx.msk [tilespmem:v58+s2+$0x0], $0xffff  }
0x241: {  	v12 =	vld.idx.msk [tilespmem:v59+s2+$0x0], $0xffff  }
0x242: {  	v13 =	vld.idx.msk [tilespmem:v60+s2+$0x0], $0xffff;
	v14 =	vmax.f32 v1, v2  }
0x243: {  	v15 =	vld.idx.msk [tilespmem:v61+s2+$0x0], $0xffff;
	v8 =	vmax.f32 v14, v3  }
0x244: {  	v8 =	vmax.f32 v8, v18  }
0x245: {  	v8 =	vmax.f32 v8, v19  }
0x246: {  	v8 =	vmax.f32 v8, v12  }
0x247: {  	v8 =	vmax.f32 v8, v13  }
0x248: {  	v8 =	vmax.f32 v8, v15  }
0x249: {  	v1 =	vsub.f32 v1, v8  }
0x24a: {  	v2 =	vsub.f32 v2, v8  }
0x24b: {  	v1 =	vmul.f32 $1.442695020e+00, v1  }
0x24c: {  	v3 =	vsub.f32 v3, v8;
	v2 =	vmul.f32 $1.442695020e+00, v2  }
0x24d: {  	(erf) = vpow2.f32 v1  }
0x24e: {  	v1 =	vmul.f32 $1.442695020e+00, v3;
	(erf) = vpow2.f32 v2;
	v2 =	vsub.f32 v18, v8;
	_ =	sdelay $0x1  }
0x24f: {  	(erf) = vpow2.f32 v1;
	v1 =	vmul.f32 $1.442695020e+00, v2;
	v2 =	vsub.f32 v19, v8;
	_ =	sdelay $0x1  }
0x250: {  	(erf) = vpow2.f32 v1;
	v1 =	vmul.f32 $1.442695020e+00, v2;
	v2 =	vsub.f32 v12, v8;
	_ =	sdelay $0x1  }
0x251: {  	(erf) = vpow2.f32 v1;
	v1 =	vmul.f32 $1.442695020e+00, v2;
	v2 =	vsub.f32 v13, v8;
	_ =	sdelay $0x1  }
0x252: {  	v3 =	vpop (erf);
	(erf) = vpow2.f32 v1;
	v1 =	vmul.f32 $1.442695020e+00, v2;
	v2 =	vsub.f32 v15, v8  }
0x253: {  	v16 =	vpop (erf)  }
0x254: {  	(erf) = vpow2.f32 v1;
	v1 =	vmul.f32 $1.442695020e+00, v2;
	v2 =	vadd.f32 v16, v3;
	_ =	sdelay $0x1  }
0x255: {  	v17 =	vpop (erf)  }
0x256: {  	(erf) = vpow2.f32 v1;
	v1 =	vadd.f32 v2, v17  }
0x257: {  	v2 =	vpop (erf)  }
0x258: {  	v1 =	vadd.f32 v1, v2  }
0x259: {  	v18 =	vpop (erf)  }
0x25a: {  	v1 =	vadd.f32 v1, v18  }
0x25b: {  	v19 =	vpop (erf)  }
0x25c: {  	v1 =	vadd.f32 v1, v19  }
0x25d: {  	v12 =	vpop (erf)  }
0x25e: {  	v1 =	vadd.f32 v1, v12  }
0x25f: {  	v13 =	vpop (erf)  }
0x260: {  	v1 =	vadd.f32 v1, v13;
	_ =	sdelay $0x1  }
0x261: {  	(erf) = vrcp.f32 v1;
	_ =	sdelay $0x8  }
0x262: {  	v1 =	vpop (erf)  }
0x263: {  	v3 =	vmul.f32 v1, v3;
	v4 =	vmul.f32 v1, v16  }
0x264: {  	v5 =	vmul.f32 v1, v17  }
0x265: {  	v2 =	vmul.f32 v1, v2;
	v14 =	vmax.f32 v3, v4  }
0x266: {  	v6 =	vmul.f32 v1, v18;
	v10 =	vmax.f32 v14, v5  }
0x267: {  	v7 =	vmul.f32 v1, v19;
	v10 =	vmax.f32 v10, v2  }
0x268: {  	v8 =	vmul.f32 v1, v12;
	v10 =	vmax.f32 v10, v6  }
0x269: {  	v1 =	vmul.f32 v1, v13;
	v15 =	vmax.f32 v10, v7  }
0x26a: {  	v9 =	vmax.f32 v15, v8  }
0x26b: {  	v9 =	vmax.f32 v9, v1  }
0x26c: {  	v16 =	vimm.s32 $0x0;
	vm2 =	veq.f32 v3, v9  }
0x26d: {  	vm13 =	vne.f32 v3, v9;
	vm14 =	veq.f32 v4, v9;
	vm3 =	veq.f32 v5, v9  }
0x26e: {  	vm12 =	veq.f32 v2, v9;
	vm0 =	vmand vm14, vm13;
	vm1 =	vmor vm2, vm14  }
0x26f: {  	vm14 =	veq.f32 v6, v9;
	v3 =	vsel vm2, $0xBF800000, v3;
	v10 =	vsel vm0, $0xFFFFFFFF, v16  }
0x270: {  	vm15 =	vmneg vm1;
	vm1 =	vmor vm3, vm1;
	v4 =	vsel vm0, $0xBF800000, v4  }
0x271: {  	vm13 =	vmneg vm1;
	vm1 =	vmor vm12, vm1;
	vm5 =	vmand vm3, vm15  }
0x272: {  	v17 =	vmax.f32 v3, v4;
	vm3 =	vmand vm12, vm13;
	vm15 =	vmor vm14, vm1  }
0x273: {  	vm1 =	vmneg vm1;
	vm12 =	veq.f32 v7, v9;
	v5 =	vsel vm5, $0xBF800000, v5  }
0x274: {  	vm13 =	vmneg vm15;
	vm4 =	vmand vm14, vm1;
	vm7 =	vmor vm12, vm15  }
0x275: {  	[tilespmem:$0x1FE90] =	vst v10;
	vm14 =	veq.f32 v8, v9;
	v2 =	vsel vm3, $0xBF800000, v2;
	v10 =	vmax.f32 v17, v5  }
0x276: {  	v18 =	vld.idx.msk [tilespmem:v62+s2+$0x0], $0xffff;
	vm15 =	vne.f32 v1, v9;
	vm1 =	vmand vm12, vm13;
	vm6 =	vmneg vm7  }
0x277: {  	v6 =	vsel vm4, $0xBF800000, v6;
	v10 =	vmax.f32 v10, v2;
	vm8 =	vmor vm14, vm15  }
0x278: {  	vm6 =	vmand vm14, vm6;
	v7 =	vsel vm1, $0xBF800000, v7;
	v10 =	vmax.f32 v10, v6  }
0x279: {  	vm7 =	vmor vm8, vm7;
	v8 =	vsel vm6, $0xBF800000, v8;
	v10 =	vmax.f32 v10, v7  }
0x27a: {  	v1 =	vnsel vm7, $0xBF800000, v1;
	v10 =	vmax.f32 v10, v8  }
0x27b: {  	v11 =	vsub.f32 $0.0e+00, v18;
	v10 =	vmax.f32 v10, v1  }
0x27c: {  	v19 =	vadd.f32 v10, v9  }
0x27d: {  	v11 =	vmul.f32 $1.442695020e+00, v11  }
0x27e: {  	(erf) = vrcp.f32 v19  }
0x27f: {  	(erf) = vpow2.f32 v11;
	_ =	sdelay $0x7  }
0x280: {  	vm8 =	veq.f32 v3, v10;
	vm12 =	veq.f32 v2, v10;
	v2 =	vpop (erf)  }
0x281: {  	vm9 =	veq.f32 v4, v10;
	vm10 =	vne.f32 v3, v10;
	v3 =	vpop (erf);
	v12 =	vmul.f32 v2, v10  }
0x282: {  	vm11 =	vmor vm8, vm9;
	v2 =	vmul.f32 v2, v9;
	v3 =	vadd.f32 $1.000000000e+00, v3  }
0x283: {  	vm0 =	veq.f32 v5, v10;
	vm15 =	vmneg vm11;
	v13 =	vnsel vm8, $0x0, v12  }
0x284: {  	vm11 =	vmor vm0, vm11;
	(erf) = vrcp.f32 v3;
	v3 =	vsel vm2, v2, v13  }
0x285: {  	vm9 =	vmand vm9, vm10;
	vm10 =	vmand vm0, vm15;
	vm0 =	vmneg vm11;
	[tilespmem:v54+s7+$0x0] =	vst.idx.msk $0xffff, v3;
	v3 =	vld [tilespmem:$0x1FE90]  }
0x286: {  	vm11 =	vmor vm12, vm11;
	vm13 =	vmand vm12, vm0;
	vm12 =	veq.f32 v6, v10  }
0x287: {  	vm14 =	vmneg vm11;
	vm11 =	vmor vm12, vm11  }
0x288: {  	vm15 =	veq.f32 v7, v10;
	vm0 =	vmneg vm11  }
0x289: {  	vm12 =	vmand vm12, vm14;
	vm11 =	vmor vm15, vm11;
	vm0 =	vmand vm15, vm0  }
0x28a: {  	vm15 =	vmneg vm11;
	v14 =	vnsel vm9, $0x0, v12;
	vm14 =	vnez.u8 v3  }
0x28b: {  	vm8 =	veq.f32 v8, v10;
	v15 =	vnsel vm10, $0x0, v12;
	v3 =	vsel vm14, v2, v14  }
0x28c: {  	v16 =	vnsel vm13, $0x0, v12;
	vm2 =	vmand vm8, vm15;
	[tilespmem:v55+s7+$0x0] =	vst.idx.msk $0xffff, v3;
	v3 =	vsel vm5, v2, v15  }
0x28d: {  	vm15 =	vne.f32 v1, v10;
	v1 =	vsel vm3, v2, v16;
	[tilespmem:v56+s7+$0x0] =	vst.idx.msk $0xffff, v3;
	v3 =	vnsel vm12, $0x0, v12  }
0x28e: {  	vm9 =	vmor vm8, vm15;
	[tilespmem:v57+s7+$0x0] =	vst.idx.msk $0xffff, v1;
	v1 =	vsel vm4, v2, v3;
	v3 =	vnsel vm0, $0x0, v12  }
0x28f: {  	vm10 =	vmor vm9, vm11;
	[tilespmem:v58+s7+$0x0] =	vst.idx.msk $0xffff, v1;
	v1 =	vsel vm1, v2, v3;
	v3 =	vnsel vm2, $0x0, v12  }
0x290: {  	[tilespmem:v59+s7+$0x0] =	vst.idx.msk $0xffff, v1;
	v1 =	vsel vm6, v2, v3;
	v3 =	vsel vm10, $0x0, v12  }
0x291: {  	[tilespmem:v60+s7+$0x0] =	vst.idx.msk $0xffff, v1;
	v1 =	vsel vm7, v3, v2  }
0x292: {  	v7 =	vadd.s32 $0x3F1, v0  }
0x293: {  	v6 =	vadd.s32 $0x3F2, v0  }
0x294: {  	v5 =	vadd.s32 $0x3F3, v0;
	[tilespmem:v61+s7+$0x0] =	vst.idx.msk $0xffff, v1;
	v1 =	vpop (erf)  }
0x295: {  	v3 =	vadd.s32 $0x3F4, v0;
	[tilespmem:v62+s7+$0x0] =	vst.idx.msk $0xffff, v1  }
0x296: {  	v1 =	vadd.s32 $0x3F5, v0;
	v8 =	vld.idx.msk [tilespmem:v63+s2+$0x0], $0xffff  }
0x297: {  	v2 =	vadd.s32 $0x3F6, v0;
	v9 =	vld.idx.msk [tilespmem:v7+s2+$0x0], $0xffff  }
0x298: {  	v4 =	vadd.s32 $0x3F7, v0;
	v10 =	vld.idx.msk [tilespmem:v6+s2+$0x0], $0xffff  }
0x299: {  	v11 =	vld.idx.msk [tilespmem:v5+s2+$0x0], $0xffff  }
0x29a: {  	v12 =	vld.idx.msk [tilespmem:v3+s2+$0x0], $0xffff  }
0x29b: {  	v13 =	vld.idx.msk [tilespmem:v1+s2+$0x0], $0xffff  }
0x29c: {  	v14 =	vld.idx.msk [tilespmem:v2+s2+$0x0], $0xffff;
	v15 =	vmax.f32 v8, v9  }
0x29d: {  	v16 =	vld.idx.msk [tilespmem:v4+s2+$0x0], $0xffff;
	v15 =	vmax.f32 v15, v10  }
0x29e: {  	v15 =	vmax.f32 v15, v11  }
0x29f: {  	v15 =	vmax.f32 v15, v12  }
0x2a0: {  	v15 =	vmax.f32 v15, v13  }
0x2a1: {  	v15 =	vmax.f32 v15, v14  }
0x2a2: {  	v15 =	vmax.f32 v15, v16  }
0x2a3: {  	v8 =	vsub.f32 v8, v15  }
0x2a4: {  	v9 =	vsub.f32 v9, v15  }
0x2a5: {  	v8 =	vmul.f32 $1.442695020e+00, v8  }
0x2a6: {  	v10 =	vsub.f32 v10, v15;
	v9 =	vmul.f32 $1.442695020e+00, v9  }
0x2a7: {  	(erf) = vpow2.f32 v8  }
0x2a8: {  	v18 =	vsub.f32 v11, v15;
	v17 =	vmul.f32 $1.442695020e+00, v10;
	(erf) = vpow2.f32 v9;
	_ =	sdelay $0x1  }
0x2a9: {  	v19 =	vmul.f32 $1.442695020e+00, v18;
	(erf) = vpow2.f32 v17;
	v17 =	vsub.f32 v12, v15;
	_ =	sdelay $0x1  }
0x2aa: {  	(erf) = vpow2.f32 v19;
	v19 =	vsub.f32 v13, v15;
	v18 =	vmul.f32 $1.442695020e+00, v17;
	_ =	sdelay $0x1  }
0x2ab: {  	v13 =	vsub.f32 v14, v15;
	v12 =	vmul.f32 $1.442695020e+00, v19;
	(erf) = vpow2.f32 v18;
	_ =	sdelay $0x1  }
0x2ac: {  	v16 =	vsub.f32 v16, v15;
	v14 =	vmul.f32 $1.442695020e+00, v13;
	v10 =	vpop (erf);
	(erf) = vpow2.f32 v12  }
0x2ad: {  	v11 =	vpop (erf)  }
0x2ae: {  	v17 =	vmul.f32 $1.442695020e+00, v16;
	(erf) = vpow2.f32 v14;
	v18 =	vadd.f32 v11, v10  }
0x2af: {  	v12 =	vpop (erf)  }
0x2b0: {  	(erf) = vpow2.f32 v17;
	v19 =	vadd.f32 v18, v12  }
0x2b1: {  	v9 =	vpop (erf)  }
0x2b2: {  	v8 =	vadd.f32 v19, v9  }
0x2b3: {  	v13 =	vpop (erf)  }
0x2b4: {  	v8 =	vadd.f32 v8, v13  }
0x2b5: {  	v14 =	vpop (erf)  }
0x2b6: {  	v8 =	vadd.f32 v8, v14  }
0x2b7: {  	v15 =	vpop (erf)  }
0x2b8: {  	v8 =	vadd.f32 v8, v15  }
0x2b9: {  	v16 =	vpop (erf)  }
0x2ba: {  	v8 =	vadd.f32 v8, v16;
	_ =	sdelay $0x1  }
0x2bb: {  	(erf) = vrcp.f32 v8;
	_ =	sdelay $0x8  }
0x2bc: {  	v8 =	vpop (erf)  }
0x2bd: {  	v10 =	vmul.f32 v8, v10;
	v11 =	vmul.f32 v8, v11  }
0x2be: {  	v12 =	vmul.f32 v8, v12  }
0x2bf: {  	v9 =	vmul.f32 v8, v9;
	v17 =	vmax.f32 v10, v11  }
0x2c0: {  	v13 =	vmul.f32 v8, v13;
	v17 =	vmax.f32 v17, v12  }
0x2c1: {  	v14 =	vmul.f32 v8, v14;
	v17 =	vmax.f32 v17, v9  }
0x2c2: {  	v15 =	vmul.f32 v8, v15;
	v17 =	vmax.f32 v17, v13  }
0x2c3: {  	v8 =	vmul.f32 v8, v16;
	v16 =	vmax.f32 v17, v14  }
0x2c4: {  	v16 =	vmax.f32 v16, v15  }
0x2c5: {  	v16 =	vmax.f32 v16, v8  }
0x2c6: {  	v18 =	vimm.s32 $0x0;
	v17 =	vadd.s32 $0x3F8, v0;
	vm1 =	veq.f32 v10, v16  }
0x2c7: {  	vm11 =	vne.f32 v10, v16;
	vm12 =	veq.f32 v11, v16;
	vm3 =	veq.f32 v12, v16  }
0x2c8: {  	vm15 =	veq.f32 v9, v16;
	vm2 =	vmand vm12, vm11;
	vm13 =	vmor vm1, vm12  }
0x2c9: {  	v10 =	vsel vm1, $0xBF800000, v10;
	vm14 =	vmneg vm13;
	vm0 =	vmor vm3, vm13  }
0x2ca: {  	vm13 =	veq.f32 v13, v16;
	vm12 =	vmneg vm0;
	vm0 =	vmor vm15, vm0  }
0x2cb: {  	vm6 =	vmand vm3, vm14;
	vm4 =	vmand vm15, vm12;
	vm14 =	vmor vm13, vm0  }
0x2cc: {  	vm0 =	vmneg vm0;
	vm15 =	veq.f32 v14, v16;
	vm12 =	vmneg vm14  }
0x2cd: {  	v11 =	vsel vm2, $0xBF800000, v11;
	vm3 =	vmand vm13, vm0;
	vm13 =	vmand vm15, vm12  }
0x2ce: {  	v12 =	vsel vm6, $0xBF800000, v12;
	vm7 =	vmor vm15, vm14;
	v18 =	vsel vm13, $0xFFFFFFFF, v18  }
0x2cf: {  	vm14 =	veq.f32 v15, v16;
	v9 =	vsel vm4, $0xBF800000, v9;
	[tilespmem:$0x1FEA0] =	vst v18;
	v18 =	vmax.f32 v10, v11  }
0x2d0: {  	v19 =	vld.idx.msk [tilespmem:v17+s2+$0x0], $0xffff;
	vm5 =	vmneg vm7;
	vm15 =	vne.f32 v8, v16;
	v18 =	vmax.f32 v18, v12  }
0x2d1: {  	v13 =	vsel vm3, $0xBF800000, v13;
	vm5 =	vmand vm14, vm5;
	v18 =	vmax.f32 v18, v9  }
0x2d2: {  	vm8 =	vmor vm14, vm15;
	v14 =	vsel vm13, $0xBF800000, v14;
	v18 =	vmax.f32 v18, v13  }
0x2d3: {  	vm7 =	vmor vm8, vm7;
	v15 =	vsel vm5, $0xBF800000, v15;
	v18 =	vmax.f32 v18, v14  }
0x2d4: {  	v8 =	vnsel vm7, $0xBF800000, v8;
	v18 =	vmax.f32 v18, v15  }
0x2d5: {  	v19 =	vsub.f32 $0.0e+00, v19;
	v18 =	vmax.f32 v18, v8  }
0x2d6: {  	v20 =	vadd.f32 v18, v16  }
0x2d7: {  	v19 =	vmul.f32 $1.442695020e+00, v19  }
0x2d8: {  	(erf) = vrcp.f32 v20  }
0x2d9: {  	(erf) = vpow2.f32 v19;
	_ =	sdelay $0x4  }
0x2da: {  	vm8 =	veq.f32 v11, v18;
	vm9 =	veq.f32 v10, v18  }
0x2db: {  	vm10 =	vne.f32 v10, v18;
	vm0 =	veq.f32 v12, v18;
	vm11 =	vmor vm9, vm8  }
0x2dc: {  	vm12 =	veq.f32 v9, v18;
	vm15 =	vmneg vm11;
	vm11 =	vmor vm0, vm11  }
0x2dd: {  	vm8 =	vmand vm8, vm10;
	vm10 =	vmand vm0, vm15;
	vm0 =	vmneg vm11;
	v12 =	vpop (erf)  }
0x2de: {  	vm11 =	vmor vm12, vm11;
	vm15 =	veq.f32 v14, v18;
	v14 =	vpop (erf);
	v11 =	vmul.f32 v12, v18  }
0x2df: {  	vm13 =	vmand vm12, vm0;
	v9 =	vmul.f32 v12, v16;
	v10 =	vadd.f32 $1.000000000e+00, v14  }
0x2e0: {  	vm12 =	veq.f32 v13, v18;
	vm14 =	vmneg vm11;
	v19 =	vnsel vm9, $0x0, v11  }
0x2e1: {  	v16 =	vnsel vm8, $0x0, v11;
	(erf) = vrcp.f32 v10;
	v10 =	vsel vm1, v9, v19  }
0x2e2: {  	v19 =	vnsel vm10, $0x0, v11;
	v12 =	vsel vm2, v9, v16;
	v16 =	vnsel vm13, $0x0, v11  }
0x2e3: {  	vm11 =	vmor vm12, vm11;
	v13 =	vsel vm6, v9, v19;
	v19 =	vsel vm4, v9, v16;
	v16 =	vld [tilespmem:$0x1FEA0]  }
0x2e4: {  	vm0 =	vmneg vm11  }
0x2e5: {  	vm12 =	vmand vm12, vm14;
	vm11 =	vmor vm15, vm11;
	vm0 =	vmand vm15, vm0;
	[tilespmem:v63+s7+$0x0] =	vst.idx.msk $0xffff, v10  }
0x2e6: {  	vm9 =	veq.f32 v15, v18;
	v15 =	vnsel vm0, $0x0, v11;
	vm13 =	vne.f32 v8, v18;
	[tilespmem:v7+s7+$0x0] =	vst.idx.msk $0xffff, v12  }
0x2e7: {  	vm10 =	vmneg vm11;
	vm1 =	vmor vm9, vm13;
	v12 =	vnsel vm12, $0x0, v11;
	[tilespmem:v6+s7+$0x0] =	vst.idx.msk $0xffff, v13  }
0x2e8: {  	vm14 =	vmor vm1, vm11;
	v14 =	vsel vm3, v9, v12;
	[tilespmem:v5+s7+$0x0] =	vst.idx.msk $0xffff, v19;
	vm15 =	vnez.u8 v16  }
0x2e9: {  	vm2 =	vmand vm9, vm10;
	v19 =	vsel vm14, $0x0, v11;
	[tilespmem:v3+s7+$0x0] =	vst.idx.msk $0xffff, v14;
	v5 =	vsel vm15, v9, v15  }
0x2ea: {  	v18 =	vnsel vm2, $0x0, v11;
	[tilespmem:v1+s7+$0x0] =	vst.idx.msk $0xffff, v5;
	v1 =	vsel vm7, v19, v9  }
0x2eb: {  	v3 =	vsel vm5, v9, v18  }
0x2ec: {  	[tilespmem:v2+s7+$0x0] =	vst.idx.msk $0xffff, v3  }
0x2ed: {  	p0 =	sne.s32 s5, $0x1;
	[tilespmem:v4+s7+$0x0] =	vst.idx.msk $0xffff, v1;
	v1 =	vpop (erf)  }
.Ltmp1:
0x2ee: {  	[tilespmem:v17+s7+$0x0] =	vst.idx.msk $0xffff, v1;
	(pc) =	sbr.rel @p0 .LBB2_2-.Ltmp1, $4  }
0x2ef: {  	[hbm4b:s3+s2] =	stream.linear.scatter [tilespmem:s7], [sflag:$0x1], $0x480, $0x38;
	[tilespmem:$0x900] =	vst v63  }
0x2f0: {  	_ =	swait.ge [sflag:s6], $0x480  }
0x2f1: {  	[sflag:s6] =	ssyncset.done $0x0  }
0x2f2: {  	s5 =	sadd.s32 $0xFFFFFFFF, s5;
	[sflag:s6] =	ssyncadd.s32 $0xFFFFFB80  }
.LBB2_3:
0x2f3: {  	_ =	sfence.sel $0x180000  }
0x2f4: {  	[bflag:$0x0] =	sbarrier.arrive $0xFFFF  }
0x2f5: {  	p0 =	sne.s32 s1, $0x0;
	_ =	strace $0x90000047  }
0x2f6: {  	s0 =	sadd.s32 @!p0 $0x100000, s0;
	[bflag:$0x2] =	sbarrier.arrive $0xFFFF  }
0x2f7: {  	[sflag:s0] =	ssyncadd.tile.s32 @!p0 $0x1;
	_ =	shalt  }
.Lfunc_end2:
_tile_overlayer_lowered:
.L_overlay_start_2:
0x2f8: {  	(tag) =	ssettag $0x2  }
0x2f9: {  	s0 =	rddreg [dreg:$0x0];
	s2 =	stileid.u32  }
0x2fa: {  	s1 =	rddreg [dreg:$0x1];
	p0 =	sne.s32 s2, $0x0  }
0x2fb: {  	s3 =	rddreg [dreg:$0x2];
	[bflag:$0x3] =	sbarrier.arrive $0xFFFF;
	s2 =	simm.s32 @!p0 $0x1C01  }
0x2fc: {  	[timem:s3], [sflag:s2] =	dma.local @!p0 [hbm:s0], s1  }
0x2fd: {  	s0 =	simm.s32 @!p0 $0x1  }
0x2fe: {  	_ =	swait.ge @!p0 [sflag:s0], s1  }
0x2ff: {  	s1 =	ssub.s32 @!p0 $0x0, s1;
	[sflag:s0] =	ssyncset.done @!p0 $0x0  }
0x300: {  	[sflag:s0] =	ssyncadd.s32 @!p0 s1  }
0x301: {  	[bflag:$0x3] =	sbarrier.arrive $0xFFFF  }
0x302: {  	_ =	shalt  }

</sc_bundles>
